<compile_context>
chip_gen: v7x
topology: tpu7x:2x2x1
jax: 0.10.2.dev20260603
libtpu: 0.0.44.dev20260713+nightly
codegen_flags: <defaults>
</compile_context>

<pallas_src>
import functools

import jax
import jax.numpy as jnp
from jax import lax
from jax.experimental import pallas as pl
from jax.experimental.pallas import tpu as pltpu
from jax.experimental.pallas import tpu_sc as plsc

N_A = 5000
N_P = 5000
E_TOT = 320000
D = 128

NPAD = 5120
NT = 16
WIN = 100
EPT = E_TOT // NT
NWIN = EPT // WIN
CHUNKS = list(range(0, WIN - 15, 16)) + ([WIN - 16] if WIN % 16 else [])

DEG_ROWS = NPAD
DSTRIPE = DEG_ROWS // NT

ACH = 256
NPASS = (NPAD // 2) // ACH
ACELLS = (ACH + 1) * NPAD

_f32 = jnp.float32
_i32 = jnp.int32
_bf16 = jnp.bfloat16

_mesh = plsc.VectorSubcoreMesh(core_axis_name="c", subcore_axis_name="s",
                               num_cores=2, num_subcores=16)


@functools.partial(
    pl.kernel,
    out_type=(
        jax.ShapeDtypeStruct((2 * DEG_ROWS,), _f32),
        jax.ShapeDtypeStruct((NPAD * NPAD,), _f32),
    ),
    mesh=_mesh,
    scratch_types=[
        pltpu.VMEM((NWIN, WIN), _i32),
        pltpu.VMEM((4, WIN), _i32),
        pltpu.VMEM((WIN,), _f32),
        pltpu.VMEM((NPAD,), _f32),
        pltpu.VMEM((DSTRIPE,), _f32),
        pltpu.VMEM_SHARED((ACELLS,), _f32),
        pltpu.VMEM_SHARED((DEG_ROWS,), _f32),
        pltpu.SemaphoreType.DMA,
        pltpu.SemaphoreType.DMA,
        pltpu.SemaphoreType.DMA,
        pltpu.SemaphoreType.DMA,
    ],
)
def _sc_build_a(eb_ad, degs, a_out, comb_v, fidx, ones_v, zrow, z_v, chunk,
                deg_sh, cs0, cs1, cs2, cs3):
    cid = lax.axis_index("c")
    sid = lax.axis_index("s")

    for c in CHUNKS:
        ones_v[pl.ds(c, 16)] = jnp.ones((16,), _f32)
    for k in range(DSTRIPE // 16):
        z_v[pl.ds(k * 16, 16)] = jnp.zeros((16,), _f32)

    def zbody(i, carry):
        zrow[pl.ds(16 * i, 16)] = jnp.zeros((16,), _f32)
        return carry

    lax.fori_loop(0, NPAD // 16, zbody, 0)

    dbase = sid * DSTRIPE
    pltpu.sync_copy(z_v, deg_sh.at[pl.ds(dbase, DSTRIPE)])
    pltpu.sync_copy(eb_ad.at[sid], comb_v)

    csems = (cs0, cs1, cs2, cs3)
    rows_per_tile = ACH // NT

    plsc.subcore_barrier()
    use_hi = cid == 0

    def dbody(g, carry):
        for b in range(4):
            w = 4 * g + b

            @pl.when(g > 0)
            def _():
                pltpu.make_async_copy(ones_v, deg_sh.at[fidx.at[b]],
                                      csems[b]).wait()

            for c in CHUNKS:
                v = comb_v[w, pl.ds(c, 16)]
                hi = lax.shift_right_logical(v, 16)
                lo = lax.bitwise_and(v, jnp.int32(0xFFFF))
                fidx[b, pl.ds(c, 16)] = jnp.where(use_hi, hi, lo)
            pltpu.async_copy(ones_v, deg_sh.at[fidx.at[b]], csems[b],
                             add=True)
        return carry

    lax.fori_loop(0, NWIN // 4, dbody, 0)
    for b in range(4):
        pltpu.make_async_copy(ones_v, deg_sh.at[fidx.at[b]], csems[b]).wait()
    plsc.subcore_barrier()
    pltpu.sync_copy(deg_sh.at[pl.ds(dbase, DSTRIPE)], z_v)
    pltpu.sync_copy(z_v, degs.at[pl.ds(cid * DEG_ROWS + dbase, DSTRIPE)])


    def pass_body(p, carry0):
        gbase = cid * (NPAD // 2) + p * ACH
        for k in range(rows_per_tile):
            pltpu.sync_copy(
                zrow, chunk.at[pl.ds((sid * rows_per_tile + k) * NPAD,
                                     NPAD)])
        plsc.subcore_barrier()

        def wbody(g, carry):
            for b in range(4):
                w = 4 * g + b

                @pl.when(g > 0)
                def _():
                    pltpu.make_async_copy(ones_v, chunk.at[fidx.at[b]],
                                          csems[b]).wait()

                for c in CHUNKS:
                    v = comb_v[w, pl.ds(c, 16)]
                    srcv = lax.bitwise_and(v, jnp.int32(0xFFFF))
                    dstv = lax.shift_right_logical(v, 16)
                    rel = dstv - gbase
                    ok = jnp.logical_and(rel >= 0, rel < ACH)
                    rel = jnp.where(ok, rel, ACH)
                    fidx[b, pl.ds(c, 16)] = rel * NPAD + srcv
                pltpu.async_copy(ones_v, chunk.at[fidx.at[b]], csems[b],
                                 add=True)
            return carry

        lax.fori_loop(0, NWIN // 4, wbody, 0)
        for b in range(4):
            pltpu.make_async_copy(ones_v, chunk.at[fidx.at[b]],
                                  csems[b]).wait()
        plsc.subcore_barrier()

        pltpu.sync_copy(
            chunk.at[pl.ds(sid * rows_per_tile * NPAD, rows_per_tile * NPAD)],
            a_out.at[pl.ds((gbase + sid * rows_per_tile) * NPAD,
                           rows_per_tile * NPAD)])
        plsc.subcore_barrier()
        return carry0

    lax.fori_loop(0, NPASS, pass_body, 0)


_GRID = NPAD // ACH


def _rs(d_ref):
    return lax.rsqrt(jnp.maximum(d_ref[...], 1.0))


def _agg_step(a_ref, ya, yp, aggp_s, agga_s):
    i = pl.program_id(0)
    ab = a_ref[...].astype(_f32)
    aggp_s[pl.ds(i * ACH, ACH), :] = jnp.dot(ab, ya,
                                             preferred_element_type=_f32)
    contrib = lax.dot_general(ab, yp[pl.ds(i * ACH, ACH), :],
                              (((0,), (0,)), ((), ())),
                              preferred_element_type=_f32)

    @pl.when(i == 0)
    def _():
        agga_s[...] = contrib

    @pl.when(i > 0)
    def _():
        agga_s[...] = agga_s[...] + contrib


def _mid_epilogue(aggp_s, agga_s, da_ref, dp_ref, ba_ref, wa_ref,
                  bp_ref, wp_ref, yo_ref):
    rs_a = _rs(da_ref)
    rs_p = _rs(dp_ref)
    h_a = jax.nn.relu(agga_s[...] * rs_a + ba_ref[...])
    h_p = jax.nn.relu(aggp_s[...] * rs_p + bp_ref[...])
    yo_ref[0] = jnp.dot(h_a * rs_a, wa_ref[...], preferred_element_type=_f32)
    yo_ref[1] = jnp.dot(h_p * rs_p, wp_ref[...], preferred_element_type=_f32)


def _tc_l1_body(a_ref, xa_ref, xp_ref, da_ref, dp_ref, w1a_ref, w1p_ref,
                ba_ref, wa_ref, bp_ref, wp_ref, yo_ref,
                y_s, aggp_s, agga_s):
    @pl.when(pl.program_id(0) == 0)
    def _():
        y_s[0] = jnp.dot(xa_ref[...] * _rs(da_ref), w1a_ref[...],
                         preferred_element_type=_f32)
        y_s[1] = jnp.dot(xp_ref[...] * _rs(dp_ref), w1p_ref[...],
                         preferred_element_type=_f32)

    _agg_step(a_ref, y_s[0], y_s.at[1], aggp_s, agga_s)

    @pl.when(pl.program_id(0) == _GRID - 1)
    def _():
        _mid_epilogue(aggp_s, agga_s, da_ref, dp_ref, ba_ref, wa_ref,
                      bp_ref, wp_ref, yo_ref)


def _tc_l2_body(a_ref, y_ref, da_ref, dp_ref, ba_ref, wa_ref,
                bp_ref, wp_ref, yo_ref, aggp_s, agga_s):
    _agg_step(a_ref, y_ref[0], y_ref.at[1], aggp_s, agga_s)

    @pl.when(pl.program_id(0) == _GRID - 1)
    def _():
        _mid_epilogue(aggp_s, agga_s, da_ref, dp_ref, ba_ref, wa_ref,
                      bp_ref, wp_ref, yo_ref)


def _tc_l3_body(a_ref, y_ref, da_ref, dp_ref, ba_ref, bp_ref,
                oa_ref, op_ref, aggp_s, agga_s):
    _agg_step(a_ref, y_ref[0], y_ref.at[1], aggp_s, agga_s)

    @pl.when(pl.program_id(0) == _GRID - 1)
    def _():
        oa_ref[...] = agga_s[...] * _rs(da_ref) + ba_ref[...]
        op_ref[...] = aggp_s[...] * _rs(dp_ref) + bp_ref[...]


def _full(shape):
    nd = len(shape)
    return pl.BlockSpec(shape, lambda i, _n=nd: (0,) * _n)


_A_SPEC = pl.BlockSpec((ACH, NPAD), lambda i: (i, 0))
_Y_SPEC = _full((2, NPAD, D))
_D_SPEC = _full((NPAD, 1))
_B_SPEC = _full((1, D))
_W_SPEC = _full((D, D))
_X_SPEC = _full((NPAD, D))

_tc_l1 = pl.pallas_call(
    _tc_l1_body,
    grid=(_GRID,),
    in_specs=[_A_SPEC, _X_SPEC, _X_SPEC, _D_SPEC, _D_SPEC, _W_SPEC, _W_SPEC,
              _B_SPEC, _W_SPEC, _B_SPEC, _W_SPEC],
    out_specs=_Y_SPEC,
    out_shape=jax.ShapeDtypeStruct((2, NPAD, D), _f32),
    scratch_shapes=[pltpu.VMEM((2, NPAD, D), _f32),
                    pltpu.VMEM((NPAD, D), _f32),
                    pltpu.VMEM((NPAD, D), _f32)],
)

_tc_l2 = pl.pallas_call(
    _tc_l2_body,
    grid=(_GRID,),
    in_specs=[_A_SPEC, _Y_SPEC, _D_SPEC, _D_SPEC,
              _B_SPEC, _W_SPEC, _B_SPEC, _W_SPEC],
    out_specs=_Y_SPEC,
    out_shape=jax.ShapeDtypeStruct((2, NPAD, D), _f32),
    scratch_shapes=[pltpu.VMEM((NPAD, D), _f32),
                    pltpu.VMEM((NPAD, D), _f32)],
)

_tc_l3 = pl.pallas_call(
    _tc_l3_body,
    grid=(_GRID,),
    in_specs=[_A_SPEC, _Y_SPEC, _D_SPEC, _D_SPEC, _B_SPEC, _B_SPEC],
    out_specs=[_full((NPAD, D)), _full((NPAD, D))],
    out_shape=(jax.ShapeDtypeStruct((NPAD, D), _f32),
               jax.ShapeDtypeStruct((NPAD, D), _f32)),
    scratch_shapes=[pltpu.VMEM((NPAD, D), _f32),
                    pltpu.VMEM((NPAD, D), _f32)],
)


def kernel(x_author, x_paper, edge_src, edge_dst,
           W1w, b1w, W1b, b1b, W2w, b2w, W2b, b2b, W3w, b3w, W3b, b3b):
    src = edge_src.astype(_i32).reshape(NT, NWIN, WIN)
    dst = edge_dst.astype(_i32).reshape(NT, NWIN, WIN)
    eb_ad = src + (dst << 16)

    degs, a_flat = _sc_build_a(eb_ad)
    deg_p = degs[:DEG_ROWS].reshape(NPAD, 1)
    deg_a = degs[DEG_ROWS:].reshape(NPAD, 1)
    a_mat = a_flat.reshape(NPAD, NPAD)

    xa = jnp.pad(x_author, ((0, NPAD - N_A), (0, 0)))
    xp = jnp.pad(x_paper, ((0, NPAD - N_P), (0, 0)))

    b1w_ = b1w.reshape(1, D)
    b1b_ = b1b.reshape(1, D)
    b2w_ = b2w.reshape(1, D)
    b2b_ = b2b.reshape(1, D)
    b3w_ = b3w.reshape(1, D)
    b3b_ = b3b.reshape(1, D)

    y2 = _tc_l1(a_mat, xa, xp, deg_a, deg_p, W1w, W1b,
                b1b_, W2w, b1w_, W2b)
    y3 = _tc_l2(a_mat, y2, deg_a, deg_p, b2b_, W3w, b2w_, W3b)
    out_a, out_p = _tc_l3(a_mat, y3, deg_a, deg_p, b3b_, b3w_)
    return (out_a[:N_A], out_p[:N_P])

# --- scband reference (transcript-rebuilt; emitter-appended) ---
"""Pipeline reference for scband-rgcn-22522808500866 (READ-ONLY COPY).

The authoritative reference and input builder live on the scoring server;
editing this copy changes nothing except your own understanding.
"""

import jax, jax.numpy as jnp
import numpy as np

N_AUTHOR = 5000
N_PAPER = 5000
E = 320000
IN_DIM = 128
H_DIM = 128
OUT_DIM = 128


def _gconv(x_src, W, b, src, dst, n_src, n_dst):
    # DGL GraphConv with norm='both' on a bipartite relation.
    ones = jnp.ones((src.shape[0],), jnp.float32)
    deg_out = jnp.clip(jnp.zeros((n_src,), jnp.float32).at[src].add(ones), 1.0, None)
    deg_in = jnp.clip(jnp.zeros((n_dst,), jnp.float32).at[dst].add(ones), 1.0, None)
    h = x_src * jax.lax.rsqrt(deg_out)[:, None]
    h = h @ W
    agg = jnp.zeros((n_dst, h.shape[1]), h.dtype).at[dst].add(h[src])
    return agg * jax.lax.rsqrt(deg_in)[:, None] + b


def setup_inputs(seed: int = 0):
    key = jax.random.key(seed)
    ks = jax.random.split(key, 12)

    def w(k, i, o):
        return jax.random.normal(k, (i, o), jnp.float32) * (1.0 / np.sqrt(i))

    return {
        "x_author": jax.random.normal(ks[0], (N_AUTHOR, IN_DIM), jnp.float32),
        "x_paper": jax.random.normal(ks[1], (N_PAPER, IN_DIM), jnp.float32),
        "edge_src": jax.random.randint(ks[2], (E,), 0, N_AUTHOR),
        "edge_dst": jax.random.randint(ks[3], (E,), 0, N_PAPER),
        "W1w": w(ks[4], IN_DIM, H_DIM), "b1w": jnp.zeros((H_DIM,), jnp.float32),
        "W1b": w(ks[5], IN_DIM, H_DIM), "b1b": jnp.zeros((H_DIM,), jnp.float32),
        "W2w": w(ks[6], H_DIM, H_DIM), "b2w": jnp.zeros((H_DIM,), jnp.float32),
        "W2b": w(ks[7], H_DIM, H_DIM), "b2b": jnp.zeros((H_DIM,), jnp.float32),
        "W3w": w(ks[8], H_DIM, OUT_DIM), "b3w": jnp.zeros((OUT_DIM,), jnp.float32),
        "W3b": w(ks[9], H_DIM, OUT_DIM), "b3b": jnp.zeros((OUT_DIM,), jnp.float32),
    }


def reference(x_author, x_paper, edge_src, edge_dst,
              W1w, b1w, W1b, b1b, W2w, b2w, W2b, b2b, W3w, b3w, W3b, b3b):
    # 'writes': author -> paper uses (edge_src, edge_dst)
    # 'written_by': paper -> author is the reverse relation (edge_dst, edge_src)
    # HeteroGraphConv aggregation is trivial: each dst ntype receives exactly one etype.
    # Dropout is omitted (deterministic eval / inference path).
    h_p = jax.nn.relu(_gconv(x_author, W1w, b1w, edge_src, edge_dst, N_AUTHOR, N_PAPER))
    h_a = jax.nn.relu(_gconv(x_paper, W1b, b1b, edge_dst, edge_src, N_PAPER, N_AUTHOR))
    h_p2 = jax.nn.relu(_gconv(h_a, W2w, b2w, edge_src, edge_dst, N_AUTHOR, N_PAPER))
    h_a2 = jax.nn.relu(_gconv(h_p, W2b, b2b, edge_dst, edge_src, N_PAPER, N_AUTHOR))
    out_p = _gconv(h_a2, W3w, b3w, edge_src, edge_dst, N_AUTHOR, N_PAPER)
    out_a = _gconv(h_p2, W3b, b3b, edge_dst, edge_src, N_PAPER, N_AUTHOR)
    return (out_a, out_p)

if __name__ == "__main__":
    import jax
    _d = setup_inputs()
    print(jax.jit(kernel)(*tuple(_d.values())))

</pallas_src>

<mosaic_0001>
#map = affine_map<(d0, d1) -> (0, 0, 0)>
#map1 = affine_map<(d0, d1) -> (0)>
module attributes {stable_mosaic.version = 14 : i64} {
  func.func @_sc_build_a(%arg0: i32, %arg1: i32, %arg2: memref<16x200x100xi32, #tpu.memory_space<hbm>>, %arg3: memref<10240xf32, #tpu.memory_space<hbm>>, %arg4: memref<26214400xf32, #tpu.memory_space<hbm>>, %arg5: memref<200x100xi32, #tpu.memory_space<vmem>>, %arg6: memref<4x100xi32, #tpu.memory_space<vmem>>, %arg7: memref<100xf32, #tpu.memory_space<vmem>>, %arg8: memref<5120xf32, #tpu.memory_space<vmem>>, %arg9: memref<320xf32, #tpu.memory_space<vmem>>, %arg10: memref<1315840xf32, #tpu.memory_space<vmem_shared>>, %arg11: memref<5120xf32, #tpu.memory_space<vmem_shared>>, %arg12: memref<!tpu.dma_semaphore, #tpu.memory_space<semaphore_mem>>, %arg13: memref<!tpu.dma_semaphore, #tpu.memory_space<semaphore_mem>>, %arg14: memref<!tpu.dma_semaphore, #tpu.memory_space<semaphore_mem>>, %arg15: memref<!tpu.dma_semaphore, #tpu.memory_space<semaphore_mem>>) attributes {dimension_semantics = [#tpu.dimension_semantics<core_parallel>, #tpu.dimension_semantics<subcore_parallel>], iteration_bounds = array<i64: 2, 16>, scalar_prefetch = 0 : i64, scratch_operands = 11 : i64, tpu.core_type = #tpu.core_type<sc_vector_subcore>, window_params = [{transform_indices = #map}, {transform_indices = #map1}, {transform_indices = #map1}]} {
    %broadcast_in_dim3A = arith.constant 1.000000e+00 : f32
    %broadcast_in_dim3A_0 = vector.broadcast %broadcast_in_dim3A : f32 to vector<16xf32>
    %swap3A = arith.constant 0 : index
    %swap3A_1 = tpu.vector_load %arg7[%swap3A] {strides = array<i32>} : memref<100xf32, #tpu.memory_space<vmem>>, vector<16xf32>,
    %swap3A_2 = vector.shape_cast %swap3A_1 : vector<16xf32> to vector<16xf32>
    %swap3A_3 = vector.shape_cast %broadcast_in_dim3A_0 : vector<16xf32> to vector<16xf32>
    tpu.vector_store %arg7[%swap3A], %swap3A_3 {strides = array<i32>} : memref<100xf32, #tpu.memory_space<vmem>>, vector<16xf32>,
    %broadcast_in_dim3A_4 = arith.constant 1.000000e+00 : f32
    %broadcast_in_dim3A_5 = vector.broadcast %broadcast_in_dim3A_4 : f32 to vector<16xf32>
    %swap3A_6 = arith.constant 16 : index
    %swap3A_7 = tpu.vector_load %arg7[%swap3A_6] {strides = array<i32>} : memref<100xf32, #tpu.memory_space<vmem>>, vector<16xf32>,
    %swap3A_8 = vector.shape_cast %swap3A_7 : vector<16xf32> to vector<16xf32>
    %swap3A_9 = vector.shape_cast %broadcast_in_dim3A_5 : vector<16xf32> to vector<16xf32>
    tpu.vector_store %arg7[%swap3A_6], %swap3A_9 {strides = array<i32>} : memref<100xf32, #tpu.memory_space<vmem>>, vector<16xf32>,
    %broadcast_in_dim3A_10 = arith.constant 1.000000e+00 : f32
    %broadcast_in_dim3A_11 = vector.broadcast %broadcast_in_dim3A_10 : f32 to vector<16xf32>
    %swap3A_12 = arith.constant 32 : index
    %swap3A_13 = tpu.vector_load %arg7[%swap3A_12] {strides = array<i32>} : memref<100xf32, #tpu.memory_space<vmem>>, vector<16xf32>,
    %swap3A_14 = vector.shape_cast %swap3A_13 : vector<16xf32> to vector<16xf32>
    %swap3A_15 = vector.shape_cast %broadcast_in_dim3A_11 : vector<16xf32> to vector<16xf32>
    tpu.vector_store %arg7[%swap3A_12], %swap3A_15 {strides = array<i32>} : memref<100xf32, #tpu.memory_space<vmem>>, vector<16xf32>,
    %broadcast_in_dim3A_16 = arith.constant 1.000000e+00 : f32
    %broadcast_in_dim3A_17 = vector.broadcast %broadcast_in_dim3A_16 : f32 to vector<16xf32>
    %swap3A_18 = arith.constant 48 : index
    %swap3A_19 = tpu.vector_load %arg7[%swap3A_18] {strides = array<i32>} : memref<100xf32, #tpu.memory_space<vmem>>, vector<16xf32>,
    %swap3A_20 = vector.shape_cast %swap3A_19 : vector<16xf32> to vector<16xf32>
    %swap3A_21 = vector.shape_cast %broadcast_in_dim3A_17 : vector<16xf32> to vector<16xf32>
    tpu.vector_store %arg7[%swap3A_18], %swap3A_21 {strides = array<i32>} : memref<100xf32, #tpu.memory_space<vmem>>, vector<16xf32>,
    %broadcast_in_dim3A_22 = arith.constant 1.000000e+00 : f32
    %broadcast_in_dim3A_23 = vector.broadcast %broadcast_in_dim3A_22 : f32 to vector<16xf32>
    %swap3A_24 = arith.constant 64 : index
    %swap3A_25 = tpu.vector_load %arg7[%swap3A_24] {strides = array<i32>} : memref<100xf32, #tpu.memory_space<vmem>>, vector<16xf32>,
    %swap3A_26 = vector.shape_cast %swap3A_25 : vector<16xf32> to vector<16xf32>
    %swap3A_27 = vector.shape_cast %broadcast_in_dim3A_23 : vector<16xf32> to vector<16xf32>
    tpu.vector_store %arg7[%swap3A_24], %swap3A_27 {strides = array<i32>} : memref<100xf32, #tpu.memory_space<vmem>>, vector<16xf32>,
    %broadcast_in_dim3A_28 = arith.constant 1.000000e+00 : f32
    %broadcast_in_dim3A_29 = vector.broadcast %broadcast_in_dim3A_28 : f32 to vector<16xf32>
    %swap3A_30 = arith.constant 80 : index
    %swap3A_31 = tpu.vector_load %arg7[%swap3A_30] {strides = array<i32>} : memref<100xf32, #tpu.memory_space<vmem>>, vector<16xf32>,
    %swap3A_32 = vector.shape_cast %swap3A_31 : vector<16xf32> to vector<16xf32>
    %swap3A_33 = vector.shape_cast %broadcast_in_dim3A_29 : vector<16xf32> to vector<16xf32>
    tpu.vector_store %arg7[%swap3A_30], %swap3A_33 {strides = array<i32>} : memref<100xf32, #tpu.memory_space<vmem>>, vector<16xf32>,
    %broadcast_in_dim3A_34 = arith.constant 1.000000e+00 : f32
    %broadcast_in_dim3A_35 = vector.broadcast %broadcast_in_dim3A_34 : f32 to vector<16xf32>
    %swap3A_36 = arith.constant 84 : index
    %swap3A_37 = tpu.vector_load %arg7[%swap3A_36] {strides = array<i32>} : memref<100xf32, #tpu.memory_space<vmem>>, vector<16xf32>,
    %swap3A_38 = vector.shape_cast %swap3A_37 : vector<16xf32> to vector<16xf32>
    %swap3A_39 = vector.shape_cast %broadcast_in_dim3A_35 : vector<16xf32> to vector<16xf32>
    tpu.vector_store %arg7[%swap3A_36], %swap3A_39 {strides = array<i32>} : memref<100xf32, #tpu.memory_space<vmem>>, vector<16xf32>,
    %broadcast_in_dim3A_40 = arith.constant 0.000000e+00 : f32
    %broadcast_in_dim3A_41 = vector.broadcast %broadcast_in_dim3A_40 : f32 to vector<16xf32>
    %swap3A_42 = arith.constant 0 : index
    %swap3A_43 = tpu.vector_load %arg9[%swap3A_42] {strides = array<i32>} : memref<320xf32, #tpu.memory_space<vmem>>, vector<16xf32>,
    %swap3A_44 = vector.shape_cast %swap3A_43 : vector<16xf32> to vector<16xf32>
    %swap3A_45 = vector.shape_cast %broadcast_in_dim3A_41 : vector<16xf32> to vector<16xf32>
    tpu.vector_store %arg9[%swap3A_42], %swap3A_45 {strides = array<i32>} : memref<320xf32, #tpu.memory_space<vmem>>, vector<16xf32>,
    %broadcast_in_dim3A_46 = arith.constant 0.000000e+00 : f32
    %broadcast_in_dim3A_47 = vector.broadcast %broadcast_in_dim3A_46 : f32 to vector<16xf32>
    %swap3A_48 = arith.constant 16 : index
    %swap3A_49 = tpu.vector_load %arg9[%swap3A_48] {strides = array<i32>} : memref<320xf32, #tpu.memory_space<vmem>>, vector<16xf32>,
    %swap3A_50 = vector.shape_cast %swap3A_49 : vector<16xf32> to vector<16xf32>
    %swap3A_51 = vector.shape_cast %broadcast_in_dim3A_47 : vector<16xf32> to vector<16xf32>
    tpu.vector_store %arg9[%swap3A_48], %swap3A_51 {strides = array<i32>} : memref<320xf32, #tpu.memory_space<vmem>>, vector<16xf32>,
    %broadcast_in_dim3A_52 = arith.constant 0.000000e+00 : f32
    %broadcast_in_dim3A_53 = vector.broadcast %broadcast_in_dim3A_52 : f32 to vector<16xf32>
    %swap3A_54 = arith.constant 32 : index
    %swap3A_55 = tpu.vector_load %arg9[%swap3A_54] {strides = array<i32>} : memref<320xf32, #tpu.memory_space<vmem>>, vector<16xf32>,
    %swap3A_56 = vector.shape_cast %swap3A_55 : vector<16xf32> to vector<16xf32>
    %swap3A_57 = vector.shape_cast %broadcast_in_dim3A_53 : vector<16xf32> to vector<16xf32>
    tpu.vector_store %arg9[%swap3A_54], %swap3A_57 {strides = array<i32>} : memref<320xf32, #tpu.memory_space<vmem>>, vector<16xf32>,
    %broadcast_in_dim3A_58 = arith.constant 0.000000e+00 : f32
    %broadcast_in_dim3A_59 = vector.broadcast %broadcast_in_dim3A_58 : f32 to vector<16xf32>
    %swap3A_60 = arith.constant 48 : index
    %swap3A_61 = tpu.vector_load %arg9[%swap3A_60] {strides = array<i32>} : memref<320xf32, #tpu.memory_space<vmem>>, vector<16xf32>,
    %swap3A_62 = vector.shape_cast %swap3A_61 : vector<16xf32> to vector<16xf32>
    %swap3A_63 = vector.shape_cast %broadcast_in_dim3A_59 : vector<16xf32> to vector<16xf32>
    tpu.vector_store %arg9[%swap3A_60], %swap3A_63 {strides = array<i32>} : memref<320xf32, #tpu.memory_space<vmem>>, vector<16xf32>,
    %broadcast_in_dim3A_64 = arith.constant 0.000000e+00 : f32
    %broadcast_in_dim3A_65 = vector.broadcast %broadcast_in_dim3A_64 : f32 to vector<16xf32>
    %swap3A_66 = arith.constant 64 : index
    %swap3A_67 = tpu.vector_load %arg9[%swap3A_66] {strides = array<i32>} : memref<320xf32, #tpu.memory_space<vmem>>, vector<16xf32>,
    %swap3A_68 = vector.shape_cast %swap3A_67 : vector<16xf32> to vector<16xf32>
    %swap3A_69 = vector.shape_cast %broadcast_in_dim3A_65 : vector<16xf32> to vector<16xf32>
    tpu.vector_store %arg9[%swap3A_66], %swap3A_69 {strides = array<i32>} : memref<320xf32, #tpu.memory_space<vmem>>, vector<16xf32>,
    %broadcast_in_dim3A_70 = arith.constant 0.000000e+00 : f32
    %broadcast_in_dim3A_71 = vector.broadcast %broadcast_in_dim3A_70 : f32 to vector<16xf32>
    %swap3A_72 = arith.constant 80 : index
    %swap3A_73 = tpu.vector_load %arg9[%swap3A_72] {strides = array<i32>} : memref<320xf32, #tpu.memory_space<vmem>>, vector<16xf32>,
    %swap3A_74 = vector.shape_cast %swap3A_73 : vector<16xf32> to vector<16xf32>
    %swap3A_75 = vector.shape_cast %broadcast_in_dim3A_71 : vector<16xf32> to vector<16xf32>
    tpu.vector_store %arg9[%swap3A_72], %swap3A_75 {strides = array<i32>} : memref<320xf32, #tpu.memory_space<vmem>>, vector<16xf32>,
    %broadcast_in_dim3A_76 = arith.constant 0.000000e+00 : f32
    %broadcast_in_dim3A_77 = vector.broadcast %broadcast_in_dim3A_76 : f32 to vector<16xf32>
    %swap3A_78 = arith.constant 96 : index
    %swap3A_79 = tpu.vector_load %arg9[%swap3A_78] {strides = array<i32>} : memref<320xf32, #tpu.memory_space<vmem>>, vector<16xf32>,
    %swap3A_80 = vector.shape_cast %swap3A_79 : vector<16xf32> to vector<16xf32>
    %swap3A_81 = vector.shape_cast %broadcast_in_dim3A_77 : vector<16xf32> to vector<16xf32>
    tpu.vector_store %arg9[%swap3A_78], %swap3A_81 {strides = array<i32>} : memref<320xf32, #tpu.memory_space<vmem>>, vector<16xf32>,
    %broadcast_in_dim3A_82 = arith.constant 0.000000e+00 : f32
    %broadcast_in_dim3A_83 = vector.broadcast %broadcast_in_dim3A_82 : f32 to vector<16xf32>
    %swap3A_84 = arith.constant 112 : index
    %swap3A_85 = tpu.vector_load %arg9[%swap3A_84] {strides = array<i32>} : memref<320xf32, #tpu.memory_space<vmem>>, vector<16xf32>,
    %swap3A_86 = vector.shape_cast %swap3A_85 : vector<16xf32> to vector<16xf32>
    %swap3A_87 = vector.shape_cast %broadcast_in_dim3A_83 : vector<16xf32> to vector<16xf32>
    tpu.vector_store %arg9[%swap3A_84], %swap3A_87 {strides = array<i32>} : memref<320xf32, #tpu.memory_space<vmem>>, vector<16xf32>,
    %broadcast_in_dim3A_88 = arith.constant 0.000000e+00 : f32
    %broadcast_in_dim3A_89 = vector.broadcast %broadcast_in_dim3A_88 : f32 to vector<16xf32>
    %swap3A_90 = arith.constant 128 : index
    %swap3A_91 = tpu.vector_load %arg9[%swap3A_90] {strides = array<i32>} : memref<320xf32, #tpu.memory_space<vmem>>, vector<16xf32>,
    %swap3A_92 = vector.shape_cast %swap3A_91 : vector<16xf32> to vector<16xf32>
    %swap3A_93 = vector.shape_cast %broadcast_in_dim3A_89 : vector<16xf32> to vector<16xf32>
    tpu.vector_store %arg9[%swap3A_90], %swap3A_93 {strides = array<i32>} : memref<320xf32, #tpu.memory_space<vmem>>, vector<16xf32>,
    %broadcast_in_dim3A_94 = arith.constant 0.000000e+00 : f32
    %broadcast_in_dim3A_95 = vector.broadcast %broadcast_in_dim3A_94 : f32 to vector<16xf32>
    %swap3A_96 = arith.constant 144 : index
    %swap3A_97 = tpu.vector_load %arg9[%swap3A_96] {strides = array<i32>} : memref<320xf32, #tpu.memory_space<vmem>>, vector<16xf32>,
    %swap3A_98 = vector.shape_cast %swap3A_97 : vector<16xf32> to vector<16xf32>
    %swap3A_99 = vector.shape_cast %broadcast_in_dim3A_95 : vector<16xf32> to vector<16xf32>
    tpu.vector_store %arg9[%swap3A_96], %swap3A_99 {strides = array<i32>} : memref<320xf32, #tpu.memory_space<vmem>>, vector<16xf32>,
    %broadcast_in_dim3A_100 = arith.constant 0.000000e+00 : f32
    %broadcast_in_dim3A_101 = vector.broadcast %broadcast_in_dim3A_100 : f32 to vector<16xf32>
    %swap3A_102 = arith.constant 160 : index
    %swap3A_103 = tpu.vector_load %arg9[%swap3A_102] {strides = array<i32>} : memref<320xf32, #tpu.memory_space<vmem>>, vector<16xf32>,
    %swap3A_104 = vector.shape_cast %swap3A_103 : vector<16xf32> to vector<16xf32>
    %swap3A_105 = vector.shape_cast %broadcast_in_dim3A_101 : vector<16xf32> to vector<16xf32>
    tpu.vector_store %arg9[%swap3A_102], %swap3A_105 {strides = array<i32>} : memref<320xf32, #tpu.memory_space<vmem>>, vector<16xf32>,
    %broadcast_in_dim3A_106 = arith.constant 0.000000e+00 : f32
    %broadcast_in_dim3A_107 = vector.broadcast %broadcast_in_dim3A_106 : f32 to vector<16xf32>
    %swap3A_108 = arith.constant 176 : index
    %swap3A_109 = tpu.vector_load %arg9[%swap3A_108] {strides = array<i32>} : memref<320xf32, #tpu.memory_space<vmem>>, vector<16xf32>,
    %swap3A_110 = vector.shape_cast %swap3A_109 : vector<16xf32> to vector<16xf32>
    %swap3A_111 = vector.shape_cast %broadcast_in_dim3A_107 : vector<16xf32> to vector<16xf32>
    tpu.vector_store %arg9[%swap3A_108], %swap3A_111 {strides = array<i32>} : memref<320xf32, #tpu.memory_space<vmem>>, vector<16xf32>,
    %broadcast_in_dim3A_112 = arith.constant 0.000000e+00 : f32
    %broadcast_in_dim3A_113 = vector.broadcast %broadcast_in_dim3A_112 : f32 to vector<16xf32>
    %swap3A_114 = arith.constant 192 : index
    %swap3A_115 = tpu.vector_load %arg9[%swap3A_114] {strides = array<i32>} : memref<320xf32, #tpu.memory_space<vmem>>, vector<16xf32>,
    %swap3A_116 = vector.shape_cast %swap3A_115 : vector<16xf32> to vector<16xf32>
    %swap3A_117 = vector.shape_cast %broadcast_in_dim3A_113 : vector<16xf32> to vector<16xf32>
    tpu.vector_store %arg9[%swap3A_114], %swap3A_117 {strides = array<i32>} : memref<320xf32, #tpu.memory_space<vmem>>, vector<16xf32>,
    %broadcast_in_dim3A_118 = arith.constant 0.000000e+00 : f32
    %broadcast_in_dim3A_119 = vector.broadcast %broadcast_in_dim3A_118 : f32 to vector<16xf32>
    %swap3A_120 = arith.constant 208 : index
    %swap3A_121 = tpu.vector_load %arg9[%swap3A_120] {strides = array<i32>} : memref<320xf32, #tpu.memory_space<vmem>>, vector<16xf32>,
    %swap3A_122 = vector.shape_cast %swap3A_121 : vector<16xf32> to vector<16xf32>
    %swap3A_123 = vector.shape_cast %broadcast_in_dim3A_119 : vector<16xf32> to vector<16xf32>
    tpu.vector_store %arg9[%swap3A_120], %swap3A_123 {strides = array<i32>} : memref<320xf32, #tpu.memory_space<vmem>>, vector<16xf32>,
    %broadcast_in_dim3A_124 = arith.constant 0.000000e+00 : f32
    %broadcast_in_dim3A_125 = vector.broadcast %broadcast_in_dim3A_124 : f32 to vector<16xf32>
    %swap3A_126 = arith.constant 224 : index
    %swap3A_127 = tpu.vector_load %arg9[%swap3A_126] {strides = array<i32>} : memref<320xf32, #tpu.memory_space<vmem>>, vector<16xf32>,
    %swap3A_128 = vector.shape_cast %swap3A_127 : vector<16xf32> to vector<16xf32>
    %swap3A_129 = vector.shape_cast %broadcast_in_dim3A_125 : vector<16xf32> to vector<16xf32>
    tpu.vector_store %arg9[%swap3A_126], %swap3A_129 {strides = array<i32>} : memref<320xf32, #tpu.memory_space<vmem>>, vector<16xf32>,
    %broadcast_in_dim3A_130 = arith.constant 0.000000e+00 : f32
    %broadcast_in_dim3A_131 = vector.broadcast %broadcast_in_dim3A_130 : f32 to vector<16xf32>
    %swap3A_132 = arith.constant 240 : index
    %swap3A_133 = tpu.vector_load %arg9[%swap3A_132] {strides = array<i32>} : memref<320xf32, #tpu.memory_space<vmem>>, vector<16xf32>,
    %swap3A_134 = vector.shape_cast %swap3A_133 : vector<16xf32> to vector<16xf32>
    %swap3A_135 = vector.shape_cast %broadcast_in_dim3A_131 : vector<16xf32> to vector<16xf32>
    tpu.vector_store %arg9[%swap3A_132], %swap3A_135 {strides = array<i32>} : memref<320xf32, #tpu.memory_space<vmem>>, vector<16xf32>,
    %broadcast_in_dim3A_136 = arith.constant 0.000000e+00 : f32
    %broadcast_in_dim3A_137 = vector.broadcast %broadcast_in_dim3A_136 : f32 to vector<16xf32>
    %swap3A_138 = arith.constant 256 : index
    %swap3A_139 = tpu.vector_load %arg9[%swap3A_138] {strides = array<i32>} : memref<320xf32, #tpu.memory_space<vmem>>, vector<16xf32>,
    %swap3A_140 = vector.shape_cast %swap3A_139 : vector<16xf32> to vector<16xf32>
    %swap3A_141 = vector.shape_cast %broadcast_in_dim3A_137 : vector<16xf32> to vector<16xf32>
    tpu.vector_store %arg9[%swap3A_138], %swap3A_141 {strides = array<i32>} : memref<320xf32, #tpu.memory_space<vmem>>, vector<16xf32>,
    %broadcast_in_dim3A_142 = arith.constant 0.000000e+00 : f32
    %broadcast_in_dim3A_143 = vector.broadcast %broadcast_in_dim3A_142 : f32 to vector<16xf32>
    %swap3A_144 = arith.constant 272 : index
    %swap3A_145 = tpu.vector_load %arg9[%swap3A_144] {strides = array<i32>} : memref<320xf32, #tpu.memory_space<vmem>>, vector<16xf32>,
    %swap3A_146 = vector.shape_cast %swap3A_145 : vector<16xf32> to vector<16xf32>
    %swap3A_147 = vector.shape_cast %broadcast_in_dim3A_143 : vector<16xf32> to vector<16xf32>
    tpu.vector_store %arg9[%swap3A_144], %swap3A_147 {strides = array<i32>} : memref<320xf32, #tpu.memory_space<vmem>>, vector<16xf32>,
    %broadcast_in_dim3A_148 = arith.constant 0.000000e+00 : f32
    %broadcast_in_dim3A_149 = vector.broadcast %broadcast_in_dim3A_148 : f32 to vector<16xf32>
    %swap3A_150 = arith.constant 288 : index
    %swap3A_151 = tpu.vector_load %arg9[%swap3A_150] {strides = array<i32>} : memref<320xf32, #tpu.memory_space<vmem>>, vector<16xf32>,
    %swap3A_152 = vector.shape_cast %swap3A_151 : vector<16xf32> to vector<16xf32>
    %swap3A_153 = vector.shape_cast %broadcast_in_dim3A_149 : vector<16xf32> to vector<16xf32>
    tpu.vector_store %arg9[%swap3A_150], %swap3A_153 {strides = array<i32>} : memref<320xf32, #tpu.memory_space<vmem>>, vector<16xf32>,
    %broadcast_in_dim3A_154 = arith.constant 0.000000e+00 : f32
    %broadcast_in_dim3A_155 = vector.broadcast %broadcast_in_dim3A_154 : f32 to vector<16xf32>
    %swap3A_156 = arith.constant 304 : index
    %swap3A_157 = tpu.vector_load %arg9[%swap3A_156] {strides = array<i32>} : memref<320xf32, #tpu.memory_space<vmem>>, vector<16xf32>,
    %swap3A_158 = vector.shape_cast %swap3A_157 : vector<16xf32> to vector<16xf32>
    %swap3A_159 = vector.shape_cast %broadcast_in_dim3A_155 : vector<16xf32> to vector<16xf32>
    tpu.vector_store %arg9[%swap3A_156], %swap3A_159 {strides = array<i32>} : memref<320xf32, #tpu.memory_space<vmem>>, vector<16xf32>,
    %scan3A = arith.constant 0 : i32
    %scan3A_160 = arith.constant 0 : i32
    %scan3A_161 = arith.constant 320 : i32
    %scan3A_162 = arith.addi %scan3A_160, %scan3A_161 : i32
    %scan3A_163 = arith.constant 1 : i32
    scf.for %scan3A_205 = %scan3A_160 to %scan3A_162 step %scan3A_163  : i32 {
      %broadcast_in_dim3A_206 = arith.constant 0.000000e+00 : f32
      %broadcast_in_dim3A_207 = vector.broadcast %broadcast_in_dim3A_206 : f32 to vector<16xf32>
      %mul3A_208 = arith.constant 16 : i32
      %mul3A_209 = arith.muli %mul3A_208, %scan3A_205 : i32
      %swap3A_210 = arith.index_cast %mul3A_209 : i32 to index
      %swap3A_211 = tpu.vector_load %arg8[%swap3A_210] {strides = array<i32>} : memref<5120xf32, #tpu.memory_space<vmem>>, vector<16xf32>,
      %swap3A_212 = vector.shape_cast %swap3A_211 : vector<16xf32> to vector<16xf32>
      %swap3A_213 = vector.shape_cast %broadcast_in_dim3A_207 : vector<16xf32> to vector<16xf32>
      tpu.vector_store %arg8[%swap3A_210], %swap3A_213 {strides = array<i32>} : memref<5120xf32, #tpu.memory_space<vmem>>, vector<16xf32>,
    }
    %scan3A_164 = arith.constant 320 : i32
    %mul3A = arith.constant 320 : i32
    %mul3A_165 = arith.muli %arg1, %mul3A : i32
    "tpu.region"() ({
      %run_scoped3A = tpu.sem_alloc : memref<!tpu.dma_semaphore, #tpu.memory_space<semaphore_mem>>
      %dma_start3A = tpu.memref_slice %arg11[%mul3A_165] : memref<5120xf32, #tpu.memory_space<vmem_shared>> -> memref<320xf32, #tpu.memory_space<vmem_shared>>
      %dma_start3A_205 = tpu.memref_slice %arg11[%mul3A_165] : memref<5120xf32, #tpu.memory_space<vmem_shared>> -> memref<320xf32, #tpu.memory_space<vmem_shared>>
      tpu.enqueue_dma source(%arg9 : memref<320xf32, #tpu.memory_space<vmem>>) target(%dma_start3A_205 : memref<320xf32, #tpu.memory_space<vmem_shared>>) target_semaphore(%run_scoped3A : memref<!tpu.dma_semaphore, #tpu.memory_space<semaphore_mem>>)
      %dma_wait3A_206 = tpu.memref_slice %arg11[%mul3A_165] : memref<5120xf32, #tpu.memory_space<vmem_shared>> -> memref<320xf32, #tpu.memory_space<vmem_shared>>
      %dma_wait3A_207 = tpu.memref_slice %arg11[%mul3A_165] : memref<5120xf32, #tpu.memory_space<vmem_shared>> -> memref<320xf32, #tpu.memory_space<vmem_shared>>
      tpu.wait_dma2 semaphore(%run_scoped3A : memref<!tpu.dma_semaphore, #tpu.memory_space<semaphore_mem>>) src(%arg9 : memref<320xf32, #tpu.memory_space<vmem>>) dst(%dma_wait3A_207 : memref<320xf32, #tpu.memory_space<vmem_shared>>)
      tpu.yield
    }) : () -> ()
    "tpu.region"() ({
      %run_scoped3A = tpu.sem_alloc : memref<!tpu.dma_semaphore, #tpu.memory_space<semaphore_mem>>
      %dma_start3A = arith.constant 0 : i32
      %dma_start3A_205 = arith.constant 0 : i32
      %dma_start3A_206 = tpu.memref_slice %arg2[%arg1, %dma_start3A, %dma_start3A_205] : memref<16x200x100xi32, #tpu.memory_space<hbm>> -> memref<1x200x100xi32, #tpu.memory_space<hbm>>
      %dma_start3A_207 = tpu.memref_squeeze %dma_start3A_206 : memref<1x200x100xi32, #tpu.memory_space<hbm>> -> memref<200x100xi32, #tpu.memory_space<hbm>>
      %dma_start3A_208 = arith.constant 0 : i32
      %dma_start3A_209 = arith.constant 0 : i32
      %dma_start3A_210 = tpu.memref_slice %arg2[%arg1, %dma_start3A_208, %dma_start3A_209] : memref<16x200x100xi32, #tpu.memory_space<hbm>> -> memref<1x200x100xi32, #tpu.memory_space<hbm>>
      %dma_start3A_211 = tpu.memref_squeeze %dma_start3A_210 : memref<1x200x100xi32, #tpu.memory_space<hbm>> -> memref<200x100xi32, #tpu.memory_space<hbm>>
      tpu.enqueue_dma source(%dma_start3A_211 : memref<200x100xi32, #tpu.memory_space<hbm>>) target(%arg5 : memref<200x100xi32, #tpu.memory_space<vmem>>) target_semaphore(%run_scoped3A : memref<!tpu.dma_semaphore, #tpu.memory_space<semaphore_mem>>)
      %dma_wait3A_212 = arith.constant 0 : i32
      %dma_wait3A_213 = arith.constant 0 : i32
      %dma_wait3A_214 = tpu.memref_slice %arg2[%arg1, %dma_wait3A_212, %dma_wait3A_213] : memref<16x200x100xi32, #tpu.memory_space<hbm>> -> memref<1x200x100xi32, #tpu.memory_space<hbm>>
      %dma_wait3A_215 = tpu.memref_squeeze %dma_wait3A_214 : memref<1x200x100xi32, #tpu.memory_space<hbm>> -> memref<200x100xi32, #tpu.memory_space<hbm>>
      %dma_wait3A_216 = arith.constant 0 : i32
      %dma_wait3A_217 = arith.constant 0 : i32
      %dma_wait3A_218 = tpu.memref_slice %arg2[%arg1, %dma_wait3A_216, %dma_wait3A_217] : memref<16x200x100xi32, #tpu.memory_space<hbm>> -> memref<1x200x100xi32, #tpu.memory_space<hbm>>
      %dma_wait3A_219 = tpu.memref_squeeze %dma_wait3A_218 : memref<1x200x100xi32, #tpu.memory_space<hbm>> -> memref<200x100xi32, #tpu.memory_space<hbm>>
      tpu.wait_dma2 semaphore(%run_scoped3A : memref<!tpu.dma_semaphore, #tpu.memory_space<semaphore_mem>>) src(%dma_wait3A_219 : memref<200x100xi32, #tpu.memory_space<hbm>>) dst(%arg5 : memref<200x100xi32, #tpu.memory_space<vmem>>)
      tpu.yield
    }) : () -> ()
    %barrier3A = arith.constant 0 : index
    tpu.barrier barrier_id(%barrier3A)
    %eq3A = arith.constant 0 : i32
    %eq3A_166 = arith.cmpi eq, %arg0, %eq3A : i32
    %scan3A_167 = arith.constant 0 : i32
    %scan3A_168 = arith.constant 0 : i32
    %scan3A_169 = arith.constant 50 : i32
    %scan3A_170 = arith.addi %scan3A_168, %scan3A_169 : i32
    %scan3A_171 = arith.constant 1 : i32
    scf.for %scan3A_205 = %scan3A_168 to %scan3A_170 step %scan3A_171  : i32 {
      %mul3A_206 = arith.constant 4 : i32
      %mul3A_207 = arith.muli %mul3A_206, %scan3A_205 : i32
      %add3A_208 = arith.constant 0 : i32
      %add3A_209 = arith.addi %mul3A_207, %add3A_208 : i32
      %gt3A = arith.constant 0 : i32
      %gt3A_210 = arith.cmpi sgt, %scan3A_205, %gt3A : i32
      %convert_element_type3A = arith.extui %gt3A_210 : i1 to i32
      %cond3A = arith.constant 0 : i32
      %cond3A_211 = arith.cmpi ne, %convert_element_type3A, %cond3A : i32
      scf.if %cond3A_211 {
        %dma_wait3A_734 = arith.constant 0 : i32
        %dma_wait3A_735 = arith.constant 0 : i32
        %dma_wait3A_736 = tpu.memref_slice %arg6[%dma_wait3A_734, %dma_wait3A_735] : memref<4x100xi32, #tpu.memory_space<vmem>> -> memref<1x100xi32, #tpu.memory_space<vmem>>
        %dma_wait3A_737 = tpu.memref_squeeze %dma_wait3A_736 : memref<1x100xi32, #tpu.memory_space<vmem>> -> memref<100xi32, #tpu.memory_space<vmem>>
        %dma_wait3A_738 = arith.constant 0 : i32
        %dma_wait3A_739 = tpu.memref_slice %arg11[%dma_wait3A_738] : memref<5120xf32, #tpu.memory_space<vmem_shared>> -> memref<5120xf32, #tpu.memory_space<vmem_shared>>
        tpu.wait_indirect_dma semaphore(%arg12 : memref<!tpu.dma_semaphore, #tpu.memory_space<semaphore_mem>>) src(%arg7 : memref<100xf32, #tpu.memory_space<vmem>>) dst(%dma_wait3A_739 : memref<5120xf32, #tpu.memory_space<vmem_shared>>)
      } else {
      }
      %get3A = arith.index_cast %add3A_209 : i32 to index
      %get3A_212 = arith.constant 0 : index
      %get3A_213 = tpu.vector_load %arg5[%get3A, %get3A_212] {strides = array<i32>} : memref<200x100xi32, #tpu.memory_space<vmem>>, vector<1x16xi32>,
      %get3A_214 = vector.shape_cast %get3A_213 : vector<1x16xi32> to vector<16xi32>
      %shift_right_logical3A = arith.constant 16 : i32
      %shift_right_logical3A_215 = vector.broadcast %shift_right_logical3A : i32 to vector<16xi32>
      %shift_right_logical3A_216 = arith.shrui %get3A_214, %shift_right_logical3A_215 : vector<16xi32>
      %and3A = arith.constant 65535 : i32
      %and3A_217 = vector.broadcast %and3A : i32 to vector<16xi32>
      %and3A_218 = arith.andi %get3A_214, %and3A_217 : vector<16xi32>
      %select_n3A = arith.select %eq3A_166, %shift_right_logical3A_216, %and3A_218 : vector<16xi32>
      %swap3A_219 = arith.constant 0 : i32
      %swap3A_220 = arith.index_cast %swap3A_219 : i32 to index
      %swap3A_221 = arith.constant 0 : index
      %swap3A_222 = tpu.vector_load %arg6[%swap3A_220, %swap3A_221] {strides = array<i32>} : memref<4x100xi32, #tpu.memory_space<vmem>>, vector<1x16xi32>,
      %swap3A_223 = vector.shape_cast %swap3A_222 : vector<1x16xi32> to vector<16xi32>
      %swap3A_224 = vector.shape_cast %select_n3A : vector<16xi32> to vector<1x16xi32>
      tpu.vector_store %arg6[%swap3A_220, %swap3A_221], %swap3A_224 {strides = array<i32>} : memref<4x100xi32, #tpu.memory_space<vmem>>, vector<1x16xi32>,
      %get3A_225 = arith.index_cast %add3A_209 : i32 to index
      %get3A_226 = arith.constant 16 : index
      %get3A_227 = tpu.vector_load %arg5[%get3A_225, %get3A_226] {strides = array<i32>} : memref<200x100xi32, #tpu.memory_space<vmem>>, vector<1x16xi32>,
      %get3A_228 = vector.shape_cast %get3A_227 : vector<1x16xi32> to vector<16xi32>
      %shift_right_logical3A_229 = arith.constant 16 : i32
      %shift_right_logical3A_230 = vector.broadcast %shift_right_logical3A_229 : i32 to vector<16xi32>
      %shift_right_logical3A_231 = arith.shrui %get3A_228, %shift_right_logical3A_230 : vector<16xi32>
      %and3A_232 = arith.constant 65535 : i32
      %and3A_233 = vector.broadcast %and3A_232 : i32 to vector<16xi32>
      %and3A_234 = arith.andi %get3A_228, %and3A_233 : vector<16xi32>
      %select_n3A_235 = arith.select %eq3A_166, %shift_right_logical3A_231, %and3A_234 : vector<16xi32>
      %swap3A_236 = arith.constant 0 : i32
      %swap3A_237 = arith.index_cast %swap3A_236 : i32 to index
      %swap3A_238 = arith.constant 16 : index
      %swap3A_239 = tpu.vector_load %arg6[%swap3A_237, %swap3A_238] {strides = array<i32>} : memref<4x100xi32, #tpu.memory_space<vmem>>, vector<1x16xi32>,
      %swap3A_240 = vector.shape_cast %swap3A_239 : vector<1x16xi32> to vector<16xi32>
      %swap3A_241 = vector.shape_cast %select_n3A_235 : vector<16xi32> to vector<1x16xi32>
      tpu.vector_store %arg6[%swap3A_237, %swap3A_238], %swap3A_241 {strides = array<i32>} : memref<4x100xi32, #tpu.memory_space<vmem>>, vector<1x16xi32>,
      %get3A_242 = arith.index_cast %add3A_209 : i32 to index
      %get3A_243 = arith.constant 32 : index
      %get3A_244 = tpu.vector_load %arg5[%get3A_242, %get3A_243] {strides = array<i32>} : memref<200x100xi32, #tpu.memory_space<vmem>>, vector<1x16xi32>,
      %get3A_245 = vector.shape_cast %get3A_244 : vector<1x16xi32> to vector<16xi32>
      %shift_right_logical3A_246 = arith.constant 16 : i32
      %shift_right_logical3A_247 = vector.broadcast %shift_right_logical3A_246 : i32 to vector<16xi32>
      %shift_right_logical3A_248 = arith.shrui %get3A_245, %shift_right_logical3A_247 : vector<16xi32>
      %and3A_249 = arith.constant 65535 : i32
      %and3A_250 = vector.broadcast %and3A_249 : i32 to vector<16xi32>
      %and3A_251 = arith.andi %get3A_245, %and3A_250 : vector<16xi32>
      %select_n3A_252 = arith.select %eq3A_166, %shift_right_logical3A_248, %and3A_251 : vector<16xi32>
      %swap3A_253 = arith.constant 0 : i32
      %swap3A_254 = arith.index_cast %swap3A_253 : i32 to index
      %swap3A_255 = arith.constant 32 : index
      %swap3A_256 = tpu.vector_load %arg6[%swap3A_254, %swap3A_255] {strides = array<i32>} : memref<4x100xi32, #tpu.memory_space<vmem>>, vector<1x16xi32>,
      %swap3A_257 = vector.shape_cast %swap3A_256 : vector<1x16xi32> to vector<16xi32>
      %swap3A_258 = vector.shape_cast %select_n3A_252 : vector<16xi32> to vector<1x16xi32>
      tpu.vector_store %arg6[%swap3A_254, %swap3A_255], %swap3A_258 {strides = array<i32>} : memref<4x100xi32, #tpu.memory_space<vmem>>, vector<1x16xi32>,
      %get3A_259 = arith.index_cast %add3A_209 : i32 to index
      %get3A_260 = arith.constant 48 : index
      %get3A_261 = tpu.vector_load %arg5[%get3A_259, %get3A_260] {strides = array<i32>} : memref<200x100xi32, #tpu.memory_space<vmem>>, vector<1x16xi32>,
      %get3A_262 = vector.shape_cast %get3A_261 : vector<1x16xi32> to vector<16xi32>
      %shift_right_logical3A_263 = arith.constant 16 : i32
      %shift_right_logical3A_264 = vector.broadcast %shift_right_logical3A_263 : i32 to vector<16xi32>
      %shift_right_logical3A_265 = arith.shrui %get3A_262, %shift_right_logical3A_264 : vector<16xi32>
      %and3A_266 = arith.constant 65535 : i32
      %and3A_267 = vector.broadcast %and3A_266 : i32 to vector<16xi32>
      %and3A_268 = arith.andi %get3A_262, %and3A_267 : vector<16xi32>
      %select_n3A_269 = arith.select %eq3A_166, %shift_right_logical3A_265, %and3A_268 : vector<16xi32>
      %swap3A_270 = arith.constant 0 : i32
      %swap3A_271 = arith.index_cast %swap3A_270 : i32 to index
      %swap3A_272 = arith.constant 48 : index
      %swap3A_273 = tpu.vector_load %arg6[%swap3A_271, %swap3A_272] {strides = array<i32>} : memref<4x100xi32, #tpu.memory_space<vmem>>, vector<1x16xi32>,
      %swap3A_274 = vector.shape_cast %swap3A_273 : vector<1x16xi32> to vector<16xi32>
      %swap3A_275 = vector.shape_cast %select_n3A_269 : vector<16xi32> to vector<1x16xi32>
      tpu.vector_store %arg6[%swap3A_271, %swap3A_272], %swap3A_275 {strides = array<i32>} : memref<4x100xi32, #tpu.memory_space<vmem>>, vector<1x16xi32>,
      %get3A_276 = arith.index_cast %add3A_209 : i32 to index
      %get3A_277 = arith.constant 64 : index
      %get3A_278 = tpu.vector_load %arg5[%get3A_276, %get3A_277] {strides = array<i32>} : memref<200x100xi32, #tpu.memory_space<vmem>>, vector<1x16xi32>,
      %get3A_279 = vector.shape_cast %get3A_278 : vector<1x16xi32> to vector<16xi32>
      %shift_right_logical3A_280 = arith.constant 16 : i32
      %shift_right_logical3A_281 = vector.broadcast %shift_right_logical3A_280 : i32 to vector<16xi32>
      %shift_right_logical3A_282 = arith.shrui %get3A_279, %shift_right_logical3A_281 : vector<16xi32>
      %and3A_283 = arith.constant 65535 : i32
      %and3A_284 = vector.broadcast %and3A_283 : i32 to vector<16xi32>
      %and3A_285 = arith.andi %get3A_279, %and3A_284 : vector<16xi32>
      %select_n3A_286 = arith.select %eq3A_166, %shift_right_logical3A_282, %and3A_285 : vector<16xi32>
      %swap3A_287 = arith.constant 0 : i32
      %swap3A_288 = arith.index_cast %swap3A_287 : i32 to index
      %swap3A_289 = arith.constant 64 : index
      %swap3A_290 = tpu.vector_load %arg6[%swap3A_288, %swap3A_289] {strides = array<i32>} : memref<4x100xi32, #tpu.memory_space<vmem>>, vector<1x16xi32>,
      %swap3A_291 = vector.shape_cast %swap3A_290 : vector<1x16xi32> to vector<16xi32>
      %swap3A_292 = vector.shape_cast %select_n3A_286 : vector<16xi32> to vector<1x16xi32>
      tpu.vector_store %arg6[%swap3A_288, %swap3A_289], %swap3A_292 {strides = array<i32>} : memref<4x100xi32, #tpu.memory_space<vmem>>, vector<1x16xi32>,
      %get3A_293 = arith.index_cast %add3A_209 : i32 to index
      %get3A_294 = arith.constant 80 : index
      %get3A_295 = tpu.vector_load %arg5[%get3A_293, %get3A_294] {strides = array<i32>} : memref<200x100xi32, #tpu.memory_space<vmem>>, vector<1x16xi32>,
      %get3A_296 = vector.shape_cast %get3A_295 : vector<1x16xi32> to vector<16xi32>
      %shift_right_logical3A_297 = arith.constant 16 : i32
      %shift_right_logical3A_298 = vector.broadcast %shift_right_logical3A_297 : i32 to vector<16xi32>
      %shift_right_logical3A_299 = arith.shrui %get3A_296, %shift_right_logical3A_298 : vector<16xi32>
      %and3A_300 = arith.constant 65535 : i32
      %and3A_301 = vector.broadcast %and3A_300 : i32 to vector<16xi32>
      %and3A_302 = arith.andi %get3A_296, %and3A_301 : vector<16xi32>
      %select_n3A_303 = arith.select %eq3A_166, %shift_right_logical3A_299, %and3A_302 : vector<16xi32>
      %swap3A_304 = arith.constant 0 : i32
      %swap3A_305 = arith.index_cast %swap3A_304 : i32 to index
      %swap3A_306 = arith.constant 80 : index
      %swap3A_307 = tpu.vector_load %arg6[%swap3A_305, %swap3A_306] {strides = array<i32>} : memref<4x100xi32, #tpu.memory_space<vmem>>, vector<1x16xi32>,
      %swap3A_308 = vector.shape_cast %swap3A_307 : vector<1x16xi32> to vector<16xi32>
      %swap3A_309 = vector.shape_cast %select_n3A_303 : vector<16xi32> to vector<1x16xi32>
      tpu.vector_store %arg6[%swap3A_305, %swap3A_306], %swap3A_309 {strides = array<i32>} : memref<4x100xi32, #tpu.memory_space<vmem>>, vector<1x16xi32>,
      %get3A_310 = arith.index_cast %add3A_209 : i32 to index
      %get3A_311 = arith.constant 84 : index
      %get3A_312 = tpu.vector_load %arg5[%get3A_310, %get3A_311] {strides = array<i32>} : memref<200x100xi32, #tpu.memory_space<vmem>>, vector<1x16xi32>,
      %get3A_313 = vector.shape_cast %get3A_312 : vector<1x16xi32> to vector<16xi32>
      %shift_right_logical3A_314 = arith.constant 16 : i32
      %shift_right_logical3A_315 = vector.broadcast %shift_right_logical3A_314 : i32 to vector<16xi32>
      %shift_right_logical3A_316 = arith.shrui %get3A_313, %shift_right_logical3A_315 : vector<16xi32>
      %and3A_317 = arith.constant 65535 : i32
      %and3A_318 = vector.broadcast %and3A_317 : i32 to vector<16xi32>
      %and3A_319 = arith.andi %get3A_313, %and3A_318 : vector<16xi32>
      %select_n3A_320 = arith.select %eq3A_166, %shift_right_logical3A_316, %and3A_319 : vector<16xi32>
      %swap3A_321 = arith.constant 0 : i32
      %swap3A_322 = arith.index_cast %swap3A_321 : i32 to index
      %swap3A_323 = arith.constant 84 : index
      %swap3A_324 = tpu.vector_load %arg6[%swap3A_322, %swap3A_323] {strides = array<i32>} : memref<4x100xi32, #tpu.memory_space<vmem>>, vector<1x16xi32>,
      %swap3A_325 = vector.shape_cast %swap3A_324 : vector<1x16xi32> to vector<16xi32>
      %swap3A_326 = vector.shape_cast %select_n3A_320 : vector<16xi32> to vector<1x16xi32>
      tpu.vector_store %arg6[%swap3A_322, %swap3A_323], %swap3A_326 {strides = array<i32>} : memref<4x100xi32, #tpu.memory_space<vmem>>, vector<1x16xi32>,
      %dma_start3A = arith.constant 0 : i32
      %dma_start3A_327 = arith.constant 0 : i32
      %dma_start3A_328 = tpu.memref_slice %arg6[%dma_start3A, %dma_start3A_327] : memref<4x100xi32, #tpu.memory_space<vmem>> -> memref<1x100xi32, #tpu.memory_space<vmem>>
      %dma_start3A_329 = tpu.memref_squeeze %dma_start3A_328 : memref<1x100xi32, #tpu.memory_space<vmem>> -> memref<100xi32, #tpu.memory_space<vmem>>
      %dma_start3A_330 = arith.constant 0 : i32
      %dma_start3A_331 = tpu.memref_slice %arg11[%dma_start3A_330] : memref<5120xf32, #tpu.memory_space<vmem_shared>> -> memref<5120xf32, #tpu.memory_space<vmem_shared>>
      tpu.enqueue_indirect_dma source(%arg7 : memref<100xf32, #tpu.memory_space<vmem>>) target(%dma_start3A_331 : memref<5120xf32, #tpu.memory_space<vmem_shared>>) offsets(%dma_start3A_329 : memref<100xi32, #tpu.memory_space<vmem>>) semaphore(%arg12 : memref<!tpu.dma_semaphore, #tpu.memory_space<semaphore_mem>>) {add = true}
      %mul3A_332 = arith.constant 4 : i32
      %mul3A_333 = arith.muli %mul3A_332, %scan3A_205 : i32
      %add3A_334 = arith.constant 1 : i32
      %add3A_335 = arith.addi %mul3A_333, %add3A_334 : i32
      %gt3A_336 = arith.constant 0 : i32
      %gt3A_337 = arith.cmpi sgt, %scan3A_205, %gt3A_336 : i32
      %convert_element_type3A_338 = arith.extui %gt3A_337 : i1 to i32
      %cond3A_339 = arith.constant 0 : i32
      %cond3A_340 = arith.cmpi ne, %convert_element_type3A_338, %cond3A_339 : i32
      scf.if %cond3A_340 {
        %dma_wait3A_734 = arith.constant 1 : i32
        %dma_wait3A_735 = arith.constant 0 : i32
        %dma_wait3A_736 = tpu.memref_slice %arg6[%dma_wait3A_734, %dma_wait3A_735] : memref<4x100xi32, #tpu.memory_space<vmem>> -> memref<1x100xi32, #tpu.memory_space<vmem>>
        %dma_wait3A_737 = tpu.memref_squeeze %dma_wait3A_736 : memref<1x100xi32, #tpu.memory_space<vmem>> -> memref<100xi32, #tpu.memory_space<vmem>>
        %dma_wait3A_738 = arith.constant 0 : i32
        %dma_wait3A_739 = tpu.memref_slice %arg11[%dma_wait3A_738] : memref<5120xf32, #tpu.memory_space<vmem_shared>> -> memref<5120xf32, #tpu.memory_space<vmem_shared>>
        tpu.wait_indirect_dma semaphore(%arg13 : memref<!tpu.dma_semaphore, #tpu.memory_space<semaphore_mem>>) src(%arg7 : memref<100xf32, #tpu.memory_space<vmem>>) dst(%dma_wait3A_739 : memref<5120xf32, #tpu.memory_space<vmem_shared>>)
      } else {
      }
      %get3A_341 = arith.index_cast %add3A_335 : i32 to index
      %get3A_342 = arith.constant 0 : index
      %get3A_343 = tpu.vector_load %arg5[%get3A_341, %get3A_342] {strides = array<i32>} : memref<200x100xi32, #tpu.memory_space<vmem>>, vector<1x16xi32>,
      %get3A_344 = vector.shape_cast %get3A_343 : vector<1x16xi32> to vector<16xi32>
      %shift_right_logical3A_345 = arith.constant 16 : i32
      %shift_right_logical3A_346 = vector.broadcast %shift_right_logical3A_345 : i32 to vector<16xi32>
      %shift_right_logical3A_347 = arith.shrui %get3A_344, %shift_right_logical3A_346 : vector<16xi32>
      %and3A_348 = arith.constant 65535 : i32
      %and3A_349 = vector.broadcast %and3A_348 : i32 to vector<16xi32>
      %and3A_350 = arith.andi %get3A_344, %and3A_349 : vector<16xi32>
      %select_n3A_351 = arith.select %eq3A_166, %shift_right_logical3A_347, %and3A_350 : vector<16xi32>
      %swap3A_352 = arith.constant 1 : i32
      %swap3A_353 = arith.index_cast %swap3A_352 : i32 to index
      %swap3A_354 = arith.constant 0 : index
      %swap3A_355 = tpu.vector_load %arg6[%swap3A_353, %swap3A_354] {strides = array<i32>} : memref<4x100xi32, #tpu.memory_space<vmem>>, vector<1x16xi32>,
      %swap3A_356 = vector.shape_cast %swap3A_355 : vector<1x16xi32> to vector<16xi32>
      %swap3A_357 = vector.shape_cast %select_n3A_351 : vector<16xi32> to vector<1x16xi32>
      tpu.vector_store %arg6[%swap3A_353, %swap3A_354], %swap3A_357 {strides = array<i32>} : memref<4x100xi32, #tpu.memory_space<vmem>>, vector<1x16xi32>,
      %get3A_358 = arith.index_cast %add3A_335 : i32 to index
      %get3A_359 = arith.constant 16 : index
      %get3A_360 = tpu.vector_load %arg5[%get3A_358, %get3A_359] {strides = array<i32>} : memref<200x100xi32, #tpu.memory_space<vmem>>, vector<1x16xi32>,
      %get3A_361 = vector.shape_cast %get3A_360 : vector<1x16xi32> to vector<16xi32>
      %shift_right_logical3A_362 = arith.constant 16 : i32
      %shift_right_logical3A_363 = vector.broadcast %shift_right_logical3A_362 : i32 to vector<16xi32>
      %shift_right_logical3A_364 = arith.shrui %get3A_361, %shift_right_logical3A_363 : vector<16xi32>
      %and3A_365 = arith.constant 65535 : i32
      %and3A_366 = vector.broadcast %and3A_365 : i32 to vector<16xi32>
      %and3A_367 = arith.andi %get3A_361, %and3A_366 : vector<16xi32>
      %select_n3A_368 = arith.select %eq3A_166, %shift_right_logical3A_364, %and3A_367 : vector<16xi32>
      %swap3A_369 = arith.constant 1 : i32
      %swap3A_370 = arith.index_cast %swap3A_369 : i32 to index
      %swap3A_371 = arith.constant 16 : index
      %swap3A_372 = tpu.vector_load %arg6[%swap3A_370, %swap3A_371] {strides = array<i32>} : memref<4x100xi32, #tpu.memory_space<vmem>>, vector<1x16xi32>,
      %swap3A_373 = vector.shape_cast %swap3A_372 : vector<1x16xi32> to vector<16xi32>
      %swap3A_374 = vector.shape_cast %select_n3A_368 : vector<16xi32> to vector<1x16xi32>
      tpu.vector_store %arg6[%swap3A_370, %swap3A_371], %swap3A_374 {strides = array<i32>} : memref<4x100xi32, #tpu.memory_space<vmem>>, vector<1x16xi32>,
      %get3A_375 = arith.index_cast %add3A_335 : i32 to index
      %get3A_376 = arith.constant 32 : index
      %get3A_377 = tpu.vector_load %arg5[%get3A_375, %get3A_376] {strides = array<i32>} : memref<200x100xi32, #tpu.memory_space<vmem>>, vector<1x16xi32>,
      %get3A_378 = vector.shape_cast %get3A_377 : vector<1x16xi32> to vector<16xi32>
      %shift_right_logical3A_379 = arith.constant 16 : i32
      %shift_right_logical3A_380 = vector.broadcast %shift_right_logical3A_379 : i32 to vector<16xi32>
      %shift_right_logical3A_381 = arith.shrui %get3A_378, %shift_right_logical3A_380 : vector<16xi32>
      %and3A_382 = arith.constant 65535 : i32
      %and3A_383 = vector.broadcast %and3A_382 : i32 to vector<16xi32>
      %and3A_384 = arith.andi %get3A_378, %and3A_383 : vector<16xi32>
      %select_n3A_385 = arith.select %eq3A_166, %shift_right_logical3A_381, %and3A_384 : vector<16xi32>
      %swap3A_386 = arith.constant 1 : i32
      %swap3A_387 = arith.index_cast %swap3A_386 : i32 to index
      %swap3A_388 = arith.constant 32 : index
      %swap3A_389 = tpu.vector_load %arg6[%swap3A_387, %swap3A_388] {strides = array<i32>} : memref<4x100xi32, #tpu.memory_space<vmem>>, vector<1x16xi32>,
      %swap3A_390 = vector.shape_cast %swap3A_389 : vector<1x16xi32> to vector<16xi32>
      %swap3A_391 = vector.shape_cast %select_n3A_385 : vector<16xi32> to vector<1x16xi32>
      tpu.vector_store %arg6[%swap3A_387, %swap3A_388], %swap3A_391 {strides = array<i32>} : memref<4x100xi32, #tpu.memory_space<vmem>>, vector<1x16xi32>,
      %get3A_392 = arith.index_cast %add3A_335 : i32 to index
      %get3A_393 = arith.constant 48 : index
      %get3A_394 = tpu.vector_load %arg5[%get3A_392, %get3A_393] {strides = array<i32>} : memref<200x100xi32, #tpu.memory_space<vmem>>, vector<1x16xi32>,
      %get3A_395 = vector.shape_cast %get3A_394 : vector<1x16xi32> to vector<16xi32>
      %shift_right_logical3A_396 = arith.constant 16 : i32
      %shift_right_logical3A_397 = vector.broadcast %shift_right_logical3A_396 : i32 to vector<16xi32>
      %shift_right_logical3A_398 = arith.shrui %get3A_395, %shift_right_logical3A_397 : vector<16xi32>
      %and3A_399 = arith.constant 65535 : i32
      %and3A_400 = vector.broadcast %and3A_399 : i32 to vector<16xi32>
      %and3A_401 = arith.andi %get3A_395, %and3A_400 : vector<16xi32>
      %select_n3A_402 = arith.select %eq3A_166, %shift_right_logical3A_398, %and3A_401 : vector<16xi32>
      %swap3A_403 = arith.constant 1 : i32
      %swap3A_404 = arith.index_cast %swap3A_403 : i32 to index
      %swap3A_405 = arith.constant 48 : index
      %swap3A_406 = tpu.vector_load %arg6[%swap3A_404, %swap3A_405] {strides = array<i32>} : memref<4x100xi32, #tpu.memory_space<vmem>>, vector<1x16xi32>,
      %swap3A_407 = vector.shape_cast %swap3A_406 : vector<1x16xi32> to vector<16xi32>
      %swap3A_408 = vector.shape_cast %select_n3A_402 : vector<16xi32> to vector<1x16xi32>
      tpu.vector_store %arg6[%swap3A_404, %swap3A_405], %swap3A_408 {strides = array<i32>} : memref<4x100xi32, #tpu.memory_space<vmem>>, vector<1x16xi32>,
      %get3A_409 = arith.index_cast %add3A_335 : i32 to index
      %get3A_410 = arith.constant 64 : index
      %get3A_411 = tpu.vector_load %arg5[%get3A_409, %get3A_410] {strides = array<i32>} : memref<200x100xi32, #tpu.memory_space<vmem>>, vector<1x16xi32>,
      %get3A_412 = vector.shape_cast %get3A_411 : vector<1x16xi32> to vector<16xi32>
      %shift_right_logical3A_413 = arith.constant 16 : i32
      %shift_right_logical3A_414 = vector.broadcast %shift_right_logical3A_413 : i32 to vector<16xi32>
      %shift_right_logical3A_415 = arith.shrui %get3A_412, %shift_right_logical3A_414 : vector<16xi32>
      %and3A_416 = arith.constant 65535 : i32
      %and3A_417 = vector.broadcast %and3A_416 : i32 to vector<16xi32>
      %and3A_418 = arith.andi %get3A_412, %and3A_417 : vector<16xi32>
      %select_n3A_419 = arith.select %eq3A_166, %shift_right_logical3A_415, %and3A_418 : vector<16xi32>
      %swap3A_420 = arith.constant 1 : i32
      %swap3A_421 = arith.index_cast %swap3A_420 : i32 to index
      %swap3A_422 = arith.constant 64 : index
      %swap3A_423 = tpu.vector_load %arg6[%swap3A_421, %swap3A_422] {strides = array<i32>} : memref<4x100xi32, #tpu.memory_space<vmem>>, vector<1x16xi32>,
      %swap3A_424 = vector.shape_cast %swap3A_423 : vector<1x16xi32> to vector<16xi32>
      %swap3A_425 = vector.shape_cast %select_n3A_419 : vector<16xi32> to vector<1x16xi32>
      tpu.vector_store %arg6[%swap3A_421, %swap3A_422], %swap3A_425 {strides = array<i32>} : memref<4x100xi32, #tpu.memory_space<vmem>>, vector<1x16xi32>,
      %get3A_426 = arith.index_cast %add3A_335 : i32 to index
      %get3A_427 = arith.constant 80 : index
      %get3A_428 = tpu.vector_load %arg5[%get3A_426, %get3A_427] {strides = array<i32>} : memref<200x100xi32, #tpu.memory_space<vmem>>, vector<1x16xi32>,
      %get3A_429 = vector.shape_cast %get3A_428 : vector<1x16xi32> to vector<16xi32>
      %shift_right_logical3A_430 = arith.constant 16 : i32
      %shift_right_logical3A_431 = vector.broadcast %shift_right_logical3A_430 : i32 to vector<16xi32>
      %shift_right_logical3A_432 = arith.shrui %get3A_429, %shift_right_logical3A_431 : vector<16xi32>
      %and3A_433 = arith.constant 65535 : i32
      %and3A_434 = vector.broadcast %and3A_433 : i32 to vector<16xi32>
      %and3A_435 = arith.andi %get3A_429, %and3A_434 : vector<16xi32>
      %select_n3A_436 = arith.select %eq3A_166, %shift_right_logical3A_432, %and3A_435 : vector<16xi32>
      %swap3A_437 = arith.constant 1 : i32
      %swap3A_438 = arith.index_cast %swap3A_437 : i32 to index
      %swap3A_439 = arith.constant 80 : index
      %swap3A_440 = tpu.vector_load %arg6[%swap3A_438, %swap3A_439] {strides = array<i32>} : memref<4x100xi32, #tpu.memory_space<vmem>>, vector<1x16xi32>,
      %swap3A_441 = vector.shape_cast %swap3A_440 : vector<1x16xi32> to vector<16xi32>
      %swap3A_442 = vector.shape_cast %select_n3A_436 : vector<16xi32> to vector<1x16xi32>
      tpu.vector_store %arg6[%swap3A_438, %swap3A_439], %swap3A_442 {strides = array<i32>} : memref<4x100xi32, #tpu.memory_space<vmem>>, vector<1x16xi32>,
      %get3A_443 = arith.index_cast %add3A_335 : i32 to index
      %get3A_444 = arith.constant 84 : index
      %get3A_445 = tpu.vector_load %arg5[%get3A_443, %get3A_444] {strides = array<i32>} : memref<200x100xi32, #tpu.memory_space<vmem>>, vector<1x16xi32>,
      %get3A_446 = vector.shape_cast %get3A_445 : vector<1x16xi32> to vector<16xi32>
      %shift_right_logical3A_447 = arith.constant 16 : i32
      %shift_right_logical3A_448 = vector.broadcast %shift_right_logical3A_447 : i32 to vector<16xi32>
      %shift_right_logical3A_449 = arith.shrui %get3A_446, %shift_right_logical3A_448 : vector<16xi32>
      %and3A_450 = arith.constant 65535 : i32
      %and3A_451 = vector.broadcast %and3A_450 : i32 to vector<16xi32>
      %and3A_452 = arith.andi %get3A_446, %and3A_451 : vector<16xi32>
      %select_n3A_453 = arith.select %eq3A_166, %shift_right_logical3A_449, %and3A_452 : vector<16xi32>
      %swap3A_454 = arith.constant 1 : i32
      %swap3A_455 = arith.index_cast %swap3A_454 : i32 to index
      %swap3A_456 = arith.constant 84 : index
      %swap3A_457 = tpu.vector_load %arg6[%swap3A_455, %swap3A_456] {strides = array<i32>} : memref<4x100xi32, #tpu.memory_space<vmem>>, vector<1x16xi32>,
      %swap3A_458 = vector.shape_cast %swap3A_457 : vector<1x16xi32> to vector<16xi32>
      %swap3A_459 = vector.shape_cast %select_n3A_453 : vector<16xi32> to vector<1x16xi32>
      tpu.vector_store %arg6[%swap3A_455, %swap3A_456], %swap3A_459 {strides = array<i32>} : memref<4x100xi32, #tpu.memory_space<vmem>>, vector<1x16xi32>,
      %dma_start3A_460 = arith.constant 1 : i32
      %dma_start3A_461 = arith.constant 0 : i32
      %dma_start3A_462 = tpu.memref_slice %arg6[%dma_start3A_460, %dma_start3A_461] : memref<4x100xi32, #tpu.memory_space<vmem>> -> memref<1x100xi32, #tpu.memory_space<vmem>>
      %dma_start3A_463 = tpu.memref_squeeze %dma_start3A_462 : memref<1x100xi32, #tpu.memory_space<vmem>> -> memref<100xi32, #tpu.memory_space<vmem>>
      %dma_start3A_464 = arith.constant 0 : i32
      %dma_start3A_465 = tpu.memref_slice %arg11[%dma_start3A_464] : memref<5120xf32, #tpu.memory_space<vmem_shared>> -> memref<5120xf32, #tpu.memory_space<vmem_shared>>
      tpu.enqueue_indirect_dma source(%arg7 : memref<100xf32, #tpu.memory_space<vmem>>) target(%dma_start3A_465 : memref<5120xf32, #tpu.memory_space<vmem_shared>>) offsets(%dma_start3A_463 : memref<100xi32, #tpu.memory_space<vmem>>) semaphore(%arg13 : memref<!tpu.dma_semaphore, #tpu.memory_space<semaphore_mem>>) {add = true}
      %mul3A_466 = arith.constant 4 : i32
      %mul3A_467 = arith.muli %mul3A_466, %scan3A_205 : i32
      %add3A_468 = arith.constant 2 : i32
      %add3A_469 = arith.addi %mul3A_467, %add3A_468 : i32
      %gt3A_470 = arith.constant 0 : i32
      %gt3A_471 = arith.cmpi sgt, %scan3A_205, %gt3A_470 : i32
      %convert_element_type3A_472 = arith.extui %gt3A_471 : i1 to i32
      %cond3A_473 = arith.constant 0 : i32
      %cond3A_474 = arith.cmpi ne, %convert_element_type3A_472, %cond3A_473 : i32
      scf.if %cond3A_474 {
        %dma_wait3A_734 = arith.constant 2 : i32
        %dma_wait3A_735 = arith.constant 0 : i32
        %dma_wait3A_736 = tpu.memref_slice %arg6[%dma_wait3A_734, %dma_wait3A_735] : memref<4x100xi32, #tpu.memory_space<vmem>> -> memref<1x100xi32, #tpu.memory_space<vmem>>
        %dma_wait3A_737 = tpu.memref_squeeze %dma_wait3A_736 : memref<1x100xi32, #tpu.memory_space<vmem>> -> memref<100xi32, #tpu.memory_space<vmem>>
        %dma_wait3A_738 = arith.constant 0 : i32
        %dma_wait3A_739 = tpu.memref_slice %arg11[%dma_wait3A_738] : memref<5120xf32, #tpu.memory_space<vmem_shared>> -> memref<5120xf32, #tpu.memory_space<vmem_shared>>
        tpu.wait_indirect_dma semaphore(%arg14 : memref<!tpu.dma_semaphore, #tpu.memory_space<semaphore_mem>>) src(%arg7 : memref<100xf32, #tpu.memory_space<vmem>>) dst(%dma_wait3A_739 : memref<5120xf32, #tpu.memory_space<vmem_shared>>)
      } else {
      }
      %get3A_475 = arith.index_cast %add3A_469 : i32 to index
      %get3A_476 = arith.constant 0 : index
      %get3A_477 = tpu.vector_load %arg5[%get3A_475, %get3A_476] {strides = array<i32>} : memref<200x100xi32, #tpu.memory_space<vmem>>, vector<1x16xi32>,
      %get3A_478 = vector.shape_cast %get3A_477 : vector<1x16xi32> to vector<16xi32>
      %shift_right_logical3A_479 = arith.constant 16 : i32
      %shift_right_logical3A_480 = vector.broadcast %shift_right_logical3A_479 : i32 to vector<16xi32>
      %shift_right_logical3A_481 = arith.shrui %get3A_478, %shift_right_logical3A_480 : vector<16xi32>
      %and3A_482 = arith.constant 65535 : i32
      %and3A_483 = vector.broadcast %and3A_482 : i32 to vector<16xi32>
      %and3A_484 = arith.andi %get3A_478, %and3A_483 : vector<16xi32>
      %select_n3A_485 = arith.select %eq3A_166, %shift_right_logical3A_481, %and3A_484 : vector<16xi32>
      %swap3A_486 = arith.constant 2 : i32
      %swap3A_487 = arith.index_cast %swap3A_486 : i32 to index
      %swap3A_488 = arith.constant 0 : index
      %swap3A_489 = tpu.vector_load %arg6[%swap3A_487, %swap3A_488] {strides = array<i32>} : memref<4x100xi32, #tpu.memory_space<vmem>>, vector<1x16xi32>,
      %swap3A_490 = vector.shape_cast %swap3A_489 : vector<1x16xi32> to vector<16xi32>
      %swap3A_491 = vector.shape_cast %select_n3A_485 : vector<16xi32> to vector<1x16xi32>
      tpu.vector_store %arg6[%swap3A_487, %swap3A_488], %swap3A_491 {strides = array<i32>} : memref<4x100xi32, #tpu.memory_space<vmem>>, vector<1x16xi32>,
      %get3A_492 = arith.index_cast %add3A_469 : i32 to index
      %get3A_493 = arith.constant 16 : index
      %get3A_494 = tpu.vector_load %arg5[%get3A_492, %get3A_493] {strides = array<i32>} : memref<200x100xi32, #tpu.memory_space<vmem>>, vector<1x16xi32>,
      %get3A_495 = vector.shape_cast %get3A_494 : vector<1x16xi32> to vector<16xi32>
      %shift_right_logical3A_496 = arith.constant 16 : i32
      %shift_right_logical3A_497 = vector.broadcast %shift_right_logical3A_496 : i32 to vector<16xi32>
      %shift_right_logical3A_498 = arith.shrui %get3A_495, %shift_right_logical3A_497 : vector<16xi32>
      %and3A_499 = arith.constant 65535 : i32
      %and3A_500 = vector.broadcast %and3A_499 : i32 to vector<16xi32>
      %and3A_501 = arith.andi %get3A_495, %and3A_500 : vector<16xi32>
      %select_n3A_502 = arith.select %eq3A_166, %shift_right_logical3A_498, %and3A_501 : vector<16xi32>
      %swap3A_503 = arith.constant 2 : i32
      %swap3A_504 = arith.index_cast %swap3A_503 : i32 to index
      %swap3A_505 = arith.constant 16 : index
      %swap3A_506 = tpu.vector_load %arg6[%swap3A_504, %swap3A_505] {strides = array<i32>} : memref<4x100xi32, #tpu.memory_space<vmem>>, vector<1x16xi32>,
      %swap3A_507 = vector.shape_cast %swap3A_506 : vector<1x16xi32> to vector<16xi32>
      %swap3A_508 = vector.shape_cast %select_n3A_502 : vector<16xi32> to vector<1x16xi32>
      tpu.vector_store %arg6[%swap3A_504, %swap3A_505], %swap3A_508 {strides = array<i32>} : memref<4x100xi32, #tpu.memory_space<vmem>>, vector<1x16xi32>,
      %get3A_509 = arith.index_cast %add3A_469 : i32 to index
      %get3A_510 = arith.constant 32 : index
      %get3A_511 = tpu.vector_load %arg5[%get3A_509, %get3A_510] {strides = array<i32>} : memref<200x100xi32, #tpu.memory_space<vmem>>, vector<1x16xi32>,
      %get3A_512 = vector.shape_cast %get3A_511 : vector<1x16xi32> to vector<16xi32>
      %shift_right_logical3A_513 = arith.constant 16 : i32
      %shift_right_logical3A_514 = vector.broadcast %shift_right_logical3A_513 : i32 to vector<16xi32>
      %shift_right_logical3A_515 = arith.shrui %get3A_512, %shift_right_logical3A_514 : vector<16xi32>
      %and3A_516 = arith.constant 65535 : i32
      %and3A_517 = vector.broadcast %and3A_516 : i32 to vector<16xi32>
      %and3A_518 = arith.andi %get3A_512, %and3A_517 : vector<16xi32>
      %select_n3A_519 = arith.select %eq3A_166, %shift_right_logical3A_515, %and3A_518 : vector<16xi32>
      %swap3A_520 = arith.constant 2 : i32
      %swap3A_521 = arith.index_cast %swap3A_520 : i32 to index
      %swap3A_522 = arith.constant 32 : index
      %swap3A_523 = tpu.vector_load %arg6[%swap3A_521, %swap3A_522] {strides = array<i32>} : memref<4x100xi32, #tpu.memory_space<vmem>>, vector<1x16xi32>,
      %swap3A_524 = vector.shape_cast %swap3A_523 : vector<1x16xi32> to vector<16xi32>
      %swap3A_525 = vector.shape_cast %select_n3A_519 : vector<16xi32> to vector<1x16xi32>
      tpu.vector_store %arg6[%swap3A_521, %swap3A_522], %swap3A_525 {strides = array<i32>} : memref<4x100xi32, #tpu.memory_space<vmem>>, vector<1x16xi32>,
      %get3A_526 = arith.index_cast %add3A_469 : i32 to index
      %get3A_527 = arith.constant 48 : index
      %get3A_528 = tpu.vector_load %arg5[%get3A_526, %get3A_527] {strides = array<i32>} : memref<200x100xi32, #tpu.memory_space<vmem>>, vector<1x16xi32>,
      %get3A_529 = vector.shape_cast %get3A_528 : vector<1x16xi32> to vector<16xi32>
      %shift_right_logical3A_530 = arith.constant 16 : i32
      %shift_right_logical3A_531 = vector.broadcast %shift_right_logical3A_530 : i32 to vector<16xi32>
      %shift_right_logical3A_532 = arith.shrui %get3A_529, %shift_right_logical3A_531 : vector<16xi32>
      %and3A_533 = arith.constant 65535 : i32
      %and3A_534 = vector.broadcast %and3A_533 : i32 to vector<16xi32>
      %and3A_535 = arith.andi %get3A_529, %and3A_534 : vector<16xi32>
      %select_n3A_536 = arith.select %eq3A_166, %shift_right_logical3A_532, %and3A_535 : vector<16xi32>
      %swap3A_537 = arith.constant 2 : i32
      %swap3A_538 = arith.index_cast %swap3A_537 : i32 to index
      %swap3A_539 = arith.constant 48 : index
      %swap3A_540 = tpu.vector_load %arg6[%swap3A_538, %swap3A_539] {strides = array<i32>} : memref<4x100xi32, #tpu.memory_space<vmem>>, vector<1x16xi32>,
      %swap3A_541 = vector.shape_cast %swap3A_540 : vector<1x16xi32> to vector<16xi32>
      %swap3A_542 = vector.shape_cast %select_n3A_536 : vector<16xi32> to vector<1x16xi32>
      tpu.vector_store %arg6[%swap3A_538, %swap3A_539], %swap3A_542 {strides = array<i32>} : memref<4x100xi32, #tpu.memory_space<vmem>>, vector<1x16xi32>,
      %get3A_543 = arith.index_cast %add3A_469 : i32 to index
      %get3A_544 = arith.constant 64 : index
      %get3A_545 = tpu.vector_load %arg5[%get3A_543, %get3A_544] {strides = array<i32>} : memref<200x100xi32, #tpu.memory_space<vmem>>, vector<1x16xi32>,
      %get3A_546 = vector.shape_cast %get3A_545 : vector<1x16xi32> to vector<16xi32>
      %shift_right_logical3A_547 = arith.constant 16 : i32
      %shift_right_logical3A_548 = vector.broadcast %shift_right_logical3A_547 : i32 to vector<16xi32>
      %shift_right_logical3A_549 = arith.shrui %get3A_546, %shift_right_logical3A_548 : vector<16xi32>
      %and3A_550 = arith.constant 65535 : i32
      %and3A_551 = vector.broadcast %and3A_550 : i32 to vector<16xi32>
      %and3A_552 = arith.andi %get3A_546, %and3A_551 : vector<16xi32>
      %select_n3A_553 = arith.select %eq3A_166, %shift_right_logical3A_549, %and3A_552 : vector<16xi32>
      %swap3A_554 = arith.constant 2 : i32
      %swap3A_555 = arith.index_cast %swap3A_554 : i32 to index
      %swap3A_556 = arith.constant 64 : index
      %swap3A_557 = tpu.vector_load %arg6[%swap3A_555, %swap3A_556] {strides = array<i32>} : memref<4x100xi32, #tpu.memory_space<vmem>>, vector<1x16xi32>,
      %swap3A_558 = vector.shape_cast %swap3A_557 : vector<1x16xi32> to vector<16xi32>
      %swap3A_559 = vector.shape_cast %select_n3A_553 : vector<16xi32> to vector<1x16xi32>
      tpu.vector_store %arg6[%swap3A_555, %swap3A_556], %swap3A_559 {strides = array<i32>} : memref<4x100xi32, #tpu.memory_space<vmem>>, vector<1x16xi32>,
      %get3A_560 = arith.index_cast %add3A_469 : i32 to index
      %get3A_561 = arith.constant 80 : index
      %get3A_562 = tpu.vector_load %arg5[%get3A_560, %get3A_561] {strides = array<i32>} : memref<200x100xi32, #tpu.memory_space<vmem>>, vector<1x16xi32>,
      %get3A_563 = vector.shape_cast %get3A_562 : vector<1x16xi32> to vector<16xi32>
      %shift_right_logical3A_564 = arith.constant 16 : i32
      %shift_right_logical3A_565 = vector.broadcast %shift_right_logical3A_564 : i32 to vector<16xi32>
      %shift_right_logical3A_566 = arith.shrui %get3A_563, %shift_right_logical3A_565 : vector<16xi32>
      %and3A_567 = arith.constant 65535 : i32
      %and3A_568 = vector.broadcast %and3A_567 : i32 to vector<16xi32>
      %and3A_569 = arith.andi %get3A_563, %and3A_568 : vector<16xi32>
      %select_n3A_570 = arith.select %eq3A_166, %shift_right_logical3A_566, %and3A_569 : vector<16xi32>
      %swap3A_571 = arith.constant 2 : i32
      %swap3A_572 = arith.index_cast %swap3A_571 : i32 to index
      %swap3A_573 = arith.constant 80 : index
      %swap3A_574 = tpu.vector_load %arg6[%swap3A_572, %swap3A_573] {strides = array<i32>} : memref<4x100xi32, #tpu.memory_space<vmem>>, vector<1x16xi32>,
      %swap3A_575 = vector.shape_cast %swap3A_574 : vector<1x16xi32> to vector<16xi32>
      %swap3A_576 = vector.shape_cast %select_n3A_570 : vector<16xi32> to vector<1x16xi32>
      tpu.vector_store %arg6[%swap3A_572, %swap3A_573], %swap3A_576 {strides = array<i32>} : memref<4x100xi32, #tpu.memory_space<vmem>>, vector<1x16xi32>,
      %get3A_577 = arith.index_cast %add3A_469 : i32 to index
      %get3A_578 = arith.constant 84 : index
      %get3A_579 = tpu.vector_load %arg5[%get3A_577, %get3A_578] {strides = array<i32>} : memref<200x100xi32, #tpu.memory_space<vmem>>, vector<1x16xi32>,
      %get3A_580 = vector.shape_cast %get3A_579 : vector<1x16xi32> to vector<16xi32>
      %shift_right_logical3A_581 = arith.constant 16 : i32
      %shift_right_logical3A_582 = vector.broadcast %shift_right_logical3A_581 : i32 to vector<16xi32>
      %shift_right_logical3A_583 = arith.shrui %get3A_580, %shift_right_logical3A_582 : vector<16xi32>
      %and3A_584 = arith.constant 65535 : i32
      %and3A_585 = vector.broadcast %and3A_584 : i32 to vector<16xi32>
      %and3A_586 = arith.andi %get3A_580, %and3A_585 : vector<16xi32>
      %select_n3A_587 = arith.select %eq3A_166, %shift_right_logical3A_583, %and3A_586 : vector<16xi32>
      %swap3A_588 = arith.constant 2 : i32
      %swap3A_589 = arith.index_cast %swap3A_588 : i32 to index
      %swap3A_590 = arith.constant 84 : index
      %swap3A_591 = tpu.vector_load %arg6[%swap3A_589, %swap3A_590] {strides = array<i32>} : memref<4x100xi32, #tpu.memory_space<vmem>>, vector<1x16xi32>,
      %swap3A_592 = vector.shape_cast %swap3A_591 : vector<1x16xi32> to vector<16xi32>
      %swap3A_593 = vector.shape_cast %select_n3A_587 : vector<16xi32> to vector<1x16xi32>
      tpu.vector_store %arg6[%swap3A_589, %swap3A_590], %swap3A_593 {strides = array<i32>} : memref<4x100xi32, #tpu.memory_space<vmem>>, vector<1x16xi32>,
      %dma_start3A_594 = arith.constant 2 : i32
      %dma_start3A_595 = arith.constant 0 : i32
      %dma_start3A_596 = tpu.memref_slice %arg6[%dma_start3A_594, %dma_start3A_595] : memref<4x100xi32, #tpu.memory_space<vmem>> -> memref<1x100xi32, #tpu.memory_space<vmem>>
      %dma_start3A_597 = tpu.memref_squeeze %dma_start3A_596 : memref<1x100xi32, #tpu.memory_space<vmem>> -> memref<100xi32, #tpu.memory_space<vmem>>
      %dma_start3A_598 = arith.constant 0 : i32
      %dma_start3A_599 = tpu.memref_slice %arg11[%dma_start3A_598] : memref<5120xf32, #tpu.memory_space<vmem_shared>> -> memref<5120xf32, #tpu.memory_space<vmem_shared>>
      tpu.enqueue_indirect_dma source(%arg7 : memref<100xf32, #tpu.memory_space<vmem>>) target(%dma_start3A_599 : memref<5120xf32, #tpu.memory_space<vmem_shared>>) offsets(%dma_start3A_597 : memref<100xi32, #tpu.memory_space<vmem>>) semaphore(%arg14 : memref<!tpu.dma_semaphore, #tpu.memory_space<semaphore_mem>>) {add = true}
      %mul3A_600 = arith.constant 4 : i32
      %mul3A_601 = arith.muli %mul3A_600, %scan3A_205 : i32
      %add3A_602 = arith.constant 3 : i32
      %add3A_603 = arith.addi %mul3A_601, %add3A_602 : i32
      %gt3A_604 = arith.constant 0 : i32
      %gt3A_605 = arith.cmpi sgt, %scan3A_205, %gt3A_604 : i32
      %convert_element_type3A_606 = arith.extui %gt3A_605 : i1 to i32
      %cond3A_607 = arith.constant 0 : i32
      %cond3A_608 = arith.cmpi ne, %convert_element_type3A_606, %cond3A_607 : i32
      scf.if %cond3A_608 {
        %dma_wait3A_734 = arith.constant 3 : i32
        %dma_wait3A_735 = arith.constant 0 : i32
        %dma_wait3A_736 = tpu.memref_slice %arg6[%dma_wait3A_734, %dma_wait3A_735] : memref<4x100xi32, #tpu.memory_space<vmem>> -> memref<1x100xi32, #tpu.memory_space<vmem>>
        %dma_wait3A_737 = tpu.memref_squeeze %dma_wait3A_736 : memref<1x100xi32, #tpu.memory_space<vmem>> -> memref<100xi32, #tpu.memory_space<vmem>>
        %dma_wait3A_738 = arith.constant 0 : i32
        %dma_wait3A_739 = tpu.memref_slice %arg11[%dma_wait3A_738] : memref<5120xf32, #tpu.memory_space<vmem_shared>> -> memref<5120xf32, #tpu.memory_space<vmem_shared>>
        tpu.wait_indirect_dma semaphore(%arg15 : memref<!tpu.dma_semaphore, #tpu.memory_space<semaphore_mem>>) src(%arg7 : memref<100xf32, #tpu.memory_space<vmem>>) dst(%dma_wait3A_739 : memref<5120xf32, #tpu.memory_space<vmem_shared>>)
      } else {
      }
      %get3A_609 = arith.index_cast %add3A_603 : i32 to index
      %get3A_610 = arith.constant 0 : index
      %get3A_611 = tpu.vector_load %arg5[%get3A_609, %get3A_610] {strides = array<i32>} : memref<200x100xi32, #tpu.memory_space<vmem>>, vector<1x16xi32>,
      %get3A_612 = vector.shape_cast %get3A_611 : vector<1x16xi32> to vector<16xi32>
      %shift_right_logical3A_613 = arith.constant 16 : i32
      %shift_right_logical3A_614 = vector.broadcast %shift_right_logical3A_613 : i32 to vector<16xi32>
      %shift_right_logical3A_615 = arith.shrui %get3A_612, %shift_right_logical3A_614 : vector<16xi32>
      %and3A_616 = arith.constant 65535 : i32
      %and3A_617 = vector.broadcast %and3A_616 : i32 to vector<16xi32>
      %and3A_618 = arith.andi %get3A_612, %and3A_617 : vector<16xi32>
      %select_n3A_619 = arith.select %eq3A_166, %shift_right_logical3A_615, %and3A_618 : vector<16xi32>
      %swap3A_620 = arith.constant 3 : i32
      %swap3A_621 = arith.index_cast %swap3A_620 : i32 to index
      %swap3A_622 = arith.constant 0 : index
      %swap3A_623 = tpu.vector_load %arg6[%swap3A_621, %swap3A_622] {strides = array<i32>} : memref<4x100xi32, #tpu.memory_space<vmem>>, vector<1x16xi32>,
      %swap3A_624 = vector.shape_cast %swap3A_623 : vector<1x16xi32> to vector<16xi32>
      %swap3A_625 = vector.shape_cast %select_n3A_619 : vector<16xi32> to vector<1x16xi32>
      tpu.vector_store %arg6[%swap3A_621, %swap3A_622], %swap3A_625 {strides = array<i32>} : memref<4x100xi32, #tpu.memory_space<vmem>>, vector<1x16xi32>,
      %get3A_626 = arith.index_cast %add3A_603 : i32 to index
      %get3A_627 = arith.constant 16 : index
      %get3A_628 = tpu.vector_load %arg5[%get3A_626, %get3A_627] {strides = array<i32>} : memref<200x100xi32, #tpu.memory_space<vmem>>, vector<1x16xi32>,
      %get3A_629 = vector.shape_cast %get3A_628 : vector<1x16xi32> to vector<16xi32>
      %shift_right_logical3A_630 = arith.constant 16 : i32
      %shift_right_logical3A_631 = vector.broadcast %shift_right_logical3A_630 : i32 to vector<16xi32>
      %shift_right_logical3A_632 = arith.shrui %get3A_629, %shift_right_logical3A_631 : vector<16xi32>
      %and3A_633 = arith.constant 65535 : i32
      %and3A_634 = vector.broadcast %and3A_633 : i32 to vector<16xi32>
      %and3A_635 = arith.andi %get3A_629, %and3A_634 : vector<16xi32>
      %select_n3A_636 = arith.select %eq3A_166, %shift_right_logical3A_632, %and3A_635 : vector<16xi32>
      %swap3A_637 = arith.constant 3 : i32
      %swap3A_638 = arith.index_cast %swap3A_637 : i32 to index
      %swap3A_639 = arith.constant 16 : index
      %swap3A_640 = tpu.vector_load %arg6[%swap3A_638, %swap3A_639] {strides = array<i32>} : memref<4x100xi32, #tpu.memory_space<vmem>>, vector<1x16xi32>,
      %swap3A_641 = vector.shape_cast %swap3A_640 : vector<1x16xi32> to vector<16xi32>
      %swap3A_642 = vector.shape_cast %select_n3A_636 : vector<16xi32> to vector<1x16xi32>
      tpu.vector_store %arg6[%swap3A_638, %swap3A_639], %swap3A_642 {strides = array<i32>} : memref<4x100xi32, #tpu.memory_space<vmem>>, vector<1x16xi32>,
      %get3A_643 = arith.index_cast %add3A_603 : i32 to index
      %get3A_644 = arith.constant 32 : index
      %get3A_645 = tpu.vector_load %arg5[%get3A_643, %get3A_644] {strides = array<i32>} : memref<200x100xi32, #tpu.memory_space<vmem>>, vector<1x16xi32>,
      %get3A_646 = vector.shape_cast %get3A_645 : vector<1x16xi32> to vector<16xi32>
      %shift_right_logical3A_647 = arith.constant 16 : i32
      %shift_right_logical3A_648 = vector.broadcast %shift_right_logical3A_647 : i32 to vector<16xi32>
      %shift_right_logical3A_649 = arith.shrui %get3A_646, %shift_right_logical3A_648 : vector<16xi32>
      %and3A_650 = arith.constant 65535 : i32
      %and3A_651 = vector.broadcast %and3A_650 : i32 to vector<16xi32>
      %and3A_652 = arith.andi %get3A_646, %and3A_651 : vector<16xi32>
      %select_n3A_653 = arith.select %eq3A_166, %shift_right_logical3A_649, %and3A_652 : vector<16xi32>
      %swap3A_654 = arith.constant 3 : i32
      %swap3A_655 = arith.index_cast %swap3A_654 : i32 to index
      %swap3A_656 = arith.constant 32 : index
      %swap3A_657 = tpu.vector_load %arg6[%swap3A_655, %swap3A_656] {strides = array<i32>} : memref<4x100xi32, #tpu.memory_space<vmem>>, vector<1x16xi32>,
      %swap3A_658 = vector.shape_cast %swap3A_657 : vector<1x16xi32> to vector<16xi32>
      %swap3A_659 = vector.shape_cast %select_n3A_653 : vector<16xi32> to vector<1x16xi32>
      tpu.vector_store %arg6[%swap3A_655, %swap3A_656], %swap3A_659 {strides = array<i32>} : memref<4x100xi32, #tpu.memory_space<vmem>>, vector<1x16xi32>,
      %get3A_660 = arith.index_cast %add3A_603 : i32 to index
      %get3A_661 = arith.constant 48 : index
      %get3A_662 = tpu.vector_load %arg5[%get3A_660, %get3A_661] {strides = array<i32>} : memref<200x100xi32, #tpu.memory_space<vmem>>, vector<1x16xi32>,
      %get3A_663 = vector.shape_cast %get3A_662 : vector<1x16xi32> to vector<16xi32>
      %shift_right_logical3A_664 = arith.constant 16 : i32
      %shift_right_logical3A_665 = vector.broadcast %shift_right_logical3A_664 : i32 to vector<16xi32>
      %shift_right_logical3A_666 = arith.shrui %get3A_663, %shift_right_logical3A_665 : vector<16xi32>
      %and3A_667 = arith.constant 65535 : i32
      %and3A_668 = vector.broadcast %and3A_667 : i32 to vector<16xi32>
      %and3A_669 = arith.andi %get3A_663, %and3A_668 : vector<16xi32>
      %select_n3A_670 = arith.select %eq3A_166, %shift_right_logical3A_666, %and3A_669 : vector<16xi32>
      %swap3A_671 = arith.constant 3 : i32
      %swap3A_672 = arith.index_cast %swap3A_671 : i32 to index
      %swap3A_673 = arith.constant 48 : index
      %swap3A_674 = tpu.vector_load %arg6[%swap3A_672, %swap3A_673] {strides = array<i32>} : memref<4x100xi32, #tpu.memory_space<vmem>>, vector<1x16xi32>,
      %swap3A_675 = vector.shape_cast %swap3A_674 : vector<1x16xi32> to vector<16xi32>
      %swap3A_676 = vector.shape_cast %select_n3A_670 : vector<16xi32> to vector<1x16xi32>
      tpu.vector_store %arg6[%swap3A_672, %swap3A_673], %swap3A_676 {strides = array<i32>} : memref<4x100xi32, #tpu.memory_space<vmem>>, vector<1x16xi32>,
      %get3A_677 = arith.index_cast %add3A_603 : i32 to index
      %get3A_678 = arith.constant 64 : index
      %get3A_679 = tpu.vector_load %arg5[%get3A_677, %get3A_678] {strides = array<i32>} : memref<200x100xi32, #tpu.memory_space<vmem>>, vector<1x16xi32>,
      %get3A_680 = vector.shape_cast %get3A_679 : vector<1x16xi32> to vector<16xi32>
      %shift_right_logical3A_681 = arith.constant 16 : i32
      %shift_right_logical3A_682 = vector.broadcast %shift_right_logical3A_681 : i32 to vector<16xi32>
      %shift_right_logical3A_683 = arith.shrui %get3A_680, %shift_right_logical3A_682 : vector<16xi32>
      %and3A_684 = arith.constant 65535 : i32
      %and3A_685 = vector.broadcast %and3A_684 : i32 to vector<16xi32>
      %and3A_686 = arith.andi %get3A_680, %and3A_685 : vector<16xi32>
      %select_n3A_687 = arith.select %eq3A_166, %shift_right_logical3A_683, %and3A_686 : vector<16xi32>
      %swap3A_688 = arith.constant 3 : i32
      %swap3A_689 = arith.index_cast %swap3A_688 : i32 to index
      %swap3A_690 = arith.constant 64 : index
      %swap3A_691 = tpu.vector_load %arg6[%swap3A_689, %swap3A_690] {strides = array<i32>} : memref<4x100xi32, #tpu.memory_space<vmem>>, vector<1x16xi32>,
      %swap3A_692 = vector.shape_cast %swap3A_691 : vector<1x16xi32> to vector<16xi32>
      %swap3A_693 = vector.shape_cast %select_n3A_687 : vector<16xi32> to vector<1x16xi32>
      tpu.vector_store %arg6[%swap3A_689, %swap3A_690], %swap3A_693 {strides = array<i32>} : memref<4x100xi32, #tpu.memory_space<vmem>>, vector<1x16xi32>,
      %get3A_694 = arith.index_cast %add3A_603 : i32 to index
      %get3A_695 = arith.constant 80 : index
      %get3A_696 = tpu.vector_load %arg5[%get3A_694, %get3A_695] {strides = array<i32>} : memref<200x100xi32, #tpu.memory_space<vmem>>, vector<1x16xi32>,
      %get3A_697 = vector.shape_cast %get3A_696 : vector<1x16xi32> to vector<16xi32>
      %shift_right_logical3A_698 = arith.constant 16 : i32
      %shift_right_logical3A_699 = vector.broadcast %shift_right_logical3A_698 : i32 to vector<16xi32>
      %shift_right_logical3A_700 = arith.shrui %get3A_697, %shift_right_logical3A_699 : vector<16xi32>
      %and3A_701 = arith.constant 65535 : i32
      %and3A_702 = vector.broadcast %and3A_701 : i32 to vector<16xi32>
      %and3A_703 = arith.andi %get3A_697, %and3A_702 : vector<16xi32>
      %select_n3A_704 = arith.select %eq3A_166, %shift_right_logical3A_700, %and3A_703 : vector<16xi32>
      %swap3A_705 = arith.constant 3 : i32
      %swap3A_706 = arith.index_cast %swap3A_705 : i32 to index
      %swap3A_707 = arith.constant 80 : index
      %swap3A_708 = tpu.vector_load %arg6[%swap3A_706, %swap3A_707] {strides = array<i32>} : memref<4x100xi32, #tpu.memory_space<vmem>>, vector<1x16xi32>,
      %swap3A_709 = vector.shape_cast %swap3A_708 : vector<1x16xi32> to vector<16xi32>
      %swap3A_710 = vector.shape_cast %select_n3A_704 : vector<16xi32> to vector<1x16xi32>
      tpu.vector_store %arg6[%swap3A_706, %swap3A_707], %swap3A_710 {strides = array<i32>} : memref<4x100xi32, #tpu.memory_space<vmem>>, vector<1x16xi32>,
      %get3A_711 = arith.index_cast %add3A_603 : i32 to index
      %get3A_712 = arith.constant 84 : index
      %get3A_713 = tpu.vector_load %arg5[%get3A_711, %get3A_712] {strides = array<i32>} : memref<200x100xi32, #tpu.memory_space<vmem>>, vector<1x16xi32>,
      %get3A_714 = vector.shape_cast %get3A_713 : vector<1x16xi32> to vector<16xi32>
      %shift_right_logical3A_715 = arith.constant 16 : i32
      %shift_right_logical3A_716 = vector.broadcast %shift_right_logical3A_715 : i32 to vector<16xi32>
      %shift_right_logical3A_717 = arith.shrui %get3A_714, %shift_right_logical3A_716 : vector<16xi32>
      %and3A_718 = arith.constant 65535 : i32
      %and3A_719 = vector.broadcast %and3A_718 : i32 to vector<16xi32>
      %and3A_720 = arith.andi %get3A_714, %and3A_719 : vector<16xi32>
      %select_n3A_721 = arith.select %eq3A_166, %shift_right_logical3A_717, %and3A_720 : vector<16xi32>
      %swap3A_722 = arith.constant 3 : i32
      %swap3A_723 = arith.index_cast %swap3A_722 : i32 to index
      %swap3A_724 = arith.constant 84 : index
      %swap3A_725 = tpu.vector_load %arg6[%swap3A_723, %swap3A_724] {strides = array<i32>} : memref<4x100xi32, #tpu.memory_space<vmem>>, vector<1x16xi32>,
      %swap3A_726 = vector.shape_cast %swap3A_725 : vector<1x16xi32> to vector<16xi32>
      %swap3A_727 = vector.shape_cast %select_n3A_721 : vector<16xi32> to vector<1x16xi32>
      tpu.vector_store %arg6[%swap3A_723, %swap3A_724], %swap3A_727 {strides = array<i32>} : memref<4x100xi32, #tpu.memory_space<vmem>>, vector<1x16xi32>,
      %dma_start3A_728 = arith.constant 3 : i32
      %dma_start3A_729 = arith.constant 0 : i32
      %dma_start3A_730 = tpu.memref_slice %arg6[%dma_start3A_728, %dma_start3A_729] : memref<4x100xi32, #tpu.memory_space<vmem>> -> memref<1x100xi32, #tpu.memory_space<vmem>>
      %dma_start3A_731 = tpu.memref_squeeze %dma_start3A_730 : memref<1x100xi32, #tpu.memory_space<vmem>> -> memref<100xi32, #tpu.memory_space<vmem>>
      %dma_start3A_732 = arith.constant 0 : i32
      %dma_start3A_733 = tpu.memref_slice %arg11[%dma_start3A_732] : memref<5120xf32, #tpu.memory_space<vmem_shared>> -> memref<5120xf32, #tpu.memory_space<vmem_shared>>
      tpu.enqueue_indirect_dma source(%arg7 : memref<100xf32, #tpu.memory_space<vmem>>) target(%dma_start3A_733 : memref<5120xf32, #tpu.memory_space<vmem_shared>>) offsets(%dma_start3A_731 : memref<100xi32, #tpu.memory_space<vmem>>) semaphore(%arg15 : memref<!tpu.dma_semaphore, #tpu.memory_space<semaphore_mem>>) {add = true}
    }
    %scan3A_172 = arith.constant 50 : i32
    %dma_wait3A = arith.constant 0 : i32
    %dma_wait3A_173 = arith.constant 0 : i32
    %dma_wait3A_174 = tpu.memref_slice %arg6[%dma_wait3A, %dma_wait3A_173] : memref<4x100xi32, #tpu.memory_space<vmem>> -> memref<1x100xi32, #tpu.memory_space<vmem>>
    %dma_wait3A_175 = tpu.memref_squeeze %dma_wait3A_174 : memref<1x100xi32, #tpu.memory_space<vmem>> -> memref<100xi32, #tpu.memory_space<vmem>>
    %dma_wait3A_176 = arith.constant 0 : i32
    %dma_wait3A_177 = tpu.memref_slice %arg11[%dma_wait3A_176] : memref<5120xf32, #tpu.memory_space<vmem_shared>> -> memref<5120xf32, #tpu.memory_space<vmem_shared>>
    tpu.wait_indirect_dma semaphore(%arg12 : memref<!tpu.dma_semaphore, #tpu.memory_space<semaphore_mem>>) src(%arg7 : memref<100xf32, #tpu.memory_space<vmem>>) dst(%dma_wait3A_177 : memref<5120xf32, #tpu.memory_space<vmem_shared>>)
    %dma_wait3A_178 = arith.constant 1 : i32
    %dma_wait3A_179 = arith.constant 0 : i32
    %dma_wait3A_180 = tpu.memref_slice %arg6[%dma_wait3A_178, %dma_wait3A_179] : memref<4x100xi32, #tpu.memory_space<vmem>> -> memref<1x100xi32, #tpu.memory_space<vmem>>
    %dma_wait3A_181 = tpu.memref_squeeze %dma_wait3A_180 : memref<1x100xi32, #tpu.memory_space<vmem>> -> memref<100xi32, #tpu.memory_space<vmem>>
    %dma_wait3A_182 = arith.constant 0 : i32
    %dma_wait3A_183 = tpu.memref_slice %arg11[%dma_wait3A_182] : memref<5120xf32, #tpu.memory_space<vmem_shared>> -> memref<5120xf32, #tpu.memory_space<vmem_shared>>
    tpu.wait_indirect_dma semaphore(%arg13 : memref<!tpu.dma_semaphore, #tpu.memory_space<semaphore_mem>>) src(%arg7 : memref<100xf32, #tpu.memory_space<vmem>>) dst(%dma_wait3A_183 : memref<5120xf32, #tpu.memory_space<vmem_shared>>)
    %dma_wait3A_184 = arith.constant 2 : i32
    %dma_wait3A_185 = arith.constant 0 : i32
    %dma_wait3A_186 = tpu.memref_slice %arg6[%dma_wait3A_184, %dma_wait3A_185] : memref<4x100xi32, #tpu.memory_space<vmem>> -> memref<1x100xi32, #tpu.memory_space<vmem>>
    %dma_wait3A_187 = tpu.memref_squeeze %dma_wait3A_186 : memref<1x100xi32, #tpu.memory_space<vmem>> -> memref<100xi32, #tpu.memory_space<vmem>>
    %dma_wait3A_188 = arith.constant 0 : i32
    %dma_wait3A_189 = tpu.memref_slice %arg11[%dma_wait3A_188] : memref<5120xf32, #tpu.memory_space<vmem_shared>> -> memref<5120xf32, #tpu.memory_space<vmem_shared>>
    tpu.wait_indirect_dma semaphore(%arg14 : memref<!tpu.dma_semaphore, #tpu.memory_space<semaphore_mem>>) src(%arg7 : memref<100xf32, #tpu.memory_space<vmem>>) dst(%dma_wait3A_189 : memref<5120xf32, #tpu.memory_space<vmem_shared>>)
    %dma_wait3A_190 = arith.constant 3 : i32
    %dma_wait3A_191 = arith.constant 0 : i32
    %dma_wait3A_192 = tpu.memref_slice %arg6[%dma_wait3A_190, %dma_wait3A_191] : memref<4x100xi32, #tpu.memory_space<vmem>> -> memref<1x100xi32, #tpu.memory_space<vmem>>
    %dma_wait3A_193 = tpu.memref_squeeze %dma_wait3A_192 : memref<1x100xi32, #tpu.memory_space<vmem>> -> memref<100xi32, #tpu.memory_space<vmem>>
    %dma_wait3A_194 = arith.constant 0 : i32
    %dma_wait3A_195 = tpu.memref_slice %arg11[%dma_wait3A_194] : memref<5120xf32, #tpu.memory_space<vmem_shared>> -> memref<5120xf32, #tpu.memory_space<vmem_shared>>
    tpu.wait_indirect_dma semaphore(%arg15 : memref<!tpu.dma_semaphore, #tpu.memory_space<semaphore_mem>>) src(%arg7 : memref<100xf32, #tpu.memory_space<vmem>>) dst(%dma_wait3A_195 : memref<5120xf32, #tpu.memory_space<vmem_shared>>)
    %barrier3A_196 = arith.constant 0 : index
    tpu.barrier barrier_id(%barrier3A_196)
    "tpu.region"() ({
      %run_scoped3A = tpu.sem_alloc : memref<!tpu.dma_semaphore, #tpu.memory_space<semaphore_mem>>
      %dma_start3A = tpu.memref_slice %arg11[%mul3A_165] : memref<5120xf32, #tpu.memory_space<vmem_shared>> -> memref<320xf32, #tpu.memory_space<vmem_shared>>
      %dma_start3A_205 = tpu.memref_slice %arg11[%mul3A_165] : memref<5120xf32, #tpu.memory_space<vmem_shared>> -> memref<320xf32, #tpu.memory_space<vmem_shared>>
      tpu.enqueue_dma source(%dma_start3A_205 : memref<320xf32, #tpu.memory_space<vmem_shared>>) target(%arg9 : memref<320xf32, #tpu.memory_space<vmem>>) target_semaphore(%run_scoped3A : memref<!tpu.dma_semaphore, #tpu.memory_space<semaphore_mem>>)
      %dma_wait3A_206 = tpu.memref_slice %arg11[%mul3A_165] : memref<5120xf32, #tpu.memory_space<vmem_shared>> -> memref<320xf32, #tpu.memory_space<vmem_shared>>
      %dma_wait3A_207 = tpu.memref_slice %arg11[%mul3A_165] : memref<5120xf32, #tpu.memory_space<vmem_shared>> -> memref<320xf32, #tpu.memory_space<vmem_shared>>
      tpu.wait_dma2 semaphore(%run_scoped3A : memref<!tpu.dma_semaphore, #tpu.memory_space<semaphore_mem>>) src(%dma_wait3A_207 : memref<320xf32, #tpu.memory_space<vmem_shared>>) dst(%arg9 : memref<320xf32, #tpu.memory_space<vmem>>)
      tpu.yield
    }) : () -> ()
    %mul3A_197 = arith.constant 5120 : i32
    %mul3A_198 = arith.muli %arg0, %mul3A_197 : i32
    %add3A = arith.addi %mul3A_198, %mul3A_165 : i32
    "tpu.region"() ({
      %run_scoped3A = tpu.sem_alloc : memref<!tpu.dma_semaphore, #tpu.memory_space<semaphore_mem>>
      %dma_start3A = tpu.memref_slice %arg3[%add3A] : memref<10240xf32, #tpu.memory_space<hbm>> -> memref<320xf32, #tpu.memory_space<hbm>>
      %dma_start3A_205 = tpu.memref_slice %arg3[%add3A] : memref<10240xf32, #tpu.memory_space<hbm>> -> memref<320xf32, #tpu.memory_space<hbm>>
      tpu.enqueue_dma source(%arg9 : memref<320xf32, #tpu.memory_space<vmem>>) target(%dma_start3A_205 : memref<320xf32, #tpu.memory_space<hbm>>) target_semaphore(%run_scoped3A : memref<!tpu.dma_semaphore, #tpu.memory_space<semaphore_mem>>)
      %dma_wait3A_206 = tpu.memref_slice %arg3[%add3A] : memref<10240xf32, #tpu.memory_space<hbm>> -> memref<320xf32, #tpu.memory_space<hbm>>
      %dma_wait3A_207 = tpu.memref_slice %arg3[%add3A] : memref<10240xf32, #tpu.memory_space<hbm>> -> memref<320xf32, #tpu.memory_space<hbm>>
      tpu.wait_dma2 semaphore(%run_scoped3A : memref<!tpu.dma_semaphore, #tpu.memory_space<semaphore_mem>>) src(%arg9 : memref<320xf32, #tpu.memory_space<vmem>>) dst(%dma_wait3A_207 : memref<320xf32, #tpu.memory_space<hbm>>)
      tpu.yield
    }) : () -> ()
    %scan3A_199 = arith.constant 0 : i32
    %scan3A_200 = arith.constant 0 : i32
    %scan3A_201 = arith.constant 10 : i32
    %scan3A_202 = arith.addi %scan3A_200, %scan3A_201 : i32
    %scan3A_203 = arith.constant 1 : i32
    scf.for %scan3A_205 = %scan3A_200 to %scan3A_202 step %scan3A_203  : i32 {
      %mul3A_206 = arith.constant 2560 : i32
      %mul3A_207 = arith.muli %arg0, %mul3A_206 : i32
      %mul3A_208 = arith.constant 256 : i32
      %mul3A_209 = arith.muli %scan3A_205, %mul3A_208 : i32
      %add3A_210 = arith.addi %mul3A_207, %mul3A_209 : i32
      %mul3A_211 = arith.constant 16 : i32
      %mul3A_212 = arith.muli %arg1, %mul3A_211 : i32
      %add3A_213 = arith.constant 0 : i32
      %add3A_214 = arith.addi %mul3A_212, %add3A_213 : i32
      %mul3A_215 = arith.constant 5120 : i32
      %mul3A_216 = arith.muli %add3A_214, %mul3A_215 : i32
      "tpu.region"() ({
        %run_scoped3A = tpu.sem_alloc : memref<!tpu.dma_semaphore, #tpu.memory_space<semaphore_mem>>
        %dma_start3A = tpu.memref_slice %arg10[%mul3A_216] : memref<1315840xf32, #tpu.memory_space<vmem_shared>> -> memref<5120xf32, #tpu.memory_space<vmem_shared>>
        %dma_start3A_349 = tpu.memref_slice %arg10[%mul3A_216] : memref<1315840xf32, #tpu.memory_space<vmem_shared>> -> memref<5120xf32, #tpu.memory_space<vmem_shared>>
        tpu.enqueue_dma source(%arg8 : memref<5120xf32, #tpu.memory_space<vmem>>) target(%dma_start3A_349 : memref<5120xf32, #tpu.memory_space<vmem_shared>>) target_semaphore(%run_scoped3A : memref<!tpu.dma_semaphore, #tpu.memory_space<semaphore_mem>>)
        %dma_wait3A_350 = tpu.memref_slice %arg10[%mul3A_216] : memref<1315840xf32, #tpu.memory_space<vmem_shared>> -> memref<5120xf32, #tpu.memory_space<vmem_shared>>
        %dma_wait3A_351 = tpu.memref_slice %arg10[%mul3A_216] : memref<1315840xf32, #tpu.memory_space<vmem_shared>> -> memref<5120xf32, #tpu.memory_space<vmem_shared>>
        tpu.wait_dma2 semaphore(%run_scoped3A : memref<!tpu.dma_semaphore, #tpu.memory_space<semaphore_mem>>) src(%arg8 : memref<5120xf32, #tpu.memory_space<vmem>>) dst(%dma_wait3A_351 : memref<5120xf32, #tpu.memory_space<vmem_shared>>)
        tpu.yield
      }) : () -> ()
      %mul3A_217 = arith.constant 16 : i32
      %mul3A_218 = arith.muli %arg1, %mul3A_217 : i32
      %add3A_219 = arith.constant 1 : i32
      %add3A_220 = arith.addi %mul3A_218, %add3A_219 : i32
      %mul3A_221 = arith.constant 5120 : i32
      %mul3A_222 = arith.muli %add3A_220, %mul3A_221 : i32
      "tpu.region"() ({
        %run_scoped3A = tpu.sem_alloc : memref<!tpu.dma_semaphore, #tpu.memory_space<semaphore_mem>>
        %dma_start3A = tpu.memref_slice %arg10[%mul3A_222] : memref<1315840xf32, #tpu.memory_space<vmem_shared>> -> memref<5120xf32, #tpu.memory_space<vmem_shared>>
        %dma_start3A_349 = tpu.memref_slice %arg10[%mul3A_222] : memref<1315840xf32, #tpu.memory_space<vmem_shared>> -> memref<5120xf32, #tpu.memory_space<vmem_shared>>
        tpu.enqueue_dma source(%arg8 : memref<5120xf32, #tpu.memory_space<vmem>>) target(%dma_start3A_349 : memref<5120xf32, #tpu.memory_space<vmem_shared>>) target_semaphore(%run_scoped3A : memref<!tpu.dma_semaphore, #tpu.memory_space<semaphore_mem>>)
        %dma_wait3A_350 = tpu.memref_slice %arg10[%mul3A_222] : memref<1315840xf32, #tpu.memory_space<vmem_shared>> -> memref<5120xf32, #tpu.memory_space<vmem_shared>>
        %dma_wait3A_351 = tpu.memref_slice %arg10[%mul3A_222] : memref<1315840xf32, #tpu.memory_space<vmem_shared>> -> memref<5120xf32, #tpu.memory_space<vmem_shared>>
        tpu.wait_dma2 semaphore(%run_scoped3A : memref<!tpu.dma_semaphore, #tpu.memory_space<semaphore_mem>>) src(%arg8 : memref<5120xf32, #tpu.memory_space<vmem>>) dst(%dma_wait3A_351 : memref<5120xf32, #tpu.memory_space<vmem_shared>>)
        tpu.yield
      }) : () -> ()
      %mul3A_223 = arith.constant 16 : i32
      %mul3A_224 = arith.muli %arg1, %mul3A_223 : i32
      %add3A_225 = arith.constant 2 : i32
      %add3A_226 = arith.addi %mul3A_224, %add3A_225 : i32
      %mul3A_227 = arith.constant 5120 : i32
      %mul3A_228 = arith.muli %add3A_226, %mul3A_227 : i32
      "tpu.region"() ({
        %run_scoped3A = tpu.sem_alloc : memref<!tpu.dma_semaphore, #tpu.memory_space<semaphore_mem>>
        %dma_start3A = tpu.memref_slice %arg10[%mul3A_228] : memref<1315840xf32, #tpu.memory_space<vmem_shared>> -> memref<5120xf32, #tpu.memory_space<vmem_shared>>
        %dma_start3A_349 = tpu.memref_slice %arg10[%mul3A_228] : memref<1315840xf32, #tpu.memory_space<vmem_shared>> -> memref<5120xf32, #tpu.memory_space<vmem_shared>>
        tpu.enqueue_dma source(%arg8 : memref<5120xf32, #tpu.memory_space<vmem>>) target(%dma_start3A_349 : memref<5120xf32, #tpu.memory_space<vmem_shared>>) target_semaphore(%run_scoped3A : memref<!tpu.dma_semaphore, #tpu.memory_space<semaphore_mem>>)
        %dma_wait3A_350 = tpu.memref_slice %arg10[%mul3A_228] : memref<1315840xf32, #tpu.memory_space<vmem_shared>> -> memref<5120xf32, #tpu.memory_space<vmem_shared>>
        %dma_wait3A_351 = tpu.memref_slice %arg10[%mul3A_228] : memref<1315840xf32, #tpu.memory_space<vmem_shared>> -> memref<5120xf32, #tpu.memory_space<vmem_shared>>
        tpu.wait_dma2 semaphore(%run_scoped3A : memref<!tpu.dma_semaphore, #tpu.memory_space<semaphore_mem>>) src(%arg8 : memref<5120xf32, #tpu.memory_space<vmem>>) dst(%dma_wait3A_351 : memref<5120xf32, #tpu.memory_space<vmem_shared>>)
        tpu.yield
      }) : () -> ()
      %mul3A_229 = arith.constant 16 : i32
      %mul3A_230 = arith.muli %arg1, %mul3A_229 : i32
      %add3A_231 = arith.constant 3 : i32
      %add3A_232 = arith.addi %mul3A_230, %add3A_231 : i32
      %mul3A_233 = arith.constant 5120 : i32
      %mul3A_234 = arith.muli %add3A_232, %mul3A_233 : i32
      "tpu.region"() ({
        %run_scoped3A = tpu.sem_alloc : memref<!tpu.dma_semaphore, #tpu.memory_space<semaphore_mem>>
        %dma_start3A = tpu.memref_slice %arg10[%mul3A_234] : memref<1315840xf32, #tpu.memory_space<vmem_shared>> -> memref<5120xf32, #tpu.memory_space<vmem_shared>>
        %dma_start3A_349 = tpu.memref_slice %arg10[%mul3A_234] : memref<1315840xf32, #tpu.memory_space<vmem_shared>> -> memref<5120xf32, #tpu.memory_space<vmem_shared>>
        tpu.enqueue_dma source(%arg8 : memref<5120xf32, #tpu.memory_space<vmem>>) target(%dma_start3A_349 : memref<5120xf32, #tpu.memory_space<vmem_shared>>) target_semaphore(%run_scoped3A : memref<!tpu.dma_semaphore, #tpu.memory_space<semaphore_mem>>)
        %dma_wait3A_350 = tpu.memref_slice %arg10[%mul3A_234] : memref<1315840xf32, #tpu.memory_space<vmem_shared>> -> memref<5120xf32, #tpu.memory_space<vmem_shared>>
        %dma_wait3A_351 = tpu.memref_slice %arg10[%mul3A_234] : memref<1315840xf32, #tpu.memory_space<vmem_shared>> -> memref<5120xf32, #tpu.memory_space<vmem_shared>>
        tpu.wait_dma2 semaphore(%run_scoped3A : memref<!tpu.dma_semaphore, #tpu.memory_space<semaphore_mem>>) src(%arg8 : memref<5120xf32, #tpu.memory_space<vmem>>) dst(%dma_wait3A_351 : memref<5120xf32, #tpu.memory_space<vmem_shared>>)
        tpu.yield
      }) : () -> ()
      %mul3A_235 = arith.constant 16 : i32
      %mul3A_236 = arith.muli %arg1, %mul3A_235 : i32
      %add3A_237 = arith.constant 4 : i32
      %add3A_238 = arith.addi %mul3A_236, %add3A_237 : i32
      %mul3A_239 = arith.constant 5120 : i32
      %mul3A_240 = arith.muli %add3A_238, %mul3A_239 : i32
      "tpu.region"() ({
        %run_scoped3A = tpu.sem_alloc : memref<!tpu.dma_semaphore, #tpu.memory_space<semaphore_mem>>
        %dma_start3A = tpu.memref_slice %arg10[%mul3A_240] : memref<1315840xf32, #tpu.memory_space<vmem_shared>> -> memref<5120xf32, #tpu.memory_space<vmem_shared>>
        %dma_start3A_349 = tpu.memref_slice %arg10[%mul3A_240] : memref<1315840xf32, #tpu.memory_space<vmem_shared>> -> memref<5120xf32, #tpu.memory_space<vmem_shared>>
        tpu.enqueue_dma source(%arg8 : memref<5120xf32, #tpu.memory_space<vmem>>) target(%dma_start3A_349 : memref<5120xf32, #tpu.memory_space<vmem_shared>>) target_semaphore(%run_scoped3A : memref<!tpu.dma_semaphore, #tpu.memory_space<semaphore_mem>>)
        %dma_wait3A_350 = tpu.memref_slice %arg10[%mul3A_240] : memref<1315840xf32, #tpu.memory_space<vmem_shared>> -> memref<5120xf32, #tpu.memory_space<vmem_shared>>
        %dma_wait3A_351 = tpu.memref_slice %arg10[%mul3A_240] : memref<1315840xf32, #tpu.memory_space<vmem_shared>> -> memref<5120xf32, #tpu.memory_space<vmem_shared>>
        tpu.wait_dma2 semaphore(%run_scoped3A : memref<!tpu.dma_semaphore, #tpu.memory_space<semaphore_mem>>) src(%arg8 : memref<5120xf32, #tpu.memory_space<vmem>>) dst(%dma_wait3A_351 : memref<5120xf32, #tpu.memory_space<vmem_shared>>)
        tpu.yield
      }) : () -> ()
      %mul3A_241 = arith.constant 16 : i32
      %mul3A_242 = arith.muli %arg1, %mul3A_241 : i32
      %add3A_243 = arith.constant 5 : i32
      %add3A_244 = arith.addi %mul3A_242, %add3A_243 : i32
      %mul3A_245 = arith.constant 5120 : i32
      %mul3A_246 = arith.muli %add3A_244, %mul3A_245 : i32
      "tpu.region"() ({
        %run_scoped3A = tpu.sem_alloc : memref<!tpu.dma_semaphore, #tpu.memory_space<semaphore_mem>>
        %dma_start3A = tpu.memref_slice %arg10[%mul3A_246] : memref<1315840xf32, #tpu.memory_space<vmem_shared>> -> memref<5120xf32, #tpu.memory_space<vmem_shared>>
        %dma_start3A_349 = tpu.memref_slice %arg10[%mul3A_246] : memref<1315840xf32, #tpu.memory_space<vmem_shared>> -> memref<5120xf32, #tpu.memory_space<vmem_shared>>
        tpu.enqueue_dma source(%arg8 : memref<5120xf32, #tpu.memory_space<vmem>>) target(%dma_start3A_349 : memref<5120xf32, #tpu.memory_space<vmem_shared>>) target_semaphore(%run_scoped3A : memref<!tpu.dma_semaphore, #tpu.memory_space<semaphore_mem>>)
        %dma_wait3A_350 = tpu.memref_slice %arg10[%mul3A_246] : memref<1315840xf32, #tpu.memory_space<vmem_shared>> -> memref<5120xf32, #tpu.memory_space<vmem_shared>>
        %dma_wait3A_351 = tpu.memref_slice %arg10[%mul3A_246] : memref<1315840xf32, #tpu.memory_space<vmem_shared>> -> memref<5120xf32, #tpu.memory_space<vmem_shared>>
        tpu.wait_dma2 semaphore(%run_scoped3A : memref<!tpu.dma_semaphore, #tpu.memory_space<semaphore_mem>>) src(%arg8 : memref<5120xf32, #tpu.memory_space<vmem>>) dst(%dma_wait3A_351 : memref<5120xf32, #tpu.memory_space<vmem_shared>>)
        tpu.yield
      }) : () -> ()
      %mul3A_247 = arith.constant 16 : i32
      %mul3A_248 = arith.muli %arg1, %mul3A_247 : i32
      %add3A_249 = arith.constant 6 : i32
      %add3A_250 = arith.addi %mul3A_248, %add3A_249 : i32
      %mul3A_251 = arith.constant 5120 : i32
      %mul3A_252 = arith.muli %add3A_250, %mul3A_251 : i32
      "tpu.region"() ({
        %run_scoped3A = tpu.sem_alloc : memref<!tpu.dma_semaphore, #tpu.memory_space<semaphore_mem>>
        %dma_start3A = tpu.memref_slice %arg10[%mul3A_252] : memref<1315840xf32, #tpu.memory_space<vmem_shared>> -> memref<5120xf32, #tpu.memory_space<vmem_shared>>
        %dma_start3A_349 = tpu.memref_slice %arg10[%mul3A_252] : memref<1315840xf32, #tpu.memory_space<vmem_shared>> -> memref<5120xf32, #tpu.memory_space<vmem_shared>>
        tpu.enqueue_dma source(%arg8 : memref<5120xf32, #tpu.memory_space<vmem>>) target(%dma_start3A_349 : memref<5120xf32, #tpu.memory_space<vmem_shared>>) target_semaphore(%run_scoped3A : memref<!tpu.dma_semaphore, #tpu.memory_space<semaphore_mem>>)
        %dma_wait3A_350 = tpu.memref_slice %arg10[%mul3A_252] : memref<1315840xf32, #tpu.memory_space<vmem_shared>> -> memref<5120xf32, #tpu.memory_space<vmem_shared>>
        %dma_wait3A_351 = tpu.memref_slice %arg10[%mul3A_252] : memref<1315840xf32, #tpu.memory_space<vmem_shared>> -> memref<5120xf32, #tpu.memory_space<vmem_shared>>
        tpu.wait_dma2 semaphore(%run_scoped3A : memref<!tpu.dma_semaphore, #tpu.memory_space<semaphore_mem>>) src(%arg8 : memref<5120xf32, #tpu.memory_space<vmem>>) dst(%dma_wait3A_351 : memref<5120xf32, #tpu.memory_space<vmem_shared>>)
        tpu.yield
      }) : () -> ()
      %mul3A_253 = arith.constant 16 : i32
      %mul3A_254 = arith.muli %arg1, %mul3A_253 : i32
      %add3A_255 = arith.constant 7 : i32
      %add3A_256 = arith.addi %mul3A_254, %add3A_255 : i32
      %mul3A_257 = arith.constant 5120 : i32
      %mul3A_258 = arith.muli %add3A_256, %mul3A_257 : i32
      "tpu.region"() ({
        %run_scoped3A = tpu.sem_alloc : memref<!tpu.dma_semaphore, #tpu.memory_space<semaphore_mem>>
        %dma_start3A = tpu.memref_slice %arg10[%mul3A_258] : memref<1315840xf32, #tpu.memory_space<vmem_shared>> -> memref<5120xf32, #tpu.memory_space<vmem_shared>>
        %dma_start3A_349 = tpu.memref_slice %arg10[%mul3A_258] : memref<1315840xf32, #tpu.memory_space<vmem_shared>> -> memref<5120xf32, #tpu.memory_space<vmem_shared>>
        tpu.enqueue_dma source(%arg8 : memref<5120xf32, #tpu.memory_space<vmem>>) target(%dma_start3A_349 : memref<5120xf32, #tpu.memory_space<vmem_shared>>) target_semaphore(%run_scoped3A : memref<!tpu.dma_semaphore, #tpu.memory_space<semaphore_mem>>)
        %dma_wait3A_350 = tpu.memref_slice %arg10[%mul3A_258] : memref<1315840xf32, #tpu.memory_space<vmem_shared>> -> memref<5120xf32, #tpu.memory_space<vmem_shared>>
        %dma_wait3A_351 = tpu.memref_slice %arg10[%mul3A_258] : memref<1315840xf32, #tpu.memory_space<vmem_shared>> -> memref<5120xf32, #tpu.memory_space<vmem_shared>>
        tpu.wait_dma2 semaphore(%run_scoped3A : memref<!tpu.dma_semaphore, #tpu.memory_space<semaphore_mem>>) src(%arg8 : memref<5120xf32, #tpu.memory_space<vmem>>) dst(%dma_wait3A_351 : memref<5120xf32, #tpu.memory_space<vmem_shared>>)
        tpu.yield
      }) : () -> ()
      %mul3A_259 = arith.constant 16 : i32
      %mul3A_260 = arith.muli %arg1, %mul3A_259 : i32
      %add3A_261 = arith.constant 8 : i32
      %add3A_262 = arith.addi %mul3A_260, %add3A_261 : i32
      %mul3A_263 = arith.constant 5120 : i32
      %mul3A_264 = arith.muli %add3A_262, %mul3A_263 : i32
      "tpu.region"() ({
        %run_scoped3A = tpu.sem_alloc : memref<!tpu.dma_semaphore, #tpu.memory_space<semaphore_mem>>
        %dma_start3A = tpu.memref_slice %arg10[%mul3A_264] : memref<1315840xf32, #tpu.memory_space<vmem_shared>> -> memref<5120xf32, #tpu.memory_space<vmem_shared>>
        %dma_start3A_349 = tpu.memref_slice %arg10[%mul3A_264] : memref<1315840xf32, #tpu.memory_space<vmem_shared>> -> memref<5120xf32, #tpu.memory_space<vmem_shared>>
        tpu.enqueue_dma source(%arg8 : memref<5120xf32, #tpu.memory_space<vmem>>) target(%dma_start3A_349 : memref<5120xf32, #tpu.memory_space<vmem_shared>>) target_semaphore(%run_scoped3A : memref<!tpu.dma_semaphore, #tpu.memory_space<semaphore_mem>>)
        %dma_wait3A_350 = tpu.memref_slice %arg10[%mul3A_264] : memref<1315840xf32, #tpu.memory_space<vmem_shared>> -> memref<5120xf32, #tpu.memory_space<vmem_shared>>
        %dma_wait3A_351 = tpu.memref_slice %arg10[%mul3A_264] : memref<1315840xf32, #tpu.memory_space<vmem_shared>> -> memref<5120xf32, #tpu.memory_space<vmem_shared>>
        tpu.wait_dma2 semaphore(%run_scoped3A : memref<!tpu.dma_semaphore, #tpu.memory_space<semaphore_mem>>) src(%arg8 : memref<5120xf32, #tpu.memory_space<vmem>>) dst(%dma_wait3A_351 : memref<5120xf32, #tpu.memory_space<vmem_shared>>)
        tpu.yield
      }) : () -> ()
      %mul3A_265 = arith.constant 16 : i32
      %mul3A_266 = arith.muli %arg1, %mul3A_265 : i32
      %add3A_267 = arith.constant 9 : i32
      %add3A_268 = arith.addi %mul3A_266, %add3A_267 : i32
      %mul3A_269 = arith.constant 5120 : i32
      %mul3A_270 = arith.muli %add3A_268, %mul3A_269 : i32
      "tpu.region"() ({
        %run_scoped3A = tpu.sem_alloc : memref<!tpu.dma_semaphore, #tpu.memory_space<semaphore_mem>>
        %dma_start3A = tpu.memref_slice %arg10[%mul3A_270] : memref<1315840xf32, #tpu.memory_space<vmem_shared>> -> memref<5120xf32, #tpu.memory_space<vmem_shared>>
        %dma_start3A_349 = tpu.memref_slice %arg10[%mul3A_270] : memref<1315840xf32, #tpu.memory_space<vmem_shared>> -> memref<5120xf32, #tpu.memory_space<vmem_shared>>
        tpu.enqueue_dma source(%arg8 : memref<5120xf32, #tpu.memory_space<vmem>>) target(%dma_start3A_349 : memref<5120xf32, #tpu.memory_space<vmem_shared>>) target_semaphore(%run_scoped3A : memref<!tpu.dma_semaphore, #tpu.memory_space<semaphore_mem>>)
        %dma_wait3A_350 = tpu.memref_slice %arg10[%mul3A_270] : memref<1315840xf32, #tpu.memory_space<vmem_shared>> -> memref<5120xf32, #tpu.memory_space<vmem_shared>>
        %dma_wait3A_351 = tpu.memref_slice %arg10[%mul3A_270] : memref<1315840xf32, #tpu.memory_space<vmem_shared>> -> memref<5120xf32, #tpu.memory_space<vmem_shared>>
        tpu.wait_dma2 semaphore(%run_scoped3A : memref<!tpu.dma_semaphore, #tpu.memory_space<semaphore_mem>>) src(%arg8 : memref<5120xf32, #tpu.memory_space<vmem>>) dst(%dma_wait3A_351 : memref<5120xf32, #tpu.memory_space<vmem_shared>>)
        tpu.yield
      }) : () -> ()
      %mul3A_271 = arith.constant 16 : i32
      %mul3A_272 = arith.muli %arg1, %mul3A_271 : i32
      %add3A_273 = arith.constant 10 : i32
      %add3A_274 = arith.addi %mul3A_272, %add3A_273 : i32
      %mul3A_275 = arith.constant 5120 : i32
      %mul3A_276 = arith.muli %add3A_274, %mul3A_275 : i32
      "tpu.region"() ({
        %run_scoped3A = tpu.sem_alloc : memref<!tpu.dma_semaphore, #tpu.memory_space<semaphore_mem>>
        %dma_start3A = tpu.memref_slice %arg10[%mul3A_276] : memref<1315840xf32, #tpu.memory_space<vmem_shared>> -> memref<5120xf32, #tpu.memory_space<vmem_shared>>
        %dma_start3A_349 = tpu.memref_slice %arg10[%mul3A_276] : memref<1315840xf32, #tpu.memory_space<vmem_shared>> -> memref<5120xf32, #tpu.memory_space<vmem_shared>>
        tpu.enqueue_dma source(%arg8 : memref<5120xf32, #tpu.memory_space<vmem>>) target(%dma_start3A_349 : memref<5120xf32, #tpu.memory_space<vmem_shared>>) target_semaphore(%run_scoped3A : memref<!tpu.dma_semaphore, #tpu.memory_space<semaphore_mem>>)
        %dma_wait3A_350 = tpu.memref_slice %arg10[%mul3A_276] : memref<1315840xf32, #tpu.memory_space<vmem_shared>> -> memref<5120xf32, #tpu.memory_space<vmem_shared>>
        %dma_wait3A_351 = tpu.memref_slice %arg10[%mul3A_276] : memref<1315840xf32, #tpu.memory_space<vmem_shared>> -> memref<5120xf32, #tpu.memory_space<vmem_shared>>
        tpu.wait_dma2 semaphore(%run_scoped3A : memref<!tpu.dma_semaphore, #tpu.memory_space<semaphore_mem>>) src(%arg8 : memref<5120xf32, #tpu.memory_space<vmem>>) dst(%dma_wait3A_351 : memref<5120xf32, #tpu.memory_space<vmem_shared>>)
        tpu.yield
      }) : () -> ()
      %mul3A_277 = arith.constant 16 : i32
      %mul3A_278 = arith.muli %arg1, %mul3A_277 : i32
      %add3A_279 = arith.constant 11 : i32
      %add3A_280 = arith.addi %mul3A_278, %add3A_279 : i32
      %mul3A_281 = arith.constant 5120 : i32
      %mul3A_282 = arith.muli %add3A_280, %mul3A_281 : i32
      "tpu.region"() ({
        %run_scoped3A = tpu.sem_alloc : memref<!tpu.dma_semaphore, #tpu.memory_space<semaphore_mem>>
        %dma_start3A = tpu.memref_slice %arg10[%mul3A_282] : memref<1315840xf32, #tpu.memory_space<vmem_shared>> -> memref<5120xf32, #tpu.memory_space<vmem_shared>>
        %dma_start3A_349 = tpu.memref_slice %arg10[%mul3A_282] : memref<1315840xf32, #tpu.memory_space<vmem_shared>> -> memref<5120xf32, #tpu.memory_space<vmem_shared>>
        tpu.enqueue_dma source(%arg8 : memref<5120xf32, #tpu.memory_space<vmem>>) target(%dma_start3A_349 : memref<5120xf32, #tpu.memory_space<vmem_shared>>) target_semaphore(%run_scoped3A : memref<!tpu.dma_semaphore, #tpu.memory_space<semaphore_mem>>)
        %dma_wait3A_350 = tpu.memref_slice %arg10[%mul3A_282] : memref<1315840xf32, #tpu.memory_space<vmem_shared>> -> memref<5120xf32, #tpu.memory_space<vmem_shared>>
        %dma_wait3A_351 = tpu.memref_slice %arg10[%mul3A_282] : memref<1315840xf32, #tpu.memory_space<vmem_shared>> -> memref<5120xf32, #tpu.memory_space<vmem_shared>>
        tpu.wait_dma2 semaphore(%run_scoped3A : memref<!tpu.dma_semaphore, #tpu.memory_space<semaphore_mem>>) src(%arg8 : memref<5120xf32, #tpu.memory_space<vmem>>) dst(%dma_wait3A_351 : memref<5120xf32, #tpu.memory_space<vmem_shared>>)
        tpu.yield
      }) : () -> ()
      %mul3A_283 = arith.constant 16 : i32
      %mul3A_284 = arith.muli %arg1, %mul3A_283 : i32
      %add3A_285 = arith.constant 12 : i32
      %add3A_286 = arith.addi %mul3A_284, %add3A_285 : i32
      %mul3A_287 = arith.constant 5120 : i32
      %mul3A_288 = arith.muli %add3A_286, %mul3A_287 : i32
      "tpu.region"() ({
        %run_scoped3A = tpu.sem_alloc : memref<!tpu.dma_semaphore, #tpu.memory_space<semaphore_mem>>
        %dma_start3A = tpu.memref_slice %arg10[%mul3A_288] : memref<1315840xf32, #tpu.memory_space<vmem_shared>> -> memref<5120xf32, #tpu.memory_space<vmem_shared>>
        %dma_start3A_349 = tpu.memref_slice %arg10[%mul3A_288] : memref<1315840xf32, #tpu.memory_space<vmem_shared>> -> memref<5120xf32, #tpu.memory_space<vmem_shared>>
        tpu.enqueue_dma source(%arg8 : memref<5120xf32, #tpu.memory_space<vmem>>) target(%dma_start3A_349 : memref<5120xf32, #tpu.memory_space<vmem_shared>>) target_semaphore(%run_scoped3A : memref<!tpu.dma_semaphore, #tpu.memory_space<semaphore_mem>>)
        %dma_wait3A_350 = tpu.memref_slice %arg10[%mul3A_288] : memref<1315840xf32, #tpu.memory_space<vmem_shared>> -> memref<5120xf32, #tpu.memory_space<vmem_shared>>
        %dma_wait3A_351 = tpu.memref_slice %arg10[%mul3A_288] : memref<1315840xf32, #tpu.memory_space<vmem_shared>> -> memref<5120xf32, #tpu.memory_space<vmem_shared>>
        tpu.wait_dma2 semaphore(%run_scoped3A : memref<!tpu.dma_semaphore, #tpu.memory_space<semaphore_mem>>) src(%arg8 : memref<5120xf32, #tpu.memory_space<vmem>>) dst(%dma_wait3A_351 : memref<5120xf32, #tpu.memory_space<vmem_shared>>)
        tpu.yield
      }) : () -> ()
      %mul3A_289 = arith.constant 16 : i32
      %mul3A_290 = arith.muli %arg1, %mul3A_289 : i32
      %add3A_291 = arith.constant 13 : i32
      %add3A_292 = arith.addi %mul3A_290, %add3A_291 : i32
      %mul3A_293 = arith.constant 5120 : i32
      %mul3A_294 = arith.muli %add3A_292, %mul3A_293 : i32
      "tpu.region"() ({
        %run_scoped3A = tpu.sem_alloc : memref<!tpu.dma_semaphore, #tpu.memory_space<semaphore_mem>>
        %dma_start3A = tpu.memref_slice %arg10[%mul3A_294] : memref<1315840xf32, #tpu.memory_space<vmem_shared>> -> memref<5120xf32, #tpu.memory_space<vmem_shared>>
        %dma_start3A_349 = tpu.memref_slice %arg10[%mul3A_294] : memref<1315840xf32, #tpu.memory_space<vmem_shared>> -> memref<5120xf32, #tpu.memory_space<vmem_shared>>
        tpu.enqueue_dma source(%arg8 : memref<5120xf32, #tpu.memory_space<vmem>>) target(%dma_start3A_349 : memref<5120xf32, #tpu.memory_space<vmem_shared>>) target_semaphore(%run_scoped3A : memref<!tpu.dma_semaphore, #tpu.memory_space<semaphore_mem>>)
        %dma_wait3A_350 = tpu.memref_slice %arg10[%mul3A_294] : memref<1315840xf32, #tpu.memory_space<vmem_shared>> -> memref<5120xf32, #tpu.memory_space<vmem_shared>>
        %dma_wait3A_351 = tpu.memref_slice %arg10[%mul3A_294] : memref<1315840xf32, #tpu.memory_space<vmem_shared>> -> memref<5120xf32, #tpu.memory_space<vmem_shared>>
        tpu.wait_dma2 semaphore(%run_scoped3A : memref<!tpu.dma_semaphore, #tpu.memory_space<semaphore_mem>>) src(%arg8 : memref<5120xf32, #tpu.memory_space<vmem>>) dst(%dma_wait3A_351 : memref<5120xf32, #tpu.memory_space<vmem_shared>>)
        tpu.yield
      }) : () -> ()
      %mul3A_295 = arith.constant 16 : i32
      %mul3A_296 = arith.muli %arg1, %mul3A_295 : i32
      %add3A_297 = arith.constant 14 : i32
      %add3A_298 = arith.addi %mul3A_296, %add3A_297 : i32
      %mul3A_299 = arith.constant 5120 : i32
      %mul3A_300 = arith.muli %add3A_298, %mul3A_299 : i32
      "tpu.region"() ({
        %run_scoped3A = tpu.sem_alloc : memref<!tpu.dma_semaphore, #tpu.memory_space<semaphore_mem>>
        %dma_start3A = tpu.memref_slice %arg10[%mul3A_300] : memref<1315840xf32, #tpu.memory_space<vmem_shared>> -> memref<5120xf32, #tpu.memory_space<vmem_shared>>
        %dma_start3A_349 = tpu.memref_slice %arg10[%mul3A_300] : memref<1315840xf32, #tpu.memory_space<vmem_shared>> -> memref<5120xf32, #tpu.memory_space<vmem_shared>>
        tpu.enqueue_dma source(%arg8 : memref<5120xf32, #tpu.memory_space<vmem>>) target(%dma_start3A_349 : memref<5120xf32, #tpu.memory_space<vmem_shared>>) target_semaphore(%run_scoped3A : memref<!tpu.dma_semaphore, #tpu.memory_space<semaphore_mem>>)
        %dma_wait3A_350 = tpu.memref_slice %arg10[%mul3A_300] : memref<1315840xf32, #tpu.memory_space<vmem_shared>> -> memref<5120xf32, #tpu.memory_space<vmem_shared>>
        %dma_wait3A_351 = tpu.memref_slice %arg10[%mul3A_300] : memref<1315840xf32, #tpu.memory_space<vmem_shared>> -> memref<5120xf32, #tpu.memory_space<vmem_shared>>
        tpu.wait_dma2 semaphore(%run_scoped3A : memref<!tpu.dma_semaphore, #tpu.memory_space<semaphore_mem>>) src(%arg8 : memref<5120xf32, #tpu.memory_space<vmem>>) dst(%dma_wait3A_351 : memref<5120xf32, #tpu.memory_space<vmem_shared>>)
        tpu.yield
      }) : () -> ()
      %mul3A_301 = arith.constant 16 : i32
      %mul3A_302 = arith.muli %arg1, %mul3A_301 : i32
      %add3A_303 = arith.constant 15 : i32
      %add3A_304 = arith.addi %mul3A_302, %add3A_303 : i32
      %mul3A_305 = arith.constant 5120 : i32
      %mul3A_306 = arith.muli %add3A_304, %mul3A_305 : i32
      "tpu.region"() ({
        %run_scoped3A = tpu.sem_alloc : memref<!tpu.dma_semaphore, #tpu.memory_space<semaphore_mem>>
        %dma_start3A = tpu.memref_slice %arg10[%mul3A_306] : memref<1315840xf32, #tpu.memory_space<vmem_shared>> -> memref<5120xf32, #tpu.memory_space<vmem_shared>>
        %dma_start3A_349 = tpu.memref_slice %arg10[%mul3A_306] : memref<1315840xf32, #tpu.memory_space<vmem_shared>> -> memref<5120xf32, #tpu.memory_space<vmem_shared>>
        tpu.enqueue_dma source(%arg8 : memref<5120xf32, #tpu.memory_space<vmem>>) target(%dma_start3A_349 : memref<5120xf32, #tpu.memory_space<vmem_shared>>) target_semaphore(%run_scoped3A : memref<!tpu.dma_semaphore, #tpu.memory_space<semaphore_mem>>)
        %dma_wait3A_350 = tpu.memref_slice %arg10[%mul3A_306] : memref<1315840xf32, #tpu.memory_space<vmem_shared>> -> memref<5120xf32, #tpu.memory_space<vmem_shared>>
        %dma_wait3A_351 = tpu.memref_slice %arg10[%mul3A_306] : memref<1315840xf32, #tpu.memory_space<vmem_shared>> -> memref<5120xf32, #tpu.memory_space<vmem_shared>>
        tpu.wait_dma2 semaphore(%run_scoped3A : memref<!tpu.dma_semaphore, #tpu.memory_space<semaphore_mem>>) src(%arg8 : memref<5120xf32, #tpu.memory_space<vmem>>) dst(%dma_wait3A_351 : memref<5120xf32, #tpu.memory_space<vmem_shared>>)
        tpu.yield
      }) : () -> ()
      %barrier3A_307 = arith.constant 0 : index
      tpu.barrier barrier_id(%barrier3A_307)
      %scan3A_308 = arith.constant 0 : i32
      %scan3A_309 = arith.constant 0 : i32
      %scan3A_310 = arith.constant 50 : i32
      %scan3A_311 = arith.addi %scan3A_309, %scan3A_310 : i32
      %scan3A_312 = arith.constant 1 : i32
      scf.for %scan3A_349 = %scan3A_309 to %scan3A_311 step %scan3A_312  : i32 {
        %mul3A_350 = arith.constant 4 : i32
        %mul3A_351 = arith.muli %mul3A_350, %scan3A_349 : i32
        %add3A_352 = arith.constant 0 : i32
        %add3A_353 = arith.addi %mul3A_351, %add3A_352 : i32
        %gt3A = arith.constant 0 : i32
        %gt3A_354 = arith.cmpi sgt, %scan3A_349, %gt3A : i32
        %convert_element_type3A = arith.extui %gt3A_354 : i1 to i32
        %cond3A = arith.constant 0 : i32
        %cond3A_355 = arith.cmpi ne, %convert_element_type3A, %cond3A : i32
        scf.if %cond3A_355 {
          %dma_wait3A_1294 = arith.constant 0 : i32
          %dma_wait3A_1295 = arith.constant 0 : i32
          %dma_wait3A_1296 = tpu.memref_slice %arg6[%dma_wait3A_1294, %dma_wait3A_1295] : memref<4x100xi32, #tpu.memory_space<vmem>> -> memref<1x100xi32, #tpu.memory_space<vmem>>
          %dma_wait3A_1297 = tpu.memref_squeeze %dma_wait3A_1296 : memref<1x100xi32, #tpu.memory_space<vmem>> -> memref<100xi32, #tpu.memory_space<vmem>>
          %dma_wait3A_1298 = arith.constant 0 : i32
          %dma_wait3A_1299 = tpu.memref_slice %arg10[%dma_wait3A_1298] : memref<1315840xf32, #tpu.memory_space<vmem_shared>> -> memref<1315840xf32, #tpu.memory_space<vmem_shared>>
          tpu.wait_indirect_dma semaphore(%arg12 : memref<!tpu.dma_semaphore, #tpu.memory_space<semaphore_mem>>) src(%arg7 : memref<100xf32, #tpu.memory_space<vmem>>) dst(%dma_wait3A_1299 : memref<1315840xf32, #tpu.memory_space<vmem_shared>>)
        } else {
        }
        %get3A = arith.index_cast %add3A_353 : i32 to index
        %get3A_356 = arith.constant 0 : index
        %get3A_357 = tpu.vector_load %arg5[%get3A, %get3A_356] {strides = array<i32>} : memref<200x100xi32, #tpu.memory_space<vmem>>, vector<1x16xi32>,
        %get3A_358 = vector.shape_cast %get3A_357 : vector<1x16xi32> to vector<16xi32>
        %and3A = arith.constant 65535 : i32
        %and3A_359 = vector.broadcast %and3A : i32 to vector<16xi32>
        %and3A_360 = arith.andi %get3A_358, %and3A_359 : vector<16xi32>
        %shift_right_logical3A = arith.constant 16 : i32
        %shift_right_logical3A_361 = vector.broadcast %shift_right_logical3A : i32 to vector<16xi32>
        %shift_right_logical3A_362 = arith.shrui %get3A_358, %shift_right_logical3A_361 : vector<16xi32>
        %sub3A = vector.broadcast %add3A_210 : i32 to vector<16xi32>
        %sub3A_363 = arith.subi %shift_right_logical3A_362, %sub3A : vector<16xi32>
        %ge3A = arith.constant 0 : i32
        %ge3A_364 = vector.broadcast %ge3A : i32 to vector<16xi32>
        %ge3A_365 = arith.cmpi sge, %sub3A_363, %ge3A_364 : vector<16xi32>
        %lt3A = arith.constant 256 : i32
        %lt3A_366 = vector.broadcast %lt3A : i32 to vector<16xi32>
        %lt3A_367 = arith.cmpi slt, %sub3A_363, %lt3A_366 : vector<16xi32>
        %and3A_368 = arith.andi %ge3A_365, %lt3A_367 : vector<16xi1>
        %jit3A = arith.constant 256 : i32
        %broadcast_in_dim3A_369 = vector.broadcast %jit3A : i32 to vector<16xi32>
        %select_n3A = arith.select %and3A_368, %sub3A_363, %broadcast_in_dim3A_369 : vector<16xi1>, vector<16xi32>
        %mul3A_370 = arith.constant 5120 : i32
        %mul3A_371 = vector.broadcast %mul3A_370 : i32 to vector<16xi32>
        %mul3A_372 = arith.muli %select_n3A, %mul3A_371 : vector<16xi32>
        %add3A_373 = arith.addi %mul3A_372, %and3A_360 : vector<16xi32>
        %swap3A_374 = arith.constant 0 : i32
        %swap3A_375 = arith.index_cast %swap3A_374 : i32 to index
        %swap3A_376 = arith.constant 0 : index
        %swap3A_377 = tpu.vector_load %arg6[%swap3A_375, %swap3A_376] {strides = array<i32>} : memref<4x100xi32, #tpu.memory_space<vmem>>, vector<1x16xi32>,
        %swap3A_378 = vector.shape_cast %swap3A_377 : vector<1x16xi32> to vector<16xi32>
        %swap3A_379 = vector.shape_cast %add3A_373 : vector<16xi32> to vector<1x16xi32>
        tpu.vector_store %arg6[%swap3A_375, %swap3A_376], %swap3A_379 {strides = array<i32>} : memref<4x100xi32, #tpu.memory_space<vmem>>, vector<1x16xi32>,
        %get3A_380 = arith.index_cast %add3A_353 : i32 to index
        %get3A_381 = arith.constant 16 : index
        %get3A_382 = tpu.vector_load %arg5[%get3A_380, %get3A_381] {strides = array<i32>} : memref<200x100xi32, #tpu.memory_space<vmem>>, vector<1x16xi32>,
        %get3A_383 = vector.shape_cast %get3A_382 : vector<1x16xi32> to vector<16xi32>
        %and3A_384 = arith.constant 65535 : i32
        %and3A_385 = vector.broadcast %and3A_384 : i32 to vector<16xi32>
        %and3A_386 = arith.andi %get3A_383, %and3A_385 : vector<16xi32>
        %shift_right_logical3A_387 = arith.constant 16 : i32
        %shift_right_logical3A_388 = vector.broadcast %shift_right_logical3A_387 : i32 to vector<16xi32>
        %shift_right_logical3A_389 = arith.shrui %get3A_383, %shift_right_logical3A_388 : vector<16xi32>
        %sub3A_390 = vector.broadcast %add3A_210 : i32 to vector<16xi32>
        %sub3A_391 = arith.subi %shift_right_logical3A_389, %sub3A_390 : vector<16xi32>
        %ge3A_392 = arith.constant 0 : i32
        %ge3A_393 = vector.broadcast %ge3A_392 : i32 to vector<16xi32>
        %ge3A_394 = arith.cmpi sge, %sub3A_391, %ge3A_393 : vector<16xi32>
        %lt3A_395 = arith.constant 256 : i32
        %lt3A_396 = vector.broadcast %lt3A_395 : i32 to vector<16xi32>
        %lt3A_397 = arith.cmpi slt, %sub3A_391, %lt3A_396 : vector<16xi32>
        %and3A_398 = arith.andi %ge3A_394, %lt3A_397 : vector<16xi1>
        %jit3A_399 = arith.constant 256 : i32
        %broadcast_in_dim3A_400 = vector.broadcast %jit3A_399 : i32 to vector<16xi32>
        %select_n3A_401 = arith.select %and3A_398, %sub3A_391, %broadcast_in_dim3A_400 : vector<16xi1>, vector<16xi32>
        %mul3A_402 = arith.constant 5120 : i32
        %mul3A_403 = vector.broadcast %mul3A_402 : i32 to vector<16xi32>
        %mul3A_404 = arith.muli %select_n3A_401, %mul3A_403 : vector<16xi32>
        %add3A_405 = arith.addi %mul3A_404, %and3A_386 : vector<16xi32>
        %swap3A_406 = arith.constant 0 : i32
        %swap3A_407 = arith.index_cast %swap3A_406 : i32 to index
        %swap3A_408 = arith.constant 16 : index
        %swap3A_409 = tpu.vector_load %arg6[%swap3A_407, %swap3A_408] {strides = array<i32>} : memref<4x100xi32, #tpu.memory_space<vmem>>, vector<1x16xi32>,
        %swap3A_410 = vector.shape_cast %swap3A_409 : vector<1x16xi32> to vector<16xi32>
        %swap3A_411 = vector.shape_cast %add3A_405 : vector<16xi32> to vector<1x16xi32>
        tpu.vector_store %arg6[%swap3A_407, %swap3A_408], %swap3A_411 {strides = array<i32>} : memref<4x100xi32, #tpu.memory_space<vmem>>, vector<1x16xi32>,
        %get3A_412 = arith.index_cast %add3A_353 : i32 to index
        %get3A_413 = arith.constant 32 : index
        %get3A_414 = tpu.vector_load %arg5[%get3A_412, %get3A_413] {strides = array<i32>} : memref<200x100xi32, #tpu.memory_space<vmem>>, vector<1x16xi32>,
        %get3A_415 = vector.shape_cast %get3A_414 : vector<1x16xi32> to vector<16xi32>
        %and3A_416 = arith.constant 65535 : i32
        %and3A_417 = vector.broadcast %and3A_416 : i32 to vector<16xi32>
        %and3A_418 = arith.andi %get3A_415, %and3A_417 : vector<16xi32>
        %shift_right_logical3A_419 = arith.constant 16 : i32
        %shift_right_logical3A_420 = vector.broadcast %shift_right_logical3A_419 : i32 to vector<16xi32>
        %shift_right_logical3A_421 = arith.shrui %get3A_415, %shift_right_logical3A_420 : vector<16xi32>
        %sub3A_422 = vector.broadcast %add3A_210 : i32 to vector<16xi32>
        %sub3A_423 = arith.subi %shift_right_logical3A_421, %sub3A_422 : vector<16xi32>
        %ge3A_424 = arith.constant 0 : i32
        %ge3A_425 = vector.broadcast %ge3A_424 : i32 to vector<16xi32>
        %ge3A_426 = arith.cmpi sge, %sub3A_423, %ge3A_425 : vector<16xi32>
        %lt3A_427 = arith.constant 256 : i32
        %lt3A_428 = vector.broadcast %lt3A_427 : i32 to vector<16xi32>
        %lt3A_429 = arith.cmpi slt, %sub3A_423, %lt3A_428 : vector<16xi32>
        %and3A_430 = arith.andi %ge3A_426, %lt3A_429 : vector<16xi1>
        %jit3A_431 = arith.constant 256 : i32
        %broadcast_in_dim3A_432 = vector.broadcast %jit3A_431 : i32 to vector<16xi32>
        %select_n3A_433 = arith.select %and3A_430, %sub3A_423, %broadcast_in_dim3A_432 : vector<16xi1>, vector<16xi32>
        %mul3A_434 = arith.constant 5120 : i32
        %mul3A_435 = vector.broadcast %mul3A_434 : i32 to vector<16xi32>
        %mul3A_436 = arith.muli %select_n3A_433, %mul3A_435 : vector<16xi32>
        %add3A_437 = arith.addi %mul3A_436, %and3A_418 : vector<16xi32>
        %swap3A_438 = arith.constant 0 : i32
        %swap3A_439 = arith.index_cast %swap3A_438 : i32 to index
        %swap3A_440 = arith.constant 32 : index
        %swap3A_441 = tpu.vector_load %arg6[%swap3A_439, %swap3A_440] {strides = array<i32>} : memref<4x100xi32, #tpu.memory_space<vmem>>, vector<1x16xi32>,
        %swap3A_442 = vector.shape_cast %swap3A_441 : vector<1x16xi32> to vector<16xi32>
        %swap3A_443 = vector.shape_cast %add3A_437 : vector<16xi32> to vector<1x16xi32>
        tpu.vector_store %arg6[%swap3A_439, %swap3A_440], %swap3A_443 {strides = array<i32>} : memref<4x100xi32, #tpu.memory_space<vmem>>, vector<1x16xi32>,
        %get3A_444 = arith.index_cast %add3A_353 : i32 to index
        %get3A_445 = arith.constant 48 : index
        %get3A_446 = tpu.vector_load %arg5[%get3A_444, %get3A_445] {strides = array<i32>} : memref<200x100xi32, #tpu.memory_space<vmem>>, vector<1x16xi32>,
        %get3A_447 = vector.shape_cast %get3A_446 : vector<1x16xi32> to vector<16xi32>
        %and3A_448 = arith.constant 65535 : i32
        %and3A_449 = vector.broadcast %and3A_448 : i32 to vector<16xi32>
        %and3A_450 = arith.andi %get3A_447, %and3A_449 : vector<16xi32>
        %shift_right_logical3A_451 = arith.constant 16 : i32
        %shift_right_logical3A_452 = vector.broadcast %shift_right_logical3A_451 : i32 to vector<16xi32>
        %shift_right_logical3A_453 = arith.shrui %get3A_447, %shift_right_logical3A_452 : vector<16xi32>
        %sub3A_454 = vector.broadcast %add3A_210 : i32 to vector<16xi32>
        %sub3A_455 = arith.subi %shift_right_logical3A_453, %sub3A_454 : vector<16xi32>
        %ge3A_456 = arith.constant 0 : i32
        %ge3A_457 = vector.broadcast %ge3A_456 : i32 to vector<16xi32>
        %ge3A_458 = arith.cmpi sge, %sub3A_455, %ge3A_457 : vector<16xi32>
        %lt3A_459 = arith.constant 256 : i32
        %lt3A_460 = vector.broadcast %lt3A_459 : i32 to vector<16xi32>
        %lt3A_461 = arith.cmpi slt, %sub3A_455, %lt3A_460 : vector<16xi32>
        %and3A_462 = arith.andi %ge3A_458, %lt3A_461 : vector<16xi1>
        %jit3A_463 = arith.constant 256 : i32
        %broadcast_in_dim3A_464 = vector.broadcast %jit3A_463 : i32 to vector<16xi32>
        %select_n3A_465 = arith.select %and3A_462, %sub3A_455, %broadcast_in_dim3A_464 : vector<16xi1>, vector<16xi32>
        %mul3A_466 = arith.constant 5120 : i32
        %mul3A_467 = vector.broadcast %mul3A_466 : i32 to vector<16xi32>
        %mul3A_468 = arith.muli %select_n3A_465, %mul3A_467 : vector<16xi32>
        %add3A_469 = arith.addi %mul3A_468, %and3A_450 : vector<16xi32>
        %swap3A_470 = arith.constant 0 : i32
        %swap3A_471 = arith.index_cast %swap3A_470 : i32 to index
        %swap3A_472 = arith.constant 48 : index
        %swap3A_473 = tpu.vector_load %arg6[%swap3A_471, %swap3A_472] {strides = array<i32>} : memref<4x100xi32, #tpu.memory_space<vmem>>, vector<1x16xi32>,
        %swap3A_474 = vector.shape_cast %swap3A_473 : vector<1x16xi32> to vector<16xi32>
        %swap3A_475 = vector.shape_cast %add3A_469 : vector<16xi32> to vector<1x16xi32>
        tpu.vector_store %arg6[%swap3A_471, %swap3A_472], %swap3A_475 {strides = array<i32>} : memref<4x100xi32, #tpu.memory_space<vmem>>, vector<1x16xi32>,
        %get3A_476 = arith.index_cast %add3A_353 : i32 to index
        %get3A_477 = arith.constant 64 : index
        %get3A_478 = tpu.vector_load %arg5[%get3A_476, %get3A_477] {strides = array<i32>} : memref<200x100xi32, #tpu.memory_space<vmem>>, vector<1x16xi32>,
        %get3A_479 = vector.shape_cast %get3A_478 : vector<1x16xi32> to vector<16xi32>
        %and3A_480 = arith.constant 65535 : i32
        %and3A_481 = vector.broadcast %and3A_480 : i32 to vector<16xi32>
        %and3A_482 = arith.andi %get3A_479, %and3A_481 : vector<16xi32>
        %shift_right_logical3A_483 = arith.constant 16 : i32
        %shift_right_logical3A_484 = vector.broadcast %shift_right_logical3A_483 : i32 to vector<16xi32>
        %shift_right_logical3A_485 = arith.shrui %get3A_479, %shift_right_logical3A_484 : vector<16xi32>
        %sub3A_486 = vector.broadcast %add3A_210 : i32 to vector<16xi32>
        %sub3A_487 = arith.subi %shift_right_logical3A_485, %sub3A_486 : vector<16xi32>
        %ge3A_488 = arith.constant 0 : i32
        %ge3A_489 = vector.broadcast %ge3A_488 : i32 to vector<16xi32>
        %ge3A_490 = arith.cmpi sge, %sub3A_487, %ge3A_489 : vector<16xi32>
        %lt3A_491 = arith.constant 256 : i32
        %lt3A_492 = vector.broadcast %lt3A_491 : i32 to vector<16xi32>
        %lt3A_493 = arith.cmpi slt, %sub3A_487, %lt3A_492 : vector<16xi32>
        %and3A_494 = arith.andi %ge3A_490, %lt3A_493 : vector<16xi1>
        %jit3A_495 = arith.constant 256 : i32
        %broadcast_in_dim3A_496 = vector.broadcast %jit3A_495 : i32 to vector<16xi32>
        %select_n3A_497 = arith.select %and3A_494, %sub3A_487, %broadcast_in_dim3A_496 : vector<16xi1>, vector<16xi32>
        %mul3A_498 = arith.constant 5120 : i32
        %mul3A_499 = vector.broadcast %mul3A_498 : i32 to vector<16xi32>
        %mul3A_500 = arith.muli %select_n3A_497, %mul3A_499 : vector<16xi32>
        %add3A_501 = arith.addi %mul3A_500, %and3A_482 : vector<16xi32>
        %swap3A_502 = arith.constant 0 : i32
        %swap3A_503 = arith.index_cast %swap3A_502 : i32 to index
        %swap3A_504 = arith.constant 64 : index
        %swap3A_505 = tpu.vector_load %arg6[%swap3A_503, %swap3A_504] {strides = array<i32>} : memref<4x100xi32, #tpu.memory_space<vmem>>, vector<1x16xi32>,
        %swap3A_506 = vector.shape_cast %swap3A_505 : vector<1x16xi32> to vector<16xi32>
        %swap3A_507 = vector.shape_cast %add3A_501 : vector<16xi32> to vector<1x16xi32>
        tpu.vector_store %arg6[%swap3A_503, %swap3A_504], %swap3A_507 {strides = array<i32>} : memref<4x100xi32, #tpu.memory_space<vmem>>, vector<1x16xi32>,
        %get3A_508 = arith.index_cast %add3A_353 : i32 to index
        %get3A_509 = arith.constant 80 : index
        %get3A_510 = tpu.vector_load %arg5[%get3A_508, %get3A_509] {strides = array<i32>} : memref<200x100xi32, #tpu.memory_space<vmem>>, vector<1x16xi32>,
        %get3A_511 = vector.shape_cast %get3A_510 : vector<1x16xi32> to vector<16xi32>
        %and3A_512 = arith.constant 65535 : i32
        %and3A_513 = vector.broadcast %and3A_512 : i32 to vector<16xi32>
        %and3A_514 = arith.andi %get3A_511, %and3A_513 : vector<16xi32>
        %shift_right_logical3A_515 = arith.constant 16 : i32
        %shift_right_logical3A_516 = vector.broadcast %shift_right_logical3A_515 : i32 to vector<16xi32>
        %shift_right_logical3A_517 = arith.shrui %get3A_511, %shift_right_logical3A_516 : vector<16xi32>
        %sub3A_518 = vector.broadcast %add3A_210 : i32 to vector<16xi32>
        %sub3A_519 = arith.subi %shift_right_logical3A_517, %sub3A_518 : vector<16xi32>
        %ge3A_520 = arith.constant 0 : i32
        %ge3A_521 = vector.broadcast %ge3A_520 : i32 to vector<16xi32>
        %ge3A_522 = arith.cmpi sge, %sub3A_519, %ge3A_521 : vector<16xi32>
        %lt3A_523 = arith.constant 256 : i32
        %lt3A_524 = vector.broadcast %lt3A_523 : i32 to vector<16xi32>
        %lt3A_525 = arith.cmpi slt, %sub3A_519, %lt3A_524 : vector<16xi32>
        %and3A_526 = arith.andi %ge3A_522, %lt3A_525 : vector<16xi1>
        %jit3A_527 = arith.constant 256 : i32
        %broadcast_in_dim3A_528 = vector.broadcast %jit3A_527 : i32 to vector<16xi32>
        %select_n3A_529 = arith.select %and3A_526, %sub3A_519, %broadcast_in_dim3A_528 : vector<16xi1>, vector<16xi32>
        %mul3A_530 = arith.constant 5120 : i32
        %mul3A_531 = vector.broadcast %mul3A_530 : i32 to vector<16xi32>
        %mul3A_532 = arith.muli %select_n3A_529, %mul3A_531 : vector<16xi32>
        %add3A_533 = arith.addi %mul3A_532, %and3A_514 : vector<16xi32>
        %swap3A_534 = arith.constant 0 : i32
        %swap3A_535 = arith.index_cast %swap3A_534 : i32 to index
        %swap3A_536 = arith.constant 80 : index
        %swap3A_537 = tpu.vector_load %arg6[%swap3A_535, %swap3A_536] {strides = array<i32>} : memref<4x100xi32, #tpu.memory_space<vmem>>, vector<1x16xi32>,
        %swap3A_538 = vector.shape_cast %swap3A_537 : vector<1x16xi32> to vector<16xi32>
        %swap3A_539 = vector.shape_cast %add3A_533 : vector<16xi32> to vector<1x16xi32>
        tpu.vector_store %arg6[%swap3A_535, %swap3A_536], %swap3A_539 {strides = array<i32>} : memref<4x100xi32, #tpu.memory_space<vmem>>, vector<1x16xi32>,
        %get3A_540 = arith.index_cast %add3A_353 : i32 to index
        %get3A_541 = arith.constant 84 : index
        %get3A_542 = tpu.vector_load %arg5[%get3A_540, %get3A_541] {strides = array<i32>} : memref<200x100xi32, #tpu.memory_space<vmem>>, vector<1x16xi32>,
        %get3A_543 = vector.shape_cast %get3A_542 : vector<1x16xi32> to vector<16xi32>
        %and3A_544 = arith.constant 65535 : i32
        %and3A_545 = vector.broadcast %and3A_544 : i32 to vector<16xi32>
        %and3A_546 = arith.andi %get3A_543, %and3A_545 : vector<16xi32>
        %shift_right_logical3A_547 = arith.constant 16 : i32
        %shift_right_logical3A_548 = vector.broadcast %shift_right_logical3A_547 : i32 to vector<16xi32>
        %shift_right_logical3A_549 = arith.shrui %get3A_543, %shift_right_logical3A_548 : vector<16xi32>
        %sub3A_550 = vector.broadcast %add3A_210 : i32 to vector<16xi32>
        %sub3A_551 = arith.subi %shift_right_logical3A_549, %sub3A_550 : vector<16xi32>
        %ge3A_552 = arith.constant 0 : i32
        %ge3A_553 = vector.broadcast %ge3A_552 : i32 to vector<16xi32>
        %ge3A_554 = arith.cmpi sge, %sub3A_551, %ge3A_553 : vector<16xi32>
        %lt3A_555 = arith.constant 256 : i32
        %lt3A_556 = vector.broadcast %lt3A_555 : i32 to vector<16xi32>
        %lt3A_557 = arith.cmpi slt, %sub3A_551, %lt3A_556 : vector<16xi32>
        %and3A_558 = arith.andi %ge3A_554, %lt3A_557 : vector<16xi1>
        %jit3A_559 = arith.constant 256 : i32
        %broadcast_in_dim3A_560 = vector.broadcast %jit3A_559 : i32 to vector<16xi32>
        %select_n3A_561 = arith.select %and3A_558, %sub3A_551, %broadcast_in_dim3A_560 : vector<16xi1>, vector<16xi32>
        %mul3A_562 = arith.constant 5120 : i32
        %mul3A_563 = vector.broadcast %mul3A_562 : i32 to vector<16xi32>
        %mul3A_564 = arith.muli %select_n3A_561, %mul3A_563 : vector<16xi32>
        %add3A_565 = arith.addi %mul3A_564, %and3A_546 : vector<16xi32>
        %swap3A_566 = arith.constant 0 : i32
        %swap3A_567 = arith.index_cast %swap3A_566 : i32 to index
        %swap3A_568 = arith.constant 84 : index
        %swap3A_569 = tpu.vector_load %arg6[%swap3A_567, %swap3A_568] {strides = array<i32>} : memref<4x100xi32, #tpu.memory_space<vmem>>, vector<1x16xi32>,
        %swap3A_570 = vector.shape_cast %swap3A_569 : vector<1x16xi32> to vector<16xi32>
        %swap3A_571 = vector.shape_cast %add3A_565 : vector<16xi32> to vector<1x16xi32>
        tpu.vector_store %arg6[%swap3A_567, %swap3A_568], %swap3A_571 {strides = array<i32>} : memref<4x100xi32, #tpu.memory_space<vmem>>, vector<1x16xi32>,
        %dma_start3A = arith.constant 0 : i32
        %dma_start3A_572 = arith.constant 0 : i32
        %dma_start3A_573 = tpu.memref_slice %arg6[%dma_start3A, %dma_start3A_572] : memref<4x100xi32, #tpu.memory_space<vmem>> -> memref<1x100xi32, #tpu.memory_space<vmem>>
        %dma_start3A_574 = tpu.memref_squeeze %dma_start3A_573 : memref<1x100xi32, #tpu.memory_space<vmem>> -> memref<100xi32, #tpu.memory_space<vmem>>
        %dma_start3A_575 = arith.constant 0 : i32
        %dma_start3A_576 = tpu.memref_slice %arg10[%dma_start3A_575] : memref<1315840xf32, #tpu.memory_space<vmem_shared>> -> memref<1315840xf32, #tpu.memory_space<vmem_shared>>
        tpu.enqueue_indirect_dma source(%arg7 : memref<100xf32, #tpu.memory_space<vmem>>) target(%dma_start3A_576 : memref<1315840xf32, #tpu.memory_space<vmem_shared>>) offsets(%dma_start3A_574 : memref<100xi32, #tpu.memory_space<vmem>>) semaphore(%arg12 : memref<!tpu.dma_semaphore, #tpu.memory_space<semaphore_mem>>) {add = true}
        %mul3A_577 = arith.constant 4 : i32
        %mul3A_578 = arith.muli %mul3A_577, %scan3A_349 : i32
        %add3A_579 = arith.constant 1 : i32
        %add3A_580 = arith.addi %mul3A_578, %add3A_579 : i32
        %gt3A_581 = arith.constant 0 : i32
        %gt3A_582 = arith.cmpi sgt, %scan3A_349, %gt3A_581 : i32
        %convert_element_type3A_583 = arith.extui %gt3A_582 : i1 to i32
        %cond3A_584 = arith.constant 0 : i32
        %cond3A_585 = arith.cmpi ne, %convert_element_type3A_583, %cond3A_584 : i32
        scf.if %cond3A_585 {
          %dma_wait3A_1294 = arith.constant 1 : i32
          %dma_wait3A_1295 = arith.constant 0 : i32
          %dma_wait3A_1296 = tpu.memref_slice %arg6[%dma_wait3A_1294, %dma_wait3A_1295] : memref<4x100xi32, #tpu.memory_space<vmem>> -> memref<1x100xi32, #tpu.memory_space<vmem>>
          %dma_wait3A_1297 = tpu.memref_squeeze %dma_wait3A_1296 : memref<1x100xi32, #tpu.memory_space<vmem>> -> memref<100xi32, #tpu.memory_space<vmem>>
          %dma_wait3A_1298 = arith.constant 0 : i32
          %dma_wait3A_1299 = tpu.memref_slice %arg10[%dma_wait3A_1298] : memref<1315840xf32, #tpu.memory_space<vmem_shared>> -> memref<1315840xf32, #tpu.memory_space<vmem_shared>>
          tpu.wait_indirect_dma semaphore(%arg13 : memref<!tpu.dma_semaphore, #tpu.memory_space<semaphore_mem>>) src(%arg7 : memref<100xf32, #tpu.memory_space<vmem>>) dst(%dma_wait3A_1299 : memref<1315840xf32, #tpu.memory_space<vmem_shared>>)
        } else {
        }
        %get3A_586 = arith.index_cast %add3A_580 : i32 to index
        %get3A_587 = arith.constant 0 : index
        %get3A_588 = tpu.vector_load %arg5[%get3A_586, %get3A_587] {strides = array<i32>} : memref<200x100xi32, #tpu.memory_space<vmem>>, vector<1x16xi32>,
        %get3A_589 = vector.shape_cast %get3A_588 : vector<1x16xi32> to vector<16xi32>
        %and3A_590 = arith.constant 65535 : i32
        %and3A_591 = vector.broadcast %and3A_590 : i32 to vector<16xi32>
        %and3A_592 = arith.andi %get3A_589, %and3A_591 : vector<16xi32>
        %shift_right_logical3A_593 = arith.constant 16 : i32
        %shift_right_logical3A_594 = vector.broadcast %shift_right_logical3A_593 : i32 to vector<16xi32>
        %shift_right_logical3A_595 = arith.shrui %get3A_589, %shift_right_logical3A_594 : vector<16xi32>
        %sub3A_596 = vector.broadcast %add3A_210 : i32 to vector<16xi32>
        %sub3A_597 = arith.subi %shift_right_logical3A_595, %sub3A_596 : vector<16xi32>
        %ge3A_598 = arith.constant 0 : i32
        %ge3A_599 = vector.broadcast %ge3A_598 : i32 to vector<16xi32>
        %ge3A_600 = arith.cmpi sge, %sub3A_597, %ge3A_599 : vector<16xi32>
        %lt3A_601 = arith.constant 256 : i32
        %lt3A_602 = vector.broadcast %lt3A_601 : i32 to vector<16xi32>
        %lt3A_603 = arith.cmpi slt, %sub3A_597, %lt3A_602 : vector<16xi32>
        %and3A_604 = arith.andi %ge3A_600, %lt3A_603 : vector<16xi1>
        %jit3A_605 = arith.constant 256 : i32
        %broadcast_in_dim3A_606 = vector.broadcast %jit3A_605 : i32 to vector<16xi32>
        %select_n3A_607 = arith.select %and3A_604, %sub3A_597, %broadcast_in_dim3A_606 : vector<16xi1>, vector<16xi32>
        %mul3A_608 = arith.constant 5120 : i32
        %mul3A_609 = vector.broadcast %mul3A_608 : i32 to vector<16xi32>
        %mul3A_610 = arith.muli %select_n3A_607, %mul3A_609 : vector<16xi32>
        %add3A_611 = arith.addi %mul3A_610, %and3A_592 : vector<16xi32>
        %swap3A_612 = arith.constant 1 : i32
        %swap3A_613 = arith.index_cast %swap3A_612 : i32 to index
        %swap3A_614 = arith.constant 0 : index
        %swap3A_615 = tpu.vector_load %arg6[%swap3A_613, %swap3A_614] {strides = array<i32>} : memref<4x100xi32, #tpu.memory_space<vmem>>, vector<1x16xi32>,
        %swap3A_616 = vector.shape_cast %swap3A_615 : vector<1x16xi32> to vector<16xi32>
        %swap3A_617 = vector.shape_cast %add3A_611 : vector<16xi32> to vector<1x16xi32>
        tpu.vector_store %arg6[%swap3A_613, %swap3A_614], %swap3A_617 {strides = array<i32>} : memref<4x100xi32, #tpu.memory_space<vmem>>, vector<1x16xi32>,
        %get3A_618 = arith.index_cast %add3A_580 : i32 to index
        %get3A_619 = arith.constant 16 : index
        %get3A_620 = tpu.vector_load %arg5[%get3A_618, %get3A_619] {strides = array<i32>} : memref<200x100xi32, #tpu.memory_space<vmem>>, vector<1x16xi32>,
        %get3A_621 = vector.shape_cast %get3A_620 : vector<1x16xi32> to vector<16xi32>
        %and3A_622 = arith.constant 65535 : i32
        %and3A_623 = vector.broadcast %and3A_622 : i32 to vector<16xi32>
        %and3A_624 = arith.andi %get3A_621, %and3A_623 : vector<16xi32>
        %shift_right_logical3A_625 = arith.constant 16 : i32
        %shift_right_logical3A_626 = vector.broadcast %shift_right_logical3A_625 : i32 to vector<16xi32>
        %shift_right_logical3A_627 = arith.shrui %get3A_621, %shift_right_logical3A_626 : vector<16xi32>
        %sub3A_628 = vector.broadcast %add3A_210 : i32 to vector<16xi32>
        %sub3A_629 = arith.subi %shift_right_logical3A_627, %sub3A_628 : vector<16xi32>
        %ge3A_630 = arith.constant 0 : i32
        %ge3A_631 = vector.broadcast %ge3A_630 : i32 to vector<16xi32>
        %ge3A_632 = arith.cmpi sge, %sub3A_629, %ge3A_631 : vector<16xi32>
        %lt3A_633 = arith.constant 256 : i32
        %lt3A_634 = vector.broadcast %lt3A_633 : i32 to vector<16xi32>
        %lt3A_635 = arith.cmpi slt, %sub3A_629, %lt3A_634 : vector<16xi32>
        %and3A_636 = arith.andi %ge3A_632, %lt3A_635 : vector<16xi1>
        %jit3A_637 = arith.constant 256 : i32
        %broadcast_in_dim3A_638 = vector.broadcast %jit3A_637 : i32 to vector<16xi32>
        %select_n3A_639 = arith.select %and3A_636, %sub3A_629, %broadcast_in_dim3A_638 : vector<16xi1>, vector<16xi32>
        %mul3A_640 = arith.constant 5120 : i32
        %mul3A_641 = vector.broadcast %mul3A_640 : i32 to vector<16xi32>
        %mul3A_642 = arith.muli %select_n3A_639, %mul3A_641 : vector<16xi32>
        %add3A_643 = arith.addi %mul3A_642, %and3A_624 : vector<16xi32>
        %swap3A_644 = arith.constant 1 : i32
        %swap3A_645 = arith.index_cast %swap3A_644 : i32 to index
        %swap3A_646 = arith.constant 16 : index
        %swap3A_647 = tpu.vector_load %arg6[%swap3A_645, %swap3A_646] {strides = array<i32>} : memref<4x100xi32, #tpu.memory_space<vmem>>, vector<1x16xi32>,
        %swap3A_648 = vector.shape_cast %swap3A_647 : vector<1x16xi32> to vector<16xi32>
        %swap3A_649 = vector.shape_cast %add3A_643 : vector<16xi32> to vector<1x16xi32>
        tpu.vector_store %arg6[%swap3A_645, %swap3A_646], %swap3A_649 {strides = array<i32>} : memref<4x100xi32, #tpu.memory_space<vmem>>, vector<1x16xi32>,
        %get3A_650 = arith.index_cast %add3A_580 : i32 to index
        %get3A_651 = arith.constant 32 : index
        %get3A_652 = tpu.vector_load %arg5[%get3A_650, %get3A_651] {strides = array<i32>} : memref<200x100xi32, #tpu.memory_space<vmem>>, vector<1x16xi32>,
        %get3A_653 = vector.shape_cast %get3A_652 : vector<1x16xi32> to vector<16xi32>
        %and3A_654 = arith.constant 65535 : i32
        %and3A_655 = vector.broadcast %and3A_654 : i32 to vector<16xi32>
        %and3A_656 = arith.andi %get3A_653, %and3A_655 : vector<16xi32>
        %shift_right_logical3A_657 = arith.constant 16 : i32
        %shift_right_logical3A_658 = vector.broadcast %shift_right_logical3A_657 : i32 to vector<16xi32>
        %shift_right_logical3A_659 = arith.shrui %get3A_653, %shift_right_logical3A_658 : vector<16xi32>
        %sub3A_660 = vector.broadcast %add3A_210 : i32 to vector<16xi32>
        %sub3A_661 = arith.subi %shift_right_logical3A_659, %sub3A_660 : vector<16xi32>
        %ge3A_662 = arith.constant 0 : i32
        %ge3A_663 = vector.broadcast %ge3A_662 : i32 to vector<16xi32>
        %ge3A_664 = arith.cmpi sge, %sub3A_661, %ge3A_663 : vector<16xi32>
        %lt3A_665 = arith.constant 256 : i32
        %lt3A_666 = vector.broadcast %lt3A_665 : i32 to vector<16xi32>
        %lt3A_667 = arith.cmpi slt, %sub3A_661, %lt3A_666 : vector<16xi32>
        %and3A_668 = arith.andi %ge3A_664, %lt3A_667 : vector<16xi1>
        %jit3A_669 = arith.constant 256 : i32
        %broadcast_in_dim3A_670 = vector.broadcast %jit3A_669 : i32 to vector<16xi32>
        %select_n3A_671 = arith.select %and3A_668, %sub3A_661, %broadcast_in_dim3A_670 : vector<16xi1>, vector<16xi32>
        %mul3A_672 = arith.constant 5120 : i32
        %mul3A_673 = vector.broadcast %mul3A_672 : i32 to vector<16xi32>
        %mul3A_674 = arith.muli %select_n3A_671, %mul3A_673 : vector<16xi32>
        %add3A_675 = arith.addi %mul3A_674, %and3A_656 : vector<16xi32>
        %swap3A_676 = arith.constant 1 : i32
        %swap3A_677 = arith.index_cast %swap3A_676 : i32 to index
        %swap3A_678 = arith.constant 32 : index
        %swap3A_679 = tpu.vector_load %arg6[%swap3A_677, %swap3A_678] {strides = array<i32>} : memref<4x100xi32, #tpu.memory_space<vmem>>, vector<1x16xi32>,
        %swap3A_680 = vector.shape_cast %swap3A_679 : vector<1x16xi32> to vector<16xi32>
        %swap3A_681 = vector.shape_cast %add3A_675 : vector<16xi32> to vector<1x16xi32>
        tpu.vector_store %arg6[%swap3A_677, %swap3A_678], %swap3A_681 {strides = array<i32>} : memref<4x100xi32, #tpu.memory_space<vmem>>, vector<1x16xi32>,
        %get3A_682 = arith.index_cast %add3A_580 : i32 to index
        %get3A_683 = arith.constant 48 : index
        %get3A_684 = tpu.vector_load %arg5[%get3A_682, %get3A_683] {strides = array<i32>} : memref<200x100xi32, #tpu.memory_space<vmem>>, vector<1x16xi32>,
        %get3A_685 = vector.shape_cast %get3A_684 : vector<1x16xi32> to vector<16xi32>
        %and3A_686 = arith.constant 65535 : i32
        %and3A_687 = vector.broadcast %and3A_686 : i32 to vector<16xi32>
        %and3A_688 = arith.andi %get3A_685, %and3A_687 : vector<16xi32>
        %shift_right_logical3A_689 = arith.constant 16 : i32
        %shift_right_logical3A_690 = vector.broadcast %shift_right_logical3A_689 : i32 to vector<16xi32>
        %shift_right_logical3A_691 = arith.shrui %get3A_685, %shift_right_logical3A_690 : vector<16xi32>
        %sub3A_692 = vector.broadcast %add3A_210 : i32 to vector<16xi32>
        %sub3A_693 = arith.subi %shift_right_logical3A_691, %sub3A_692 : vector<16xi32>
        %ge3A_694 = arith.constant 0 : i32
        %ge3A_695 = vector.broadcast %ge3A_694 : i32 to vector<16xi32>
        %ge3A_696 = arith.cmpi sge, %sub3A_693, %ge3A_695 : vector<16xi32>
        %lt3A_697 = arith.constant 256 : i32
        %lt3A_698 = vector.broadcast %lt3A_697 : i32 to vector<16xi32>
        %lt3A_699 = arith.cmpi slt, %sub3A_693, %lt3A_698 : vector<16xi32>
        %and3A_700 = arith.andi %ge3A_696, %lt3A_699 : vector<16xi1>
        %jit3A_701 = arith.constant 256 : i32
        %broadcast_in_dim3A_702 = vector.broadcast %jit3A_701 : i32 to vector<16xi32>
        %select_n3A_703 = arith.select %and3A_700, %sub3A_693, %broadcast_in_dim3A_702 : vector<16xi1>, vector<16xi32>
        %mul3A_704 = arith.constant 5120 : i32
        %mul3A_705 = vector.broadcast %mul3A_704 : i32 to vector<16xi32>
        %mul3A_706 = arith.muli %select_n3A_703, %mul3A_705 : vector<16xi32>
        %add3A_707 = arith.addi %mul3A_706, %and3A_688 : vector<16xi32>
        %swap3A_708 = arith.constant 1 : i32
        %swap3A_709 = arith.index_cast %swap3A_708 : i32 to index
        %swap3A_710 = arith.constant 48 : index
        %swap3A_711 = tpu.vector_load %arg6[%swap3A_709, %swap3A_710] {strides = array<i32>} : memref<4x100xi32, #tpu.memory_space<vmem>>, vector<1x16xi32>,
        %swap3A_712 = vector.shape_cast %swap3A_711 : vector<1x16xi32> to vector<16xi32>
        %swap3A_713 = vector.shape_cast %add3A_707 : vector<16xi32> to vector<1x16xi32>
        tpu.vector_store %arg6[%swap3A_709, %swap3A_710], %swap3A_713 {strides = array<i32>} : memref<4x100xi32, #tpu.memory_space<vmem>>, vector<1x16xi32>,
        %get3A_714 = arith.index_cast %add3A_580 : i32 to index
        %get3A_715 = arith.constant 64 : index
        %get3A_716 = tpu.vector_load %arg5[%get3A_714, %get3A_715] {strides = array<i32>} : memref<200x100xi32, #tpu.memory_space<vmem>>, vector<1x16xi32>,
        %get3A_717 = vector.shape_cast %get3A_716 : vector<1x16xi32> to vector<16xi32>
        %and3A_718 = arith.constant 65535 : i32
        %and3A_719 = vector.broadcast %and3A_718 : i32 to vector<16xi32>
        %and3A_720 = arith.andi %get3A_717, %and3A_719 : vector<16xi32>
        %shift_right_logical3A_721 = arith.constant 16 : i32
        %shift_right_logical3A_722 = vector.broadcast %shift_right_logical3A_721 : i32 to vector<16xi32>
        %shift_right_logical3A_723 = arith.shrui %get3A_717, %shift_right_logical3A_722 : vector<16xi32>
        %sub3A_724 = vector.broadcast %add3A_210 : i32 to vector<16xi32>
        %sub3A_725 = arith.subi %shift_right_logical3A_723, %sub3A_724 : vector<16xi32>
        %ge3A_726 = arith.constant 0 : i32
        %ge3A_727 = vector.broadcast %ge3A_726 : i32 to vector<16xi32>
        %ge3A_728 = arith.cmpi sge, %sub3A_725, %ge3A_727 : vector<16xi32>
        %lt3A_729 = arith.constant 256 : i32
        %lt3A_730 = vector.broadcast %lt3A_729 : i32 to vector<16xi32>
        %lt3A_731 = arith.cmpi slt, %sub3A_725, %lt3A_730 : vector<16xi32>
        %and3A_732 = arith.andi %ge3A_728, %lt3A_731 : vector<16xi1>
        %jit3A_733 = arith.constant 256 : i32
        %broadcast_in_dim3A_734 = vector.broadcast %jit3A_733 : i32 to vector<16xi32>
        %select_n3A_735 = arith.select %and3A_732, %sub3A_725, %broadcast_in_dim3A_734 : vector<16xi1>, vector<16xi32>
        %mul3A_736 = arith.constant 5120 : i32
        %mul3A_737 = vector.broadcast %mul3A_736 : i32 to vector<16xi32>
        %mul3A_738 = arith.muli %select_n3A_735, %mul3A_737 : vector<16xi32>
        %add3A_739 = arith.addi %mul3A_738, %and3A_720 : vector<16xi32>
        %swap3A_740 = arith.constant 1 : i32
        %swap3A_741 = arith.index_cast %swap3A_740 : i32 to index
        %swap3A_742 = arith.constant 64 : index
        %swap3A_743 = tpu.vector_load %arg6[%swap3A_741, %swap3A_742] {strides = array<i32>} : memref<4x100xi32, #tpu.memory_space<vmem>>, vector<1x16xi32>,
        %swap3A_744 = vector.shape_cast %swap3A_743 : vector<1x16xi32> to vector<16xi32>
        %swap3A_745 = vector.shape_cast %add3A_739 : vector<16xi32> to vector<1x16xi32>
        tpu.vector_store %arg6[%swap3A_741, %swap3A_742], %swap3A_745 {strides = array<i32>} : memref<4x100xi32, #tpu.memory_space<vmem>>, vector<1x16xi32>,
        %get3A_746 = arith.index_cast %add3A_580 : i32 to index
        %get3A_747 = arith.constant 80 : index
        %get3A_748 = tpu.vector_load %arg5[%get3A_746, %get3A_747] {strides = array<i32>} : memref<200x100xi32, #tpu.memory_space<vmem>>, vector<1x16xi32>,
        %get3A_749 = vector.shape_cast %get3A_748 : vector<1x16xi32> to vector<16xi32>
        %and3A_750 = arith.constant 65535 : i32
        %and3A_751 = vector.broadcast %and3A_750 : i32 to vector<16xi32>
        %and3A_752 = arith.andi %get3A_749, %and3A_751 : vector<16xi32>
        %shift_right_logical3A_753 = arith.constant 16 : i32
        %shift_right_logical3A_754 = vector.broadcast %shift_right_logical3A_753 : i32 to vector<16xi32>
        %shift_right_logical3A_755 = arith.shrui %get3A_749, %shift_right_logical3A_754 : vector<16xi32>
        %sub3A_756 = vector.broadcast %add3A_210 : i32 to vector<16xi32>
        %sub3A_757 = arith.subi %shift_right_logical3A_755, %sub3A_756 : vector<16xi32>
        %ge3A_758 = arith.constant 0 : i32
        %ge3A_759 = vector.broadcast %ge3A_758 : i32 to vector<16xi32>
        %ge3A_760 = arith.cmpi sge, %sub3A_757, %ge3A_759 : vector<16xi32>
        %lt3A_761 = arith.constant 256 : i32
        %lt3A_762 = vector.broadcast %lt3A_761 : i32 to vector<16xi32>
        %lt3A_763 = arith.cmpi slt, %sub3A_757, %lt3A_762 : vector<16xi32>
        %and3A_764 = arith.andi %ge3A_760, %lt3A_763 : vector<16xi1>
        %jit3A_765 = arith.constant 256 : i32
        %broadcast_in_dim3A_766 = vector.broadcast %jit3A_765 : i32 to vector<16xi32>
        %select_n3A_767 = arith.select %and3A_764, %sub3A_757, %broadcast_in_dim3A_766 : vector<16xi1>, vector<16xi32>
        %mul3A_768 = arith.constant 5120 : i32
        %mul3A_769 = vector.broadcast %mul3A_768 : i32 to vector<16xi32>
        %mul3A_770 = arith.muli %select_n3A_767, %mul3A_769 : vector<16xi32>
        %add3A_771 = arith.addi %mul3A_770, %and3A_752 : vector<16xi32>
        %swap3A_772 = arith.constant 1 : i32
        %swap3A_773 = arith.index_cast %swap3A_772 : i32 to index
        %swap3A_774 = arith.constant 80 : index
        %swap3A_775 = tpu.vector_load %arg6[%swap3A_773, %swap3A_774] {strides = array<i32>} : memref<4x100xi32, #tpu.memory_space<vmem>>, vector<1x16xi32>,
        %swap3A_776 = vector.shape_cast %swap3A_775 : vector<1x16xi32> to vector<16xi32>
        %swap3A_777 = vector.shape_cast %add3A_771 : vector<16xi32> to vector<1x16xi32>
        tpu.vector_store %arg6[%swap3A_773, %swap3A_774], %swap3A_777 {strides = array<i32>} : memref<4x100xi32, #tpu.memory_space<vmem>>, vector<1x16xi32>,
        %get3A_778 = arith.index_cast %add3A_580 : i32 to index
        %get3A_779 = arith.constant 84 : index
        %get3A_780 = tpu.vector_load %arg5[%get3A_778, %get3A_779] {strides = array<i32>} : memref<200x100xi32, #tpu.memory_space<vmem>>, vector<1x16xi32>,
        %get3A_781 = vector.shape_cast %get3A_780 : vector<1x16xi32> to vector<16xi32>
        %and3A_782 = arith.constant 65535 : i32
        %and3A_783 = vector.broadcast %and3A_782 : i32 to vector<16xi32>
        %and3A_784 = arith.andi %get3A_781, %and3A_783 : vector<16xi32>
        %shift_right_logical3A_785 = arith.constant 16 : i32
        %shift_right_logical3A_786 = vector.broadcast %shift_right_logical3A_785 : i32 to vector<16xi32>
        %shift_right_logical3A_787 = arith.shrui %get3A_781, %shift_right_logical3A_786 : vector<16xi32>
        %sub3A_788 = vector.broadcast %add3A_210 : i32 to vector<16xi32>
        %sub3A_789 = arith.subi %shift_right_logical3A_787, %sub3A_788 : vector<16xi32>
        %ge3A_790 = arith.constant 0 : i32
        %ge3A_791 = vector.broadcast %ge3A_790 : i32 to vector<16xi32>
        %ge3A_792 = arith.cmpi sge, %sub3A_789, %ge3A_791 : vector<16xi32>
        %lt3A_793 = arith.constant 256 : i32
        %lt3A_794 = vector.broadcast %lt3A_793 : i32 to vector<16xi32>
        %lt3A_795 = arith.cmpi slt, %sub3A_789, %lt3A_794 : vector<16xi32>
        %and3A_796 = arith.andi %ge3A_792, %lt3A_795 : vector<16xi1>
        %jit3A_797 = arith.constant 256 : i32
        %broadcast_in_dim3A_798 = vector.broadcast %jit3A_797 : i32 to vector<16xi32>
        %select_n3A_799 = arith.select %and3A_796, %sub3A_789, %broadcast_in_dim3A_798 : vector<16xi1>, vector<16xi32>
        %mul3A_800 = arith.constant 5120 : i32
        %mul3A_801 = vector.broadcast %mul3A_800 : i32 to vector<16xi32>
        %mul3A_802 = arith.muli %select_n3A_799, %mul3A_801 : vector<16xi32>
        %add3A_803 = arith.addi %mul3A_802, %and3A_784 : vector<16xi32>
        %swap3A_804 = arith.constant 1 : i32
        %swap3A_805 = arith.index_cast %swap3A_804 : i32 to index
        %swap3A_806 = arith.constant 84 : index
        %swap3A_807 = tpu.vector_load %arg6[%swap3A_805, %swap3A_806] {strides = array<i32>} : memref<4x100xi32, #tpu.memory_space<vmem>>, vector<1x16xi32>,
        %swap3A_808 = vector.shape_cast %swap3A_807 : vector<1x16xi32> to vector<16xi32>
        %swap3A_809 = vector.shape_cast %add3A_803 : vector<16xi32> to vector<1x16xi32>
        tpu.vector_store %arg6[%swap3A_805, %swap3A_806], %swap3A_809 {strides = array<i32>} : memref<4x100xi32, #tpu.memory_space<vmem>>, vector<1x16xi32>,
        %dma_start3A_810 = arith.constant 1 : i32
        %dma_start3A_811 = arith.constant 0 : i32
        %dma_start3A_812 = tpu.memref_slice %arg6[%dma_start3A_810, %dma_start3A_811] : memref<4x100xi32, #tpu.memory_space<vmem>> -> memref<1x100xi32, #tpu.memory_space<vmem>>
        %dma_start3A_813 = tpu.memref_squeeze %dma_start3A_812 : memref<1x100xi32, #tpu.memory_space<vmem>> -> memref<100xi32, #tpu.memory_space<vmem>>
        %dma_start3A_814 = arith.constant 0 : i32
        %dma_start3A_815 = tpu.memref_slice %arg10[%dma_start3A_814] : memref<1315840xf32, #tpu.memory_space<vmem_shared>> -> memref<1315840xf32, #tpu.memory_space<vmem_shared>>
        tpu.enqueue_indirect_dma source(%arg7 : memref<100xf32, #tpu.memory_space<vmem>>) target(%dma_start3A_815 : memref<1315840xf32, #tpu.memory_space<vmem_shared>>) offsets(%dma_start3A_813 : memref<100xi32, #tpu.memory_space<vmem>>) semaphore(%arg13 : memref<!tpu.dma_semaphore, #tpu.memory_space<semaphore_mem>>) {add = true}
        %mul3A_816 = arith.constant 4 : i32
        %mul3A_817 = arith.muli %mul3A_816, %scan3A_349 : i32
        %add3A_818 = arith.constant 2 : i32
        %add3A_819 = arith.addi %mul3A_817, %add3A_818 : i32
        %gt3A_820 = arith.constant 0 : i32
        %gt3A_821 = arith.cmpi sgt, %scan3A_349, %gt3A_820 : i32
        %convert_element_type3A_822 = arith.extui %gt3A_821 : i1 to i32
        %cond3A_823 = arith.constant 0 : i32
        %cond3A_824 = arith.cmpi ne, %convert_element_type3A_822, %cond3A_823 : i32
        scf.if %cond3A_824 {
          %dma_wait3A_1294 = arith.constant 2 : i32
          %dma_wait3A_1295 = arith.constant 0 : i32
          %dma_wait3A_1296 = tpu.memref_slice %arg6[%dma_wait3A_1294, %dma_wait3A_1295] : memref<4x100xi32, #tpu.memory_space<vmem>> -> memref<1x100xi32, #tpu.memory_space<vmem>>
          %dma_wait3A_1297 = tpu.memref_squeeze %dma_wait3A_1296 : memref<1x100xi32, #tpu.memory_space<vmem>> -> memref<100xi32, #tpu.memory_space<vmem>>
          %dma_wait3A_1298 = arith.constant 0 : i32
          %dma_wait3A_1299 = tpu.memref_slice %arg10[%dma_wait3A_1298] : memref<1315840xf32, #tpu.memory_space<vmem_shared>> -> memref<1315840xf32, #tpu.memory_space<vmem_shared>>
          tpu.wait_indirect_dma semaphore(%arg14 : memref<!tpu.dma_semaphore, #tpu.memory_space<semaphore_mem>>) src(%arg7 : memref<100xf32, #tpu.memory_space<vmem>>) dst(%dma_wait3A_1299 : memref<1315840xf32, #tpu.memory_space<vmem_shared>>)
        } else {
        }
        %get3A_825 = arith.index_cast %add3A_819 : i32 to index
        %get3A_826 = arith.constant 0 : index
        %get3A_827 = tpu.vector_load %arg5[%get3A_825, %get3A_826] {strides = array<i32>} : memref<200x100xi32, #tpu.memory_space<vmem>>, vector<1x16xi32>,
        %get3A_828 = vector.shape_cast %get3A_827 : vector<1x16xi32> to vector<16xi32>
        %and3A_829 = arith.constant 65535 : i32
        %and3A_830 = vector.broadcast %and3A_829 : i32 to vector<16xi32>
        %and3A_831 = arith.andi %get3A_828, %and3A_830 : vector<16xi32>
        %shift_right_logical3A_832 = arith.constant 16 : i32
        %shift_right_logical3A_833 = vector.broadcast %shift_right_logical3A_832 : i32 to vector<16xi32>
        %shift_right_logical3A_834 = arith.shrui %get3A_828, %shift_right_logical3A_833 : vector<16xi32>
        %sub3A_835 = vector.broadcast %add3A_210 : i32 to vector<16xi32>
        %sub3A_836 = arith.subi %shift_right_logical3A_834, %sub3A_835 : vector<16xi32>
        %ge3A_837 = arith.constant 0 : i32
        %ge3A_838 = vector.broadcast %ge3A_837 : i32 to vector<16xi32>
        %ge3A_839 = arith.cmpi sge, %sub3A_836, %ge3A_838 : vector<16xi32>
        %lt3A_840 = arith.constant 256 : i32
        %lt3A_841 = vector.broadcast %lt3A_840 : i32 to vector<16xi32>
        %lt3A_842 = arith.cmpi slt, %sub3A_836, %lt3A_841 : vector<16xi32>
        %and3A_843 = arith.andi %ge3A_839, %lt3A_842 : vector<16xi1>
        %jit3A_844 = arith.constant 256 : i32
        %broadcast_in_dim3A_845 = vector.broadcast %jit3A_844 : i32 to vector<16xi32>
        %select_n3A_846 = arith.select %and3A_843, %sub3A_836, %broadcast_in_dim3A_845 : vector<16xi1>, vector<16xi32>
        %mul3A_847 = arith.constant 5120 : i32
        %mul3A_848 = vector.broadcast %mul3A_847 : i32 to vector<16xi32>
        %mul3A_849 = arith.muli %select_n3A_846, %mul3A_848 : vector<16xi32>
        %add3A_850 = arith.addi %mul3A_849, %and3A_831 : vector<16xi32>
        %swap3A_851 = arith.constant 2 : i32
        %swap3A_852 = arith.index_cast %swap3A_851 : i32 to index
        %swap3A_853 = arith.constant 0 : index
        %swap3A_854 = tpu.vector_load %arg6[%swap3A_852, %swap3A_853] {strides = array<i32>} : memref<4x100xi32, #tpu.memory_space<vmem>>, vector<1x16xi32>,
        %swap3A_855 = vector.shape_cast %swap3A_854 : vector<1x16xi32> to vector<16xi32>
        %swap3A_856 = vector.shape_cast %add3A_850 : vector<16xi32> to vector<1x16xi32>
        tpu.vector_store %arg6[%swap3A_852, %swap3A_853], %swap3A_856 {strides = array<i32>} : memref<4x100xi32, #tpu.memory_space<vmem>>, vector<1x16xi32>,
        %get3A_857 = arith.index_cast %add3A_819 : i32 to index
        %get3A_858 = arith.constant 16 : index
        %get3A_859 = tpu.vector_load %arg5[%get3A_857, %get3A_858] {strides = array<i32>} : memref<200x100xi32, #tpu.memory_space<vmem>>, vector<1x16xi32>,
        %get3A_860 = vector.shape_cast %get3A_859 : vector<1x16xi32> to vector<16xi32>
        %and3A_861 = arith.constant 65535 : i32
        %and3A_862 = vector.broadcast %and3A_861 : i32 to vector<16xi32>
        %and3A_863 = arith.andi %get3A_860, %and3A_862 : vector<16xi32>
        %shift_right_logical3A_864 = arith.constant 16 : i32
        %shift_right_logical3A_865 = vector.broadcast %shift_right_logical3A_864 : i32 to vector<16xi32>
        %shift_right_logical3A_866 = arith.shrui %get3A_860, %shift_right_logical3A_865 : vector<16xi32>
        %sub3A_867 = vector.broadcast %add3A_210 : i32 to vector<16xi32>
        %sub3A_868 = arith.subi %shift_right_logical3A_866, %sub3A_867 : vector<16xi32>
        %ge3A_869 = arith.constant 0 : i32
        %ge3A_870 = vector.broadcast %ge3A_869 : i32 to vector<16xi32>
        %ge3A_871 = arith.cmpi sge, %sub3A_868, %ge3A_870 : vector<16xi32>
        %lt3A_872 = arith.constant 256 : i32
        %lt3A_873 = vector.broadcast %lt3A_872 : i32 to vector<16xi32>
        %lt3A_874 = arith.cmpi slt, %sub3A_868, %lt3A_873 : vector<16xi32>
        %and3A_875 = arith.andi %ge3A_871, %lt3A_874 : vector<16xi1>
        %jit3A_876 = arith.constant 256 : i32
        %broadcast_in_dim3A_877 = vector.broadcast %jit3A_876 : i32 to vector<16xi32>
        %select_n3A_878 = arith.select %and3A_875, %sub3A_868, %broadcast_in_dim3A_877 : vector<16xi1>, vector<16xi32>
        %mul3A_879 = arith.constant 5120 : i32
        %mul3A_880 = vector.broadcast %mul3A_879 : i32 to vector<16xi32>
        %mul3A_881 = arith.muli %select_n3A_878, %mul3A_880 : vector<16xi32>
        %add3A_882 = arith.addi %mul3A_881, %and3A_863 : vector<16xi32>
        %swap3A_883 = arith.constant 2 : i32
        %swap3A_884 = arith.index_cast %swap3A_883 : i32 to index
        %swap3A_885 = arith.constant 16 : index
        %swap3A_886 = tpu.vector_load %arg6[%swap3A_884, %swap3A_885] {strides = array<i32>} : memref<4x100xi32, #tpu.memory_space<vmem>>, vector<1x16xi32>,
        %swap3A_887 = vector.shape_cast %swap3A_886 : vector<1x16xi32> to vector<16xi32>
        %swap3A_888 = vector.shape_cast %add3A_882 : vector<16xi32> to vector<1x16xi32>
        tpu.vector_store %arg6[%swap3A_884, %swap3A_885], %swap3A_888 {strides = array<i32>} : memref<4x100xi32, #tpu.memory_space<vmem>>, vector<1x16xi32>,
        %get3A_889 = arith.index_cast %add3A_819 : i32 to index
        %get3A_890 = arith.constant 32 : index
        %get3A_891 = tpu.vector_load %arg5[%get3A_889, %get3A_890] {strides = array<i32>} : memref<200x100xi32, #tpu.memory_space<vmem>>, vector<1x16xi32>,
        %get3A_892 = vector.shape_cast %get3A_891 : vector<1x16xi32> to vector<16xi32>
        %and3A_893 = arith.constant 65535 : i32
        %and3A_894 = vector.broadcast %and3A_893 : i32 to vector<16xi32>
        %and3A_895 = arith.andi %get3A_892, %and3A_894 : vector<16xi32>
        %shift_right_logical3A_896 = arith.constant 16 : i32
        %shift_right_logical3A_897 = vector.broadcast %shift_right_logical3A_896 : i32 to vector<16xi32>
        %shift_right_logical3A_898 = arith.shrui %get3A_892, %shift_right_logical3A_897 : vector<16xi32>
        %sub3A_899 = vector.broadcast %add3A_210 : i32 to vector<16xi32>
        %sub3A_900 = arith.subi %shift_right_logical3A_898, %sub3A_899 : vector<16xi32>
        %ge3A_901 = arith.constant 0 : i32
        %ge3A_902 = vector.broadcast %ge3A_901 : i32 to vector<16xi32>
        %ge3A_903 = arith.cmpi sge, %sub3A_900, %ge3A_902 : vector<16xi32>
        %lt3A_904 = arith.constant 256 : i32
        %lt3A_905 = vector.broadcast %lt3A_904 : i32 to vector<16xi32>
        %lt3A_906 = arith.cmpi slt, %sub3A_900, %lt3A_905 : vector<16xi32>
        %and3A_907 = arith.andi %ge3A_903, %lt3A_906 : vector<16xi1>
        %jit3A_908 = arith.constant 256 : i32
        %broadcast_in_dim3A_909 = vector.broadcast %jit3A_908 : i32 to vector<16xi32>
        %select_n3A_910 = arith.select %and3A_907, %sub3A_900, %broadcast_in_dim3A_909 : vector<16xi1>, vector<16xi32>
        %mul3A_911 = arith.constant 5120 : i32
        %mul3A_912 = vector.broadcast %mul3A_911 : i32 to vector<16xi32>
        %mul3A_913 = arith.muli %select_n3A_910, %mul3A_912 : vector<16xi32>
        %add3A_914 = arith.addi %mul3A_913, %and3A_895 : vector<16xi32>
        %swap3A_915 = arith.constant 2 : i32
        %swap3A_916 = arith.index_cast %swap3A_915 : i32 to index
        %swap3A_917 = arith.constant 32 : index
        %swap3A_918 = tpu.vector_load %arg6[%swap3A_916, %swap3A_917] {strides = array<i32>} : memref<4x100xi32, #tpu.memory_space<vmem>>, vector<1x16xi32>,
        %swap3A_919 = vector.shape_cast %swap3A_918 : vector<1x16xi32> to vector<16xi32>
        %swap3A_920 = vector.shape_cast %add3A_914 : vector<16xi32> to vector<1x16xi32>
        tpu.vector_store %arg6[%swap3A_916, %swap3A_917], %swap3A_920 {strides = array<i32>} : memref<4x100xi32, #tpu.memory_space<vmem>>, vector<1x16xi32>,
        %get3A_921 = arith.index_cast %add3A_819 : i32 to index
        %get3A_922 = arith.constant 48 : index
        %get3A_923 = tpu.vector_load %arg5[%get3A_921, %get3A_922] {strides = array<i32>} : memref<200x100xi32, #tpu.memory_space<vmem>>, vector<1x16xi32>,
        %get3A_924 = vector.shape_cast %get3A_923 : vector<1x16xi32> to vector<16xi32>
        %and3A_925 = arith.constant 65535 : i32
        %and3A_926 = vector.broadcast %and3A_925 : i32 to vector<16xi32>
        %and3A_927 = arith.andi %get3A_924, %and3A_926 : vector<16xi32>
        %shift_right_logical3A_928 = arith.constant 16 : i32
        %shift_right_logical3A_929 = vector.broadcast %shift_right_logical3A_928 : i32 to vector<16xi32>
        %shift_right_logical3A_930 = arith.shrui %get3A_924, %shift_right_logical3A_929 : vector<16xi32>
        %sub3A_931 = vector.broadcast %add3A_210 : i32 to vector<16xi32>
        %sub3A_932 = arith.subi %shift_right_logical3A_930, %sub3A_931 : vector<16xi32>
        %ge3A_933 = arith.constant 0 : i32
        %ge3A_934 = vector.broadcast %ge3A_933 : i32 to vector<16xi32>
        %ge3A_935 = arith.cmpi sge, %sub3A_932, %ge3A_934 : vector<16xi32>
        %lt3A_936 = arith.constant 256 : i32
        %lt3A_937 = vector.broadcast %lt3A_936 : i32 to vector<16xi32>
        %lt3A_938 = arith.cmpi slt, %sub3A_932, %lt3A_937 : vector<16xi32>
        %and3A_939 = arith.andi %ge3A_935, %lt3A_938 : vector<16xi1>
        %jit3A_940 = arith.constant 256 : i32
        %broadcast_in_dim3A_941 = vector.broadcast %jit3A_940 : i32 to vector<16xi32>
        %select_n3A_942 = arith.select %and3A_939, %sub3A_932, %broadcast_in_dim3A_941 : vector<16xi1>, vector<16xi32>
        %mul3A_943 = arith.constant 5120 : i32
        %mul3A_944 = vector.broadcast %mul3A_943 : i32 to vector<16xi32>
        %mul3A_945 = arith.muli %select_n3A_942, %mul3A_944 : vector<16xi32>
        %add3A_946 = arith.addi %mul3A_945, %and3A_927 : vector<16xi32>
        %swap3A_947 = arith.constant 2 : i32
        %swap3A_948 = arith.index_cast %swap3A_947 : i32 to index
        %swap3A_949 = arith.constant 48 : index
        %swap3A_950 = tpu.vector_load %arg6[%swap3A_948, %swap3A_949] {strides = array<i32>} : memref<4x100xi32, #tpu.memory_space<vmem>>, vector<1x16xi32>,
        %swap3A_951 = vector.shape_cast %swap3A_950 : vector<1x16xi32> to vector<16xi32>
        %swap3A_952 = vector.shape_cast %add3A_946 : vector<16xi32> to vector<1x16xi32>
        tpu.vector_store %arg6[%swap3A_948, %swap3A_949], %swap3A_952 {strides = array<i32>} : memref<4x100xi32, #tpu.memory_space<vmem>>, vector<1x16xi32>,
        %get3A_953 = arith.index_cast %add3A_819 : i32 to index
        %get3A_954 = arith.constant 64 : index
        %get3A_955 = tpu.vector_load %arg5[%get3A_953, %get3A_954] {strides = array<i32>} : memref<200x100xi32, #tpu.memory_space<vmem>>, vector<1x16xi32>,
        %get3A_956 = vector.shape_cast %get3A_955 : vector<1x16xi32> to vector<16xi32>
        %and3A_957 = arith.constant 65535 : i32
        %and3A_958 = vector.broadcast %and3A_957 : i32 to vector<16xi32>
        %and3A_959 = arith.andi %get3A_956, %and3A_958 : vector<16xi32>
        %shift_right_logical3A_960 = arith.constant 16 : i32
        %shift_right_logical3A_961 = vector.broadcast %shift_right_logical3A_960 : i32 to vector<16xi32>
        %shift_right_logical3A_962 = arith.shrui %get3A_956, %shift_right_logical3A_961 : vector<16xi32>
        %sub3A_963 = vector.broadcast %add3A_210 : i32 to vector<16xi32>
        %sub3A_964 = arith.subi %shift_right_logical3A_962, %sub3A_963 : vector<16xi32>
        %ge3A_965 = arith.constant 0 : i32
        %ge3A_966 = vector.broadcast %ge3A_965 : i32 to vector<16xi32>
        %ge3A_967 = arith.cmpi sge, %sub3A_964, %ge3A_966 : vector<16xi32>
        %lt3A_968 = arith.constant 256 : i32
        %lt3A_969 = vector.broadcast %lt3A_968 : i32 to vector<16xi32>
        %lt3A_970 = arith.cmpi slt, %sub3A_964, %lt3A_969 : vector<16xi32>
        %and3A_971 = arith.andi %ge3A_967, %lt3A_970 : vector<16xi1>
        %jit3A_972 = arith.constant 256 : i32
        %broadcast_in_dim3A_973 = vector.broadcast %jit3A_972 : i32 to vector<16xi32>
        %select_n3A_974 = arith.select %and3A_971, %sub3A_964, %broadcast_in_dim3A_973 : vector<16xi1>, vector<16xi32>
        %mul3A_975 = arith.constant 5120 : i32
        %mul3A_976 = vector.broadcast %mul3A_975 : i32 to vector<16xi32>
        %mul3A_977 = arith.muli %select_n3A_974, %mul3A_976 : vector<16xi32>
        %add3A_978 = arith.addi %mul3A_977, %and3A_959 : vector<16xi32>
        %swap3A_979 = arith.constant 2 : i32
        %swap3A_980 = arith.index_cast %swap3A_979 : i32 to index
        %swap3A_981 = arith.constant 64 : index
        %swap3A_982 = tpu.vector_load %arg6[%swap3A_980, %swap3A_981] {strides = array<i32>} : memref<4x100xi32, #tpu.memory_space<vmem>>, vector<1x16xi32>,
        %swap3A_983 = vector.shape_cast %swap3A_982 : vector<1x16xi32> to vector<16xi32>
        %swap3A_984 = vector.shape_cast %add3A_978 : vector<16xi32> to vector<1x16xi32>
        tpu.vector_store %arg6[%swap3A_980, %swap3A_981], %swap3A_984 {strides = array<i32>} : memref<4x100xi32, #tpu.memory_space<vmem>>, vector<1x16xi32>,
        %get3A_985 = arith.index_cast %add3A_819 : i32 to index
        %get3A_986 = arith.constant 80 : index
        %get3A_987 = tpu.vector_load %arg5[%get3A_985, %get3A_986] {strides = array<i32>} : memref<200x100xi32, #tpu.memory_space<vmem>>, vector<1x16xi32>,
        %get3A_988 = vector.shape_cast %get3A_987 : vector<1x16xi32> to vector<16xi32>
        %and3A_989 = arith.constant 65535 : i32
        %and3A_990 = vector.broadcast %and3A_989 : i32 to vector<16xi32>
        %and3A_991 = arith.andi %get3A_988, %and3A_990 : vector<16xi32>
        %shift_right_logical3A_992 = arith.constant 16 : i32
        %shift_right_logical3A_993 = vector.broadcast %shift_right_logical3A_992 : i32 to vector<16xi32>
        %shift_right_logical3A_994 = arith.shrui %get3A_988, %shift_right_logical3A_993 : vector<16xi32>
        %sub3A_995 = vector.broadcast %add3A_210 : i32 to vector<16xi32>
        %sub3A_996 = arith.subi %shift_right_logical3A_994, %sub3A_995 : vector<16xi32>
        %ge3A_997 = arith.constant 0 : i32
        %ge3A_998 = vector.broadcast %ge3A_997 : i32 to vector<16xi32>
        %ge3A_999 = arith.cmpi sge, %sub3A_996, %ge3A_998 : vector<16xi32>
        %lt3A_1000 = arith.constant 256 : i32
        %lt3A_1001 = vector.broadcast %lt3A_1000 : i32 to vector<16xi32>
        %lt3A_1002 = arith.cmpi slt, %sub3A_996, %lt3A_1001 : vector<16xi32>
        %and3A_1003 = arith.andi %ge3A_999, %lt3A_1002 : vector<16xi1>
        %jit3A_1004 = arith.constant 256 : i32
        %broadcast_in_dim3A_1005 = vector.broadcast %jit3A_1004 : i32 to vector<16xi32>
        %select_n3A_1006 = arith.select %and3A_1003, %sub3A_996, %broadcast_in_dim3A_1005 : vector<16xi1>, vector<16xi32>
        %mul3A_1007 = arith.constant 5120 : i32
        %mul3A_1008 = vector.broadcast %mul3A_1007 : i32 to vector<16xi32>
        %mul3A_1009 = arith.muli %select_n3A_1006, %mul3A_1008 : vector<16xi32>
        %add3A_1010 = arith.addi %mul3A_1009, %and3A_991 : vector<16xi32>
        %swap3A_1011 = arith.constant 2 : i32
        %swap3A_1012 = arith.index_cast %swap3A_1011 : i32 to index
        %swap3A_1013 = arith.constant 80 : index
        %swap3A_1014 = tpu.vector_load %arg6[%swap3A_1012, %swap3A_1013] {strides = array<i32>} : memref<4x100xi32, #tpu.memory_space<vmem>>, vector<1x16xi32>,
        %swap3A_1015 = vector.shape_cast %swap3A_1014 : vector<1x16xi32> to vector<16xi32>
        %swap3A_1016 = vector.shape_cast %add3A_1010 : vector<16xi32> to vector<1x16xi32>
        tpu.vector_store %arg6[%swap3A_1012, %swap3A_1013], %swap3A_1016 {strides = array<i32>} : memref<4x100xi32, #tpu.memory_space<vmem>>, vector<1x16xi32>,
        %get3A_1017 = arith.index_cast %add3A_819 : i32 to index
        %get3A_1018 = arith.constant 84 : index
        %get3A_1019 = tpu.vector_load %arg5[%get3A_1017, %get3A_1018] {strides = array<i32>} : memref<200x100xi32, #tpu.memory_space<vmem>>, vector<1x16xi32>,
        %get3A_1020 = vector.shape_cast %get3A_1019 : vector<1x16xi32> to vector<16xi32>
        %and3A_1021 = arith.constant 65535 : i32
        %and3A_1022 = vector.broadcast %and3A_1021 : i32 to vector<16xi32>
        %and3A_1023 = arith.andi %get3A_1020, %and3A_1022 : vector<16xi32>
        %shift_right_logical3A_1024 = arith.constant 16 : i32
        %shift_right_logical3A_1025 = vector.broadcast %shift_right_logical3A_1024 : i32 to vector<16xi32>
        %shift_right_logical3A_1026 = arith.shrui %get3A_1020, %shift_right_logical3A_1025 : vector<16xi32>
        %sub3A_1027 = vector.broadcast %add3A_210 : i32 to vector<16xi32>
        %sub3A_1028 = arith.subi %shift_right_logical3A_1026, %sub3A_1027 : vector<16xi32>
        %ge3A_1029 = arith.constant 0 : i32
        %ge3A_1030 = vector.broadcast %ge3A_1029 : i32 to vector<16xi32>
        %ge3A_1031 = arith.cmpi sge, %sub3A_1028, %ge3A_1030 : vector<16xi32>
        %lt3A_1032 = arith.constant 256 : i32
        %lt3A_1033 = vector.broadcast %lt3A_1032 : i32 to vector<16xi32>
        %lt3A_1034 = arith.cmpi slt, %sub3A_1028, %lt3A_1033 : vector<16xi32>
        %and3A_1035 = arith.andi %ge3A_1031, %lt3A_1034 : vector<16xi1>
        %jit3A_1036 = arith.constant 256 : i32
        %broadcast_in_dim3A_1037 = vector.broadcast %jit3A_1036 : i32 to vector<16xi32>
        %select_n3A_1038 = arith.select %and3A_1035, %sub3A_1028, %broadcast_in_dim3A_1037 : vector<16xi1>, vector<16xi32>
        %mul3A_1039 = arith.constant 5120 : i32
        %mul3A_1040 = vector.broadcast %mul3A_1039 : i32 to vector<16xi32>
        %mul3A_1041 = arith.muli %select_n3A_1038, %mul3A_1040 : vector<16xi32>
        %add3A_1042 = arith.addi %mul3A_1041, %and3A_1023 : vector<16xi32>
        %swap3A_1043 = arith.constant 2 : i32
        %swap3A_1044 = arith.index_cast %swap3A_1043 : i32 to index
        %swap3A_1045 = arith.constant 84 : index
        %swap3A_1046 = tpu.vector_load %arg6[%swap3A_1044, %swap3A_1045] {strides = array<i32>} : memref<4x100xi32, #tpu.memory_space<vmem>>, vector<1x16xi32>,
        %swap3A_1047 = vector.shape_cast %swap3A_1046 : vector<1x16xi32> to vector<16xi32>
        %swap3A_1048 = vector.shape_cast %add3A_1042 : vector<16xi32> to vector<1x16xi32>
        tpu.vector_store %arg6[%swap3A_1044, %swap3A_1045], %swap3A_1048 {strides = array<i32>} : memref<4x100xi32, #tpu.memory_space<vmem>>, vector<1x16xi32>,
        %dma_start3A_1049 = arith.constant 2 : i32
        %dma_start3A_1050 = arith.constant 0 : i32
        %dma_start3A_1051 = tpu.memref_slice %arg6[%dma_start3A_1049, %dma_start3A_1050] : memref<4x100xi32, #tpu.memory_space<vmem>> -> memref<1x100xi32, #tpu.memory_space<vmem>>
        %dma_start3A_1052 = tpu.memref_squeeze %dma_start3A_1051 : memref<1x100xi32, #tpu.memory_space<vmem>> -> memref<100xi32, #tpu.memory_space<vmem>>
        %dma_start3A_1053 = arith.constant 0 : i32
        %dma_start3A_1054 = tpu.memref_slice %arg10[%dma_start3A_1053] : memref<1315840xf32, #tpu.memory_space<vmem_shared>> -> memref<1315840xf32, #tpu.memory_space<vmem_shared>>
        tpu.enqueue_indirect_dma source(%arg7 : memref<100xf32, #tpu.memory_space<vmem>>) target(%dma_start3A_1054 : memref<1315840xf32, #tpu.memory_space<vmem_shared>>) offsets(%dma_start3A_1052 : memref<100xi32, #tpu.memory_space<vmem>>) semaphore(%arg14 : memref<!tpu.dma_semaphore, #tpu.memory_space<semaphore_mem>>) {add = true}
        %mul3A_1055 = arith.constant 4 : i32
        %mul3A_1056 = arith.muli %mul3A_1055, %scan3A_349 : i32
        %add3A_1057 = arith.constant 3 : i32
        %add3A_1058 = arith.addi %mul3A_1056, %add3A_1057 : i32
        %gt3A_1059 = arith.constant 0 : i32
        %gt3A_1060 = arith.cmpi sgt, %scan3A_349, %gt3A_1059 : i32
        %convert_element_type3A_1061 = arith.extui %gt3A_1060 : i1 to i32
        %cond3A_1062 = arith.constant 0 : i32
        %cond3A_1063 = arith.cmpi ne, %convert_element_type3A_1061, %cond3A_1062 : i32
        scf.if %cond3A_1063 {
          %dma_wait3A_1294 = arith.constant 3 : i32
          %dma_wait3A_1295 = arith.constant 0 : i32
          %dma_wait3A_1296 = tpu.memref_slice %arg6[%dma_wait3A_1294, %dma_wait3A_1295] : memref<4x100xi32, #tpu.memory_space<vmem>> -> memref<1x100xi32, #tpu.memory_space<vmem>>
          %dma_wait3A_1297 = tpu.memref_squeeze %dma_wait3A_1296 : memref<1x100xi32, #tpu.memory_space<vmem>> -> memref<100xi32, #tpu.memory_space<vmem>>
          %dma_wait3A_1298 = arith.constant 0 : i32
          %dma_wait3A_1299 = tpu.memref_slice %arg10[%dma_wait3A_1298] : memref<1315840xf32, #tpu.memory_space<vmem_shared>> -> memref<1315840xf32, #tpu.memory_space<vmem_shared>>
          tpu.wait_indirect_dma semaphore(%arg15 : memref<!tpu.dma_semaphore, #tpu.memory_space<semaphore_mem>>) src(%arg7 : memref<100xf32, #tpu.memory_space<vmem>>) dst(%dma_wait3A_1299 : memref<1315840xf32, #tpu.memory_space<vmem_shared>>)
        } else {
        }
        %get3A_1064 = arith.index_cast %add3A_1058 : i32 to index
        %get3A_1065 = arith.constant 0 : index
        %get3A_1066 = tpu.vector_load %arg5[%get3A_1064, %get3A_1065] {strides = array<i32>} : memref<200x100xi32, #tpu.memory_space<vmem>>, vector<1x16xi32>,
        %get3A_1067 = vector.shape_cast %get3A_1066 : vector<1x16xi32> to vector<16xi32>
        %and3A_1068 = arith.constant 65535 : i32
        %and3A_1069 = vector.broadcast %and3A_1068 : i32 to vector<16xi32>
        %and3A_1070 = arith.andi %get3A_1067, %and3A_1069 : vector<16xi32>
        %shift_right_logical3A_1071 = arith.constant 16 : i32
        %shift_right_logical3A_1072 = vector.broadcast %shift_right_logical3A_1071 : i32 to vector<16xi32>
        %shift_right_logical3A_1073 = arith.shrui %get3A_1067, %shift_right_logical3A_1072 : vector<16xi32>
        %sub3A_1074 = vector.broadcast %add3A_210 : i32 to vector<16xi32>
        %sub3A_1075 = arith.subi %shift_right_logical3A_1073, %sub3A_1074 : vector<16xi32>
        %ge3A_1076 = arith.constant 0 : i32
        %ge3A_1077 = vector.broadcast %ge3A_1076 : i32 to vector<16xi32>
        %ge3A_1078 = arith.cmpi sge, %sub3A_1075, %ge3A_1077 : vector<16xi32>
        %lt3A_1079 = arith.constant 256 : i32
        %lt3A_1080 = vector.broadcast %lt3A_1079 : i32 to vector<16xi32>
        %lt3A_1081 = arith.cmpi slt, %sub3A_1075, %lt3A_1080 : vector<16xi32>
        %and3A_1082 = arith.andi %ge3A_1078, %lt3A_1081 : vector<16xi1>
        %jit3A_1083 = arith.constant 256 : i32
        %broadcast_in_dim3A_1084 = vector.broadcast %jit3A_1083 : i32 to vector<16xi32>
        %select_n3A_1085 = arith.select %and3A_1082, %sub3A_1075, %broadcast_in_dim3A_1084 : vector<16xi1>, vector<16xi32>
        %mul3A_1086 = arith.constant 5120 : i32
        %mul3A_1087 = vector.broadcast %mul3A_1086 : i32 to vector<16xi32>
        %mul3A_1088 = arith.muli %select_n3A_1085, %mul3A_1087 : vector<16xi32>
        %add3A_1089 = arith.addi %mul3A_1088, %and3A_1070 : vector<16xi32>
        %swap3A_1090 = arith.constant 3 : i32
        %swap3A_1091 = arith.index_cast %swap3A_1090 : i32 to index
        %swap3A_1092 = arith.constant 0 : index
        %swap3A_1093 = tpu.vector_load %arg6[%swap3A_1091, %swap3A_1092] {strides = array<i32>} : memref<4x100xi32, #tpu.memory_space<vmem>>, vector<1x16xi32>,
        %swap3A_1094 = vector.shape_cast %swap3A_1093 : vector<1x16xi32> to vector<16xi32>
        %swap3A_1095 = vector.shape_cast %add3A_1089 : vector<16xi32> to vector<1x16xi32>
        tpu.vector_store %arg6[%swap3A_1091, %swap3A_1092], %swap3A_1095 {strides = array<i32>} : memref<4x100xi32, #tpu.memory_space<vmem>>, vector<1x16xi32>,
        %get3A_1096 = arith.index_cast %add3A_1058 : i32 to index
        %get3A_1097 = arith.constant 16 : index
        %get3A_1098 = tpu.vector_load %arg5[%get3A_1096, %get3A_1097] {strides = array<i32>} : memref<200x100xi32, #tpu.memory_space<vmem>>, vector<1x16xi32>,
        %get3A_1099 = vector.shape_cast %get3A_1098 : vector<1x16xi32> to vector<16xi32>
        %and3A_1100 = arith.constant 65535 : i32
        %and3A_1101 = vector.broadcast %and3A_1100 : i32 to vector<16xi32>
        %and3A_1102 = arith.andi %get3A_1099, %and3A_1101 : vector<16xi32>
        %shift_right_logical3A_1103 = arith.constant 16 : i32
        %shift_right_logical3A_1104 = vector.broadcast %shift_right_logical3A_1103 : i32 to vector<16xi32>
        %shift_right_logical3A_1105 = arith.shrui %get3A_1099, %shift_right_logical3A_1104 : vector<16xi32>
        %sub3A_1106 = vector.broadcast %add3A_210 : i32 to vector<16xi32>
        %sub3A_1107 = arith.subi %shift_right_logical3A_1105, %sub3A_1106 : vector<16xi32>
        %ge3A_1108 = arith.constant 0 : i32
        %ge3A_1109 = vector.broadcast %ge3A_1108 : i32 to vector<16xi32>
        %ge3A_1110 = arith.cmpi sge, %sub3A_1107, %ge3A_1109 : vector<16xi32>
        %lt3A_1111 = arith.constant 256 : i32
        %lt3A_1112 = vector.broadcast %lt3A_1111 : i32 to vector<16xi32>
        %lt3A_1113 = arith.cmpi slt, %sub3A_1107, %lt3A_1112 : vector<16xi32>
        %and3A_1114 = arith.andi %ge3A_1110, %lt3A_1113 : vector<16xi1>
        %jit3A_1115 = arith.constant 256 : i32
        %broadcast_in_dim3A_1116 = vector.broadcast %jit3A_1115 : i32 to vector<16xi32>
        %select_n3A_1117 = arith.select %and3A_1114, %sub3A_1107, %broadcast_in_dim3A_1116 : vector<16xi1>, vector<16xi32>
        %mul3A_1118 = arith.constant 5120 : i32
        %mul3A_1119 = vector.broadcast %mul3A_1118 : i32 to vector<16xi32>
        %mul3A_1120 = arith.muli %select_n3A_1117, %mul3A_1119 : vector<16xi32>
        %add3A_1121 = arith.addi %mul3A_1120, %and3A_1102 : vector<16xi32>
        %swap3A_1122 = arith.constant 3 : i32
        %swap3A_1123 = arith.index_cast %swap3A_1122 : i32 to index
        %swap3A_1124 = arith.constant 16 : index
        %swap3A_1125 = tpu.vector_load %arg6[%swap3A_1123, %swap3A_1124] {strides = array<i32>} : memref<4x100xi32, #tpu.memory_space<vmem>>, vector<1x16xi32>,
        %swap3A_1126 = vector.shape_cast %swap3A_1125 : vector<1x16xi32> to vector<16xi32>
        %swap3A_1127 = vector.shape_cast %add3A_1121 : vector<16xi32> to vector<1x16xi32>
        tpu.vector_store %arg6[%swap3A_1123, %swap3A_1124], %swap3A_1127 {strides = array<i32>} : memref<4x100xi32, #tpu.memory_space<vmem>>, vector<1x16xi32>,
        %get3A_1128 = arith.index_cast %add3A_1058 : i32 to index
        %get3A_1129 = arith.constant 32 : index
        %get3A_1130 = tpu.vector_load %arg5[%get3A_1128, %get3A_1129] {strides = array<i32>} : memref<200x100xi32, #tpu.memory_space<vmem>>, vector<1x16xi32>,
        %get3A_1131 = vector.shape_cast %get3A_1130 : vector<1x16xi32> to vector<16xi32>
        %and3A_1132 = arith.constant 65535 : i32
        %and3A_1133 = vector.broadcast %and3A_1132 : i32 to vector<16xi32>
        %and3A_1134 = arith.andi %get3A_1131, %and3A_1133 : vector<16xi32>
        %shift_right_logical3A_1135 = arith.constant 16 : i32
        %shift_right_logical3A_1136 = vector.broadcast %shift_right_logical3A_1135 : i32 to vector<16xi32>
        %shift_right_logical3A_1137 = arith.shrui %get3A_1131, %shift_right_logical3A_1136 : vector<16xi32>
        %sub3A_1138 = vector.broadcast %add3A_210 : i32 to vector<16xi32>
        %sub3A_1139 = arith.subi %shift_right_logical3A_1137, %sub3A_1138 : vector<16xi32>
        %ge3A_1140 = arith.constant 0 : i32
        %ge3A_1141 = vector.broadcast %ge3A_1140 : i32 to vector<16xi32>
        %ge3A_1142 = arith.cmpi sge, %sub3A_1139, %ge3A_1141 : vector<16xi32>
        %lt3A_1143 = arith.constant 256 : i32
        %lt3A_1144 = vector.broadcast %lt3A_1143 : i32 to vector<16xi32>
        %lt3A_1145 = arith.cmpi slt, %sub3A_1139, %lt3A_1144 : vector<16xi32>
        %and3A_1146 = arith.andi %ge3A_1142, %lt3A_1145 : vector<16xi1>
        %jit3A_1147 = arith.constant 256 : i32
        %broadcast_in_dim3A_1148 = vector.broadcast %jit3A_1147 : i32 to vector<16xi32>
        %select_n3A_1149 = arith.select %and3A_1146, %sub3A_1139, %broadcast_in_dim3A_1148 : vector<16xi1>, vector<16xi32>
        %mul3A_1150 = arith.constant 5120 : i32
        %mul3A_1151 = vector.broadcast %mul3A_1150 : i32 to vector<16xi32>
        %mul3A_1152 = arith.muli %select_n3A_1149, %mul3A_1151 : vector<16xi32>
        %add3A_1153 = arith.addi %mul3A_1152, %and3A_1134 : vector<16xi32>
        %swap3A_1154 = arith.constant 3 : i32
        %swap3A_1155 = arith.index_cast %swap3A_1154 : i32 to index
        %swap3A_1156 = arith.constant 32 : index
        %swap3A_1157 = tpu.vector_load %arg6[%swap3A_1155, %swap3A_1156] {strides = array<i32>} : memref<4x100xi32, #tpu.memory_space<vmem>>, vector<1x16xi32>,
        %swap3A_1158 = vector.shape_cast %swap3A_1157 : vector<1x16xi32> to vector<16xi32>
        %swap3A_1159 = vector.shape_cast %add3A_1153 : vector<16xi32> to vector<1x16xi32>
        tpu.vector_store %arg6[%swap3A_1155, %swap3A_1156], %swap3A_1159 {strides = array<i32>} : memref<4x100xi32, #tpu.memory_space<vmem>>, vector<1x16xi32>,
        %get3A_1160 = arith.index_cast %add3A_1058 : i32 to index
        %get3A_1161 = arith.constant 48 : index
        %get3A_1162 = tpu.vector_load %arg5[%get3A_1160, %get3A_1161] {strides = array<i32>} : memref<200x100xi32, #tpu.memory_space<vmem>>, vector<1x16xi32>,
        %get3A_1163 = vector.shape_cast %get3A_1162 : vector<1x16xi32> to vector<16xi32>
        %and3A_1164 = arith.constant 65535 : i32
        %and3A_1165 = vector.broadcast %and3A_1164 : i32 to vector<16xi32>
        %and3A_1166 = arith.andi %get3A_1163, %and3A_1165 : vector<16xi32>
        %shift_right_logical3A_1167 = arith.constant 16 : i32
        %shift_right_logical3A_1168 = vector.broadcast %shift_right_logical3A_1167 : i32 to vector<16xi32>
        %shift_right_logical3A_1169 = arith.shrui %get3A_1163, %shift_right_logical3A_1168 : vector<16xi32>
        %sub3A_1170 = vector.broadcast %add3A_210 : i32 to vector<16xi32>
        %sub3A_1171 = arith.subi %shift_right_logical3A_1169, %sub3A_1170 : vector<16xi32>
        %ge3A_1172 = arith.constant 0 : i32
        %ge3A_1173 = vector.broadcast %ge3A_1172 : i32 to vector<16xi32>
        %ge3A_1174 = arith.cmpi sge, %sub3A_1171, %ge3A_1173 : vector<16xi32>
        %lt3A_1175 = arith.constant 256 : i32
        %lt3A_1176 = vector.broadcast %lt3A_1175 : i32 to vector<16xi32>
        %lt3A_1177 = arith.cmpi slt, %sub3A_1171, %lt3A_1176 : vector<16xi32>
        %and3A_1178 = arith.andi %ge3A_1174, %lt3A_1177 : vector<16xi1>
        %jit3A_1179 = arith.constant 256 : i32
        %broadcast_in_dim3A_1180 = vector.broadcast %jit3A_1179 : i32 to vector<16xi32>
        %select_n3A_1181 = arith.select %and3A_1178, %sub3A_1171, %broadcast_in_dim3A_1180 : vector<16xi1>, vector<16xi32>
        %mul3A_1182 = arith.constant 5120 : i32
        %mul3A_1183 = vector.broadcast %mul3A_1182 : i32 to vector<16xi32>
        %mul3A_1184 = arith.muli %select_n3A_1181, %mul3A_1183 : vector<16xi32>
        %add3A_1185 = arith.addi %mul3A_1184, %and3A_1166 : vector<16xi32>
        %swap3A_1186 = arith.constant 3 : i32
        %swap3A_1187 = arith.index_cast %swap3A_1186 : i32 to index
        %swap3A_1188 = arith.constant 48 : index
        %swap3A_1189 = tpu.vector_load %arg6[%swap3A_1187, %swap3A_1188] {strides = array<i32>} : memref<4x100xi32, #tpu.memory_space<vmem>>, vector<1x16xi32>,
        %swap3A_1190 = vector.shape_cast %swap3A_1189 : vector<1x16xi32> to vector<16xi32>
        %swap3A_1191 = vector.shape_cast %add3A_1185 : vector<16xi32> to vector<1x16xi32>
        tpu.vector_store %arg6[%swap3A_1187, %swap3A_1188], %swap3A_1191 {strides = array<i32>} : memref<4x100xi32, #tpu.memory_space<vmem>>, vector<1x16xi32>,
        %get3A_1192 = arith.index_cast %add3A_1058 : i32 to index
        %get3A_1193 = arith.constant 64 : index
        %get3A_1194 = tpu.vector_load %arg5[%get3A_1192, %get3A_1193] {strides = array<i32>} : memref<200x100xi32, #tpu.memory_space<vmem>>, vector<1x16xi32>,
        %get3A_1195 = vector.shape_cast %get3A_1194 : vector<1x16xi32> to vector<16xi32>
        %and3A_1196 = arith.constant 65535 : i32
        %and3A_1197 = vector.broadcast %and3A_1196 : i32 to vector<16xi32>
        %and3A_1198 = arith.andi %get3A_1195, %and3A_1197 : vector<16xi32>
        %shift_right_logical3A_1199 = arith.constant 16 : i32
        %shift_right_logical3A_1200 = vector.broadcast %shift_right_logical3A_1199 : i32 to vector<16xi32>
        %shift_right_logical3A_1201 = arith.shrui %get3A_1195, %shift_right_logical3A_1200 : vector<16xi32>
        %sub3A_1202 = vector.broadcast %add3A_210 : i32 to vector<16xi32>
        %sub3A_1203 = arith.subi %shift_right_logical3A_1201, %sub3A_1202 : vector<16xi32>
        %ge3A_1204 = arith.constant 0 : i32
        %ge3A_1205 = vector.broadcast %ge3A_1204 : i32 to vector<16xi32>
        %ge3A_1206 = arith.cmpi sge, %sub3A_1203, %ge3A_1205 : vector<16xi32>
        %lt3A_1207 = arith.constant 256 : i32
        %lt3A_1208 = vector.broadcast %lt3A_1207 : i32 to vector<16xi32>
        %lt3A_1209 = arith.cmpi slt, %sub3A_1203, %lt3A_1208 : vector<16xi32>
        %and3A_1210 = arith.andi %ge3A_1206, %lt3A_1209 : vector<16xi1>
        %jit3A_1211 = arith.constant 256 : i32
        %broadcast_in_dim3A_1212 = vector.broadcast %jit3A_1211 : i32 to vector<16xi32>
        %select_n3A_1213 = arith.select %and3A_1210, %sub3A_1203, %broadcast_in_dim3A_1212 : vector<16xi1>, vector<16xi32>
        %mul3A_1214 = arith.constant 5120 : i32
        %mul3A_1215 = vector.broadcast %mul3A_1214 : i32 to vector<16xi32>
        %mul3A_1216 = arith.muli %select_n3A_1213, %mul3A_1215 : vector<16xi32>
        %add3A_1217 = arith.addi %mul3A_1216, %and3A_1198 : vector<16xi32>
        %swap3A_1218 = arith.constant 3 : i32
        %swap3A_1219 = arith.index_cast %swap3A_1218 : i32 to index
        %swap3A_1220 = arith.constant 64 : index
        %swap3A_1221 = tpu.vector_load %arg6[%swap3A_1219, %swap3A_1220] {strides = array<i32>} : memref<4x100xi32, #tpu.memory_space<vmem>>, vector<1x16xi32>,
        %swap3A_1222 = vector.shape_cast %swap3A_1221 : vector<1x16xi32> to vector<16xi32>
        %swap3A_1223 = vector.shape_cast %add3A_1217 : vector<16xi32> to vector<1x16xi32>
        tpu.vector_store %arg6[%swap3A_1219, %swap3A_1220], %swap3A_1223 {strides = array<i32>} : memref<4x100xi32, #tpu.memory_space<vmem>>, vector<1x16xi32>,
        %get3A_1224 = arith.index_cast %add3A_1058 : i32 to index
        %get3A_1225 = arith.constant 80 : index
        %get3A_1226 = tpu.vector_load %arg5[%get3A_1224, %get3A_1225] {strides = array<i32>} : memref<200x100xi32, #tpu.memory_space<vmem>>, vector<1x16xi32>,
        %get3A_1227 = vector.shape_cast %get3A_1226 : vector<1x16xi32> to vector<16xi32>
        %and3A_1228 = arith.constant 65535 : i32
        %and3A_1229 = vector.broadcast %and3A_1228 : i32 to vector<16xi32>
        %and3A_1230 = arith.andi %get3A_1227, %and3A_1229 : vector<16xi32>
        %shift_right_logical3A_1231 = arith.constant 16 : i32
        %shift_right_logical3A_1232 = vector.broadcast %shift_right_logical3A_1231 : i32 to vector<16xi32>
        %shift_right_logical3A_1233 = arith.shrui %get3A_1227, %shift_right_logical3A_1232 : vector<16xi32>
        %sub3A_1234 = vector.broadcast %add3A_210 : i32 to vector<16xi32>
        %sub3A_1235 = arith.subi %shift_right_logical3A_1233, %sub3A_1234 : vector<16xi32>
        %ge3A_1236 = arith.constant 0 : i32
        %ge3A_1237 = vector.broadcast %ge3A_1236 : i32 to vector<16xi32>
        %ge3A_1238 = arith.cmpi sge, %sub3A_1235, %ge3A_1237 : vector<16xi32>
        %lt3A_1239 = arith.constant 256 : i32
        %lt3A_1240 = vector.broadcast %lt3A_1239 : i32 to vector<16xi32>
        %lt3A_1241 = arith.cmpi slt, %sub3A_1235, %lt3A_1240 : vector<16xi32>
        %and3A_1242 = arith.andi %ge3A_1238, %lt3A_1241 : vector<16xi1>
        %jit3A_1243 = arith.constant 256 : i32
        %broadcast_in_dim3A_1244 = vector.broadcast %jit3A_1243 : i32 to vector<16xi32>
        %select_n3A_1245 = arith.select %and3A_1242, %sub3A_1235, %broadcast_in_dim3A_1244 : vector<16xi1>, vector<16xi32>
        %mul3A_1246 = arith.constant 5120 : i32
        %mul3A_1247 = vector.broadcast %mul3A_1246 : i32 to vector<16xi32>
        %mul3A_1248 = arith.muli %select_n3A_1245, %mul3A_1247 : vector<16xi32>
        %add3A_1249 = arith.addi %mul3A_1248, %and3A_1230 : vector<16xi32>
        %swap3A_1250 = arith.constant 3 : i32
        %swap3A_1251 = arith.index_cast %swap3A_1250 : i32 to index
        %swap3A_1252 = arith.constant 80 : index
        %swap3A_1253 = tpu.vector_load %arg6[%swap3A_1251, %swap3A_1252] {strides = array<i32>} : memref<4x100xi32, #tpu.memory_space<vmem>>, vector<1x16xi32>,
        %swap3A_1254 = vector.shape_cast %swap3A_1253 : vector<1x16xi32> to vector<16xi32>
        %swap3A_1255 = vector.shape_cast %add3A_1249 : vector<16xi32> to vector<1x16xi32>
        tpu.vector_store %arg6[%swap3A_1251, %swap3A_1252], %swap3A_1255 {strides = array<i32>} : memref<4x100xi32, #tpu.memory_space<vmem>>, vector<1x16xi32>,
        %get3A_1256 = arith.index_cast %add3A_1058 : i32 to index
        %get3A_1257 = arith.constant 84 : index
        %get3A_1258 = tpu.vector_load %arg5[%get3A_1256, %get3A_1257] {strides = array<i32>} : memref<200x100xi32, #tpu.memory_space<vmem>>, vector<1x16xi32>,
        %get3A_1259 = vector.shape_cast %get3A_1258 : vector<1x16xi32> to vector<16xi32>
        %and3A_1260 = arith.constant 65535 : i32
        %and3A_1261 = vector.broadcast %and3A_1260 : i32 to vector<16xi32>
        %and3A_1262 = arith.andi %get3A_1259, %and3A_1261 : vector<16xi32>
        %shift_right_logical3A_1263 = arith.constant 16 : i32
        %shift_right_logical3A_1264 = vector.broadcast %shift_right_logical3A_1263 : i32 to vector<16xi32>
        %shift_right_logical3A_1265 = arith.shrui %get3A_1259, %shift_right_logical3A_1264 : vector<16xi32>
        %sub3A_1266 = vector.broadcast %add3A_210 : i32 to vector<16xi32>
        %sub3A_1267 = arith.subi %shift_right_logical3A_1265, %sub3A_1266 : vector<16xi32>
        %ge3A_1268 = arith.constant 0 : i32
        %ge3A_1269 = vector.broadcast %ge3A_1268 : i32 to vector<16xi32>
        %ge3A_1270 = arith.cmpi sge, %sub3A_1267, %ge3A_1269 : vector<16xi32>
        %lt3A_1271 = arith.constant 256 : i32
        %lt3A_1272 = vector.broadcast %lt3A_1271 : i32 to vector<16xi32>
        %lt3A_1273 = arith.cmpi slt, %sub3A_1267, %lt3A_1272 : vector<16xi32>
        %and3A_1274 = arith.andi %ge3A_1270, %lt3A_1273 : vector<16xi1>
        %jit3A_1275 = arith.constant 256 : i32
        %broadcast_in_dim3A_1276 = vector.broadcast %jit3A_1275 : i32 to vector<16xi32>
        %select_n3A_1277 = arith.select %and3A_1274, %sub3A_1267, %broadcast_in_dim3A_1276 : vector<16xi1>, vector<16xi32>
        %mul3A_1278 = arith.constant 5120 : i32
        %mul3A_1279 = vector.broadcast %mul3A_1278 : i32 to vector<16xi32>
        %mul3A_1280 = arith.muli %select_n3A_1277, %mul3A_1279 : vector<16xi32>
        %add3A_1281 = arith.addi %mul3A_1280, %and3A_1262 : vector<16xi32>
        %swap3A_1282 = arith.constant 3 : i32
        %swap3A_1283 = arith.index_cast %swap3A_1282 : i32 to index
        %swap3A_1284 = arith.constant 84 : index
        %swap3A_1285 = tpu.vector_load %arg6[%swap3A_1283, %swap3A_1284] {strides = array<i32>} : memref<4x100xi32, #tpu.memory_space<vmem>>, vector<1x16xi32>,
        %swap3A_1286 = vector.shape_cast %swap3A_1285 : vector<1x16xi32> to vector<16xi32>
        %swap3A_1287 = vector.shape_cast %add3A_1281 : vector<16xi32> to vector<1x16xi32>
        tpu.vector_store %arg6[%swap3A_1283, %swap3A_1284], %swap3A_1287 {strides = array<i32>} : memref<4x100xi32, #tpu.memory_space<vmem>>, vector<1x16xi32>,
        %dma_start3A_1288 = arith.constant 3 : i32
        %dma_start3A_1289 = arith.constant 0 : i32
        %dma_start3A_1290 = tpu.memref_slice %arg6[%dma_start3A_1288, %dma_start3A_1289] : memref<4x100xi32, #tpu.memory_space<vmem>> -> memref<1x100xi32, #tpu.memory_space<vmem>>
        %dma_start3A_1291 = tpu.memref_squeeze %dma_start3A_1290 : memref<1x100xi32, #tpu.memory_space<vmem>> -> memref<100xi32, #tpu.memory_space<vmem>>
        %dma_start3A_1292 = arith.constant 0 : i32
        %dma_start3A_1293 = tpu.memref_slice %arg10[%dma_start3A_1292] : memref<1315840xf32, #tpu.memory_space<vmem_shared>> -> memref<1315840xf32, #tpu.memory_space<vmem_shared>>
        tpu.enqueue_indirect_dma source(%arg7 : memref<100xf32, #tpu.memory_space<vmem>>) target(%dma_start3A_1293 : memref<1315840xf32, #tpu.memory_space<vmem_shared>>) offsets(%dma_start3A_1291 : memref<100xi32, #tpu.memory_space<vmem>>) semaphore(%arg15 : memref<!tpu.dma_semaphore, #tpu.memory_space<semaphore_mem>>) {add = true}
      }
      %scan3A_313 = arith.constant 50 : i32
      %dma_wait3A_314 = arith.constant 0 : i32
      %dma_wait3A_315 = arith.constant 0 : i32
      %dma_wait3A_316 = tpu.memref_slice %arg6[%dma_wait3A_314, %dma_wait3A_315] : memref<4x100xi32, #tpu.memory_space<vmem>> -> memref<1x100xi32, #tpu.memory_space<vmem>>
      %dma_wait3A_317 = tpu.memref_squeeze %dma_wait3A_316 : memref<1x100xi32, #tpu.memory_space<vmem>> -> memref<100xi32, #tpu.memory_space<vmem>>
      %dma_wait3A_318 = arith.constant 0 : i32
      %dma_wait3A_319 = tpu.memref_slice %arg10[%dma_wait3A_318] : memref<1315840xf32, #tpu.memory_space<vmem_shared>> -> memref<1315840xf32, #tpu.memory_space<vmem_shared>>
      tpu.wait_indirect_dma semaphore(%arg12 : memref<!tpu.dma_semaphore, #tpu.memory_space<semaphore_mem>>) src(%arg7 : memref<100xf32, #tpu.memory_space<vmem>>) dst(%dma_wait3A_319 : memref<1315840xf32, #tpu.memory_space<vmem_shared>>)
      %dma_wait3A_320 = arith.constant 1 : i32
      %dma_wait3A_321 = arith.constant 0 : i32
      %dma_wait3A_322 = tpu.memref_slice %arg6[%dma_wait3A_320, %dma_wait3A_321] : memref<4x100xi32, #tpu.memory_space<vmem>> -> memref<1x100xi32, #tpu.memory_space<vmem>>
      %dma_wait3A_323 = tpu.memref_squeeze %dma_wait3A_322 : memref<1x100xi32, #tpu.memory_space<vmem>> -> memref<100xi32, #tpu.memory_space<vmem>>
      %dma_wait3A_324 = arith.constant 0 : i32
      %dma_wait3A_325 = tpu.memref_slice %arg10[%dma_wait3A_324] : memref<1315840xf32, #tpu.memory_space<vmem_shared>> -> memref<1315840xf32, #tpu.memory_space<vmem_shared>>
      tpu.wait_indirect_dma semaphore(%arg13 : memref<!tpu.dma_semaphore, #tpu.memory_space<semaphore_mem>>) src(%arg7 : memref<100xf32, #tpu.memory_space<vmem>>) dst(%dma_wait3A_325 : memref<1315840xf32, #tpu.memory_space<vmem_shared>>)
      %dma_wait3A_326 = arith.constant 2 : i32
      %dma_wait3A_327 = arith.constant 0 : i32
      %dma_wait3A_328 = tpu.memref_slice %arg6[%dma_wait3A_326, %dma_wait3A_327] : memref<4x100xi32, #tpu.memory_space<vmem>> -> memref<1x100xi32, #tpu.memory_space<vmem>>
      %dma_wait3A_329 = tpu.memref_squeeze %dma_wait3A_328 : memref<1x100xi32, #tpu.memory_space<vmem>> -> memref<100xi32, #tpu.memory_space<vmem>>
      %dma_wait3A_330 = arith.constant 0 : i32
      %dma_wait3A_331 = tpu.memref_slice %arg10[%dma_wait3A_330] : memref<1315840xf32, #tpu.memory_space<vmem_shared>> -> memref<1315840xf32, #tpu.memory_space<vmem_shared>>
      tpu.wait_indirect_dma semaphore(%arg14 : memref<!tpu.dma_semaphore, #tpu.memory_space<semaphore_mem>>) src(%arg7 : memref<100xf32, #tpu.memory_space<vmem>>) dst(%dma_wait3A_331 : memref<1315840xf32, #tpu.memory_space<vmem_shared>>)
      %dma_wait3A_332 = arith.constant 3 : i32
      %dma_wait3A_333 = arith.constant 0 : i32
      %dma_wait3A_334 = tpu.memref_slice %arg6[%dma_wait3A_332, %dma_wait3A_333] : memref<4x100xi32, #tpu.memory_space<vmem>> -> memref<1x100xi32, #tpu.memory_space<vmem>>
      %dma_wait3A_335 = tpu.memref_squeeze %dma_wait3A_334 : memref<1x100xi32, #tpu.memory_space<vmem>> -> memref<100xi32, #tpu.memory_space<vmem>>
      %dma_wait3A_336 = arith.constant 0 : i32
      %dma_wait3A_337 = tpu.memref_slice %arg10[%dma_wait3A_336] : memref<1315840xf32, #tpu.memory_space<vmem_shared>> -> memref<1315840xf32, #tpu.memory_space<vmem_shared>>
      tpu.wait_indirect_dma semaphore(%arg15 : memref<!tpu.dma_semaphore, #tpu.memory_space<semaphore_mem>>) src(%arg7 : memref<100xf32, #tpu.memory_space<vmem>>) dst(%dma_wait3A_337 : memref<1315840xf32, #tpu.memory_space<vmem_shared>>)
      %barrier3A_338 = arith.constant 0 : index
      tpu.barrier barrier_id(%barrier3A_338)
      %mul3A_339 = arith.constant 16 : i32
      %mul3A_340 = arith.muli %arg1, %mul3A_339 : i32
      %mul3A_341 = arith.constant 5120 : i32
      %mul3A_342 = arith.muli %mul3A_340, %mul3A_341 : i32
      %mul3A_343 = arith.constant 16 : i32
      %mul3A_344 = arith.muli %arg1, %mul3A_343 : i32
      %add3A_345 = arith.addi %add3A_210, %mul3A_344 : i32
      %mul3A_346 = arith.constant 5120 : i32
      %mul3A_347 = arith.muli %add3A_345, %mul3A_346 : i32
      "tpu.region"() ({
        %run_scoped3A = tpu.sem_alloc : memref<!tpu.dma_semaphore, #tpu.memory_space<semaphore_mem>>
        %dma_start3A = tpu.memref_slice %arg4[%mul3A_347] : memref<26214400xf32, #tpu.memory_space<hbm>> -> memref<81920xf32, #tpu.memory_space<hbm>>
        %dma_start3A_349 = tpu.memref_slice %arg10[%mul3A_342] : memref<1315840xf32, #tpu.memory_space<vmem_shared>> -> memref<81920xf32, #tpu.memory_space<vmem_shared>>
        tpu.enqueue_dma source(%dma_start3A_349 : memref<81920xf32, #tpu.memory_space<vmem_shared>>) target(%dma_start3A : memref<81920xf32, #tpu.memory_space<hbm>>) target_semaphore(%run_scoped3A : memref<!tpu.dma_semaphore, #tpu.memory_space<semaphore_mem>>)
        %dma_wait3A_350 = tpu.memref_slice %arg4[%mul3A_347] : memref<26214400xf32, #tpu.memory_space<hbm>> -> memref<81920xf32, #tpu.memory_space<hbm>>
        %dma_wait3A_351 = tpu.memref_slice %arg10[%mul3A_342] : memref<1315840xf32, #tpu.memory_space<vmem_shared>> -> memref<81920xf32, #tpu.memory_space<vmem_shared>>
        tpu.wait_dma2 semaphore(%run_scoped3A : memref<!tpu.dma_semaphore, #tpu.memory_space<semaphore_mem>>) src(%dma_wait3A_351 : memref<81920xf32, #tpu.memory_space<vmem_shared>>) dst(%dma_wait3A_350 : memref<81920xf32, #tpu.memory_space<hbm>>)
        tpu.yield
      }) : () -> ()
      %barrier3A_348 = arith.constant 0 : index
      tpu.barrier barrier_id(%barrier3A_348)
    }
    %scan3A_204 = arith.constant 10 : i32
    return
  }
}

module attributes {stable_mosaic.version = 14 : i64} {
  func.func @_tc_l1_body(%arg0: i32, %arg1: memref<256x5120xf32, #tpu.memory_space<vmem>>, %arg2: memref<5120x128xf32, #tpu.memory_space<vmem>>, %arg3: memref<5120x128xf32, #tpu.memory_space<vmem>>, %arg4: memref<5120x1xf32, #tpu.memory_space<vmem>>, %arg5: memref<5120x1xf32, #tpu.memory_space<vmem>>, %arg6: memref<128x128xf32, #tpu.memory_space<vmem>>, %arg7: memref<128x128xf32, #tpu.memory_space<vmem>>, %arg8: memref<1x128xf32, #tpu.memory_space<vmem>>, %arg9: memref<128x128xf32, #tpu.memory_space<vmem>>, %arg10: memref<1x128xf32, #tpu.memory_space<vmem>>, %arg11: memref<128x128xf32, #tpu.memory_space<vmem>>, %arg12: memref<2x5120x128xf32, #tpu.memory_space<vmem>>, %arg13: memref<2x5120x128xf32, #tpu.memory_space<vmem>>, %arg14: memref<5120x128xf32, #tpu.memory_space<vmem>>, %arg15: memref<5120x128xf32, #tpu.memory_space<vmem>>) attributes {dimension_semantics = [#tpu.dimension_semantics<arbitrary>], iteration_bounds = array<i64: 20>, scalar_prefetch = 0 : i64, scratch_operands = 3 : i64, tpu.core_type = #tpu.core_type<tc>, window_params = [{transform_indices = @transform_0, window_bounds = array<i64: 256, 5120>}, {pipeline_mode = #tpu.pipeline_mode<synchronous>, transform_indices = @transform_1, window_bounds = array<i64: 5120, 128>}, {pipeline_mode = #tpu.pipeline_mode<synchronous>, transform_indices = @transform_2, window_bounds = array<i64: 5120, 128>}, {pipeline_mode = #tpu.pipeline_mode<synchronous>, transform_indices = @transform_3, window_bounds = array<i64: 5120, 1>}, {pipeline_mode = #tpu.pipeline_mode<synchronous>, transform_indices = @transform_4, window_bounds = array<i64: 5120, 1>}, {pipeline_mode = #tpu.pipeline_mode<synchronous>, transform_indices = @transform_5, window_bounds = array<i64: 128, 128>}, {pipeline_mode = #tpu.pipeline_mode<synchronous>, transform_indices = @transform_6, window_bounds = array<i64: 128, 128>}, {pipeline_mode = #tpu.pipeline_mode<synchronous>, transform_indices = @transform_7, window_bounds = array<i64: 1, 128>}, {pipeline_mode = #tpu.pipeline_mode<synchronous>, transform_indices = @transform_8, window_bounds = array<i64: 128, 128>}, {pipeline_mode = #tpu.pipeline_mode<synchronous>, transform_indices = @transform_9, window_bounds = array<i64: 1, 128>}, {pipeline_mode = #tpu.pipeline_mode<synchronous>, transform_indices = @transform_10, window_bounds = array<i64: 128, 128>}, {pipeline_mode = #tpu.pipeline_mode<synchronous>, transform_indices = @transform_11, window_bounds = array<i64: 2, 5120, 128>}]} {
    %eq3A = arith.constant 0 : i32
    %eq3A_0 = arith.cmpi eq, %arg0, %eq3A : i32
    %convert_element_type3A = arith.extui %eq3A_0 : i1 to i32
    %cond3A = arith.constant 0 : i32
    %cond3A_1 = arith.cmpi ne, %convert_element_type3A, %cond3A : i32
    scf.if %cond3A_1 {
      %get3A_39 = arith.constant 0 : index
      %get3A_40 = arith.constant 0 : index
      %get3A_41 = vector.load %arg2[%get3A_39, %get3A_40] : memref<5120x128xf32, #tpu.memory_space<vmem>>, vector<5120x128xf32>
      %get3A_42 = arith.constant 0 : index
      %get3A_43 = arith.constant 0 : index
      %get3A_44 = vector.load %arg4[%get3A_42, %get3A_43] : memref<5120x1xf32, #tpu.memory_space<vmem>>, vector<5120x1xf32>
      %max3A = arith.constant 1.000000e+00 : f32
      %max3A_45 = vector.broadcast %max3A : f32 to vector<5120x1xf32>
      %max3A_46 = arith.maximumf %get3A_44, %max3A_45 : vector<5120x1xf32>
      %rsqrt3A = math.rsqrt %max3A_46 : vector<5120x1xf32>
      %mul3A_47 = vector.broadcast %rsqrt3A : vector<5120x1xf32> to vector<5120x128xf32>
      %mul3A_48 = arith.mulf %get3A_41, %mul3A_47 : vector<5120x128xf32>
      %get3A_49 = arith.constant 0 : index
      %get3A_50 = arith.constant 0 : index
      %get3A_51 = vector.load %arg6[%get3A_49, %get3A_50] : memref<128x128xf32, #tpu.memory_space<vmem>>, vector<128x128xf32>
      %dot_general3A_52 = arith.constant dense<0.000000e+00> : vector<5120x128xf32>
      %dot_general3A_53 = tpu.matmul %mul3A_48, %get3A_51, %dot_general3A_52 {dimension_numbers = #tpu.dot_dimension_numbers<[1], [0], [0], [1], [0, 0, 1, 1], [], []>, transpose_lhs_hint = false} : vector<5120x128xf32>, vector<128x128xf32>, vector<5120x128xf32> -> vector<5120x128xf32>
      %swap3A_54 = arith.constant 0 : index
      %swap3A_55 = arith.constant 0 : index
      %swap3A_56 = arith.constant 0 : index
      %swap3A_57 = vector.load %arg13[%swap3A_54, %swap3A_55, %swap3A_56] : memref<2x5120x128xf32, #tpu.memory_space<vmem>>, vector<1x5120x128xf32>
      %swap3A_58 = vector.shape_cast %swap3A_57 : vector<1x5120x128xf32> to vector<5120x128xf32>
      %swap3A_59 = vector.shape_cast %dot_general3A_53 : vector<5120x128xf32> to vector<1x5120x128xf32>
      tpu.vector_store %arg13[%swap3A_54, %swap3A_55, %swap3A_56], %swap3A_59 {strides = array<i32>} : memref<2x5120x128xf32, #tpu.memory_space<vmem>>, vector<1x5120x128xf32>,
      %get3A_60 = arith.constant 0 : index
      %get3A_61 = arith.constant 0 : index
      %get3A_62 = vector.load %arg3[%get3A_60, %get3A_61] : memref<5120x128xf32, #tpu.memory_space<vmem>>, vector<5120x128xf32>
      %get3A_63 = arith.constant 0 : index
      %get3A_64 = arith.constant 0 : index
      %get3A_65 = vector.load %arg5[%get3A_63, %get3A_64] : memref<5120x1xf32, #tpu.memory_space<vmem>>, vector<5120x1xf32>
      %max3A_66 = arith.constant 1.000000e+00 : f32
      %max3A_67 = vector.broadcast %max3A_66 : f32 to vector<5120x1xf32>
      %max3A_68 = arith.maximumf %get3A_65, %max3A_67 : vector<5120x1xf32>
      %rsqrt3A_69 = math.rsqrt %max3A_68 : vector<5120x1xf32>
      %mul3A_70 = vector.broadcast %rsqrt3A_69 : vector<5120x1xf32> to vector<5120x128xf32>
      %mul3A_71 = arith.mulf %get3A_62, %mul3A_70 : vector<5120x128xf32>
      %get3A_72 = arith.constant 0 : index
      %get3A_73 = arith.constant 0 : index
      %get3A_74 = vector.load %arg7[%get3A_72, %get3A_73] : memref<128x128xf32, #tpu.memory_space<vmem>>, vector<128x128xf32>
      %dot_general3A_75 = arith.constant dense<0.000000e+00> : vector<5120x128xf32>
      %dot_general3A_76 = tpu.matmul %mul3A_71, %get3A_74, %dot_general3A_75 {dimension_numbers = #tpu.dot_dimension_numbers<[1], [0], [0], [1], [0, 0, 1, 1], [], []>, transpose_lhs_hint = false} : vector<5120x128xf32>, vector<128x128xf32>, vector<5120x128xf32> -> vector<5120x128xf32>
      %swap3A_77 = arith.constant 1 : index
      %swap3A_78 = arith.constant 0 : index
      %swap3A_79 = arith.constant 0 : index
      %swap3A_80 = vector.load %arg13[%swap3A_77, %swap3A_78, %swap3A_79] : memref<2x5120x128xf32, #tpu.memory_space<vmem>>, vector<1x5120x128xf32>
      %swap3A_81 = vector.shape_cast %swap3A_80 : vector<1x5120x128xf32> to vector<5120x128xf32>
      %swap3A_82 = vector.shape_cast %dot_general3A_76 : vector<5120x128xf32> to vector<1x5120x128xf32>
      tpu.vector_store %arg13[%swap3A_77, %swap3A_78, %swap3A_79], %swap3A_82 {strides = array<i32>} : memref<2x5120x128xf32, #tpu.memory_space<vmem>>, vector<1x5120x128xf32>,
    } else {
    }
    %get3A = arith.constant 0 : index
    %get3A_2 = arith.constant 0 : index
    %get3A_3 = arith.constant 0 : index
    %get3A_4 = vector.load %arg13[%get3A, %get3A_2, %get3A_3] : memref<2x5120x128xf32, #tpu.memory_space<vmem>>, vector<1x5120x128xf32>
    %get3A_5 = vector.shape_cast %get3A_4 : vector<1x5120x128xf32> to vector<5120x128xf32>
    %get3A_6 = arith.constant 0 : index
    %get3A_7 = arith.constant 0 : index
    %get3A_8 = vector.load %arg1[%get3A_6, %get3A_7] : memref<256x5120xf32, #tpu.memory_space<vmem>>, vector<256x5120xf32>
    %dot_general3A = arith.constant dense<0.000000e+00> : vector<256x128xf32>
    %dot_general3A_9 = tpu.matmul %get3A_8, %get3A_5, %dot_general3A {dimension_numbers = #tpu.dot_dimension_numbers<[1], [0], [0], [1], [0, 0, 1, 1], [], []>, transpose_lhs_hint = false} : vector<256x5120xf32>, vector<5120x128xf32>, vector<256x128xf32> -> vector<256x128xf32>
    %mul3A = arith.constant 256 : i32
    %mul3A_10 = arith.muli %arg0, %mul3A : i32
    %swap3A = arith.index_cast %mul3A_10 : i32 to index
    %swap3A_11 = arith.constant 0 : index
    %swap3A_12 = vector.load %arg14[%swap3A, %swap3A_11] : memref<5120x128xf32, #tpu.memory_space<vmem>>, vector<256x128xf32>
    tpu.vector_store %arg14[%swap3A, %swap3A_11], %dot_general3A_9 {strides = array<i32>} : memref<5120x128xf32, #tpu.memory_space<vmem>>, vector<256x128xf32>,
    %mul3A_13 = arith.constant 256 : i32
    %mul3A_14 = arith.muli %arg0, %mul3A_13 : i32
    %get3A_15 = arith.constant 1 : i32
    %get3A_16 = arith.constant 0 : i32
    %get3A_17 = arith.constant 0 : i32
    %get3A_18 = tpu.memref_slice %arg13[%get3A_15, %get3A_16, %get3A_17] : memref<2x5120x128xf32, #tpu.memory_space<vmem>> -> memref<1x5120x128xf32, #tpu.memory_space<vmem>>
    %get3A_19 = tpu.memref_squeeze %get3A_18 : memref<1x5120x128xf32, #tpu.memory_space<vmem>> -> memref<5120x128xf32, #tpu.memory_space<vmem>>
    %get3A_20 = arith.index_cast %mul3A_14 : i32 to index
    %get3A_21 = arith.constant 0 : index
    %get3A_22 = vector.load %get3A_19[%get3A_20, %get3A_21] : memref<5120x128xf32, #tpu.memory_space<vmem>>, vector<256x128xf32>
    %dot_general3A_23 = arith.constant dense<0.000000e+00> : vector<5120x128xf32>
    %dot_general3A_24 = tpu.matmul %get3A_8, %get3A_22, %dot_general3A_23 {dimension_numbers = #tpu.dot_dimension_numbers<[0], [0], [1], [1], [0, 1, 1, 1], [], []>, transpose_lhs_hint = false} : vector<256x5120xf32>, vector<256x128xf32>, vector<5120x128xf32> -> vector<5120x128xf32>
    %eq3A_25 = arith.constant 0 : i32
    %eq3A_26 = arith.cmpi eq, %arg0, %eq3A_25 : i32
    %convert_element_type3A_27 = arith.extui %eq3A_26 : i1 to i32
    %cond3A_28 = arith.constant 0 : i32
    %cond3A_29 = arith.cmpi ne, %convert_element_type3A_27, %cond3A_28 : i32
    scf.if %cond3A_29 {
      %swap3A_39 = arith.constant 0 : index
      %swap3A_40 = arith.constant 0 : index
      %swap3A_41 = vector.load %arg15[%swap3A_39, %swap3A_40] : memref<5120x128xf32, #tpu.memory_space<vmem>>, vector<5120x128xf32>
      tpu.vector_store %arg15[%swap3A_39, %swap3A_40], %dot_general3A_24 {strides = array<i32>} : memref<5120x128xf32, #tpu.memory_space<vmem>>, vector<5120x128xf32>,
    } else {
    }
    %gt3A = arith.constant 0 : i32
    %gt3A_30 = arith.cmpi sgt, %arg0, %gt3A : i32
    %convert_element_type3A_31 = arith.extui %gt3A_30 : i1 to i32
    %cond3A_32 = arith.constant 0 : i32
    %cond3A_33 = arith.cmpi ne, %convert_element_type3A_31, %cond3A_32 : i32
    scf.if %cond3A_33 {
      %get3A_39 = arith.constant 0 : index
      %get3A_40 = arith.constant 0 : index
      %get3A_41 = vector.load %arg15[%get3A_39, %get3A_40] : memref<5120x128xf32, #tpu.memory_space<vmem>>, vector<5120x128xf32>
      %add3A = arith.addf %get3A_41, %dot_general3A_24 : vector<5120x128xf32>
      %swap3A_42 = arith.constant 0 : index
      %swap3A_43 = arith.constant 0 : index
      %swap3A_44 = vector.load %arg15[%swap3A_42, %swap3A_43] : memref<5120x128xf32, #tpu.memory_space<vmem>>, vector<5120x128xf32>
      tpu.vector_store %arg15[%swap3A_42, %swap3A_43], %add3A {strides = array<i32>} : memref<5120x128xf32, #tpu.memory_space<vmem>>, vector<5120x128xf32>,
    } else {
    }
    %eq3A_34 = arith.constant 19 : i32
    %eq3A_35 = arith.cmpi eq, %arg0, %eq3A_34 : i32
    %convert_element_type3A_36 = arith.extui %eq3A_35 : i1 to i32
    %cond3A_37 = arith.constant 0 : i32
    %cond3A_38 = arith.cmpi ne, %convert_element_type3A_36, %cond3A_37 : i32
    scf.if %cond3A_38 {
      %get3A_39 = arith.constant 0 : index
      %get3A_40 = arith.constant 0 : index
      %get3A_41 = vector.load %arg4[%get3A_39, %get3A_40] : memref<5120x1xf32, #tpu.memory_space<vmem>>, vector<5120x1xf32>
      %max3A = arith.constant 1.000000e+00 : f32
      %max3A_42 = vector.broadcast %max3A : f32 to vector<5120x1xf32>
      %max3A_43 = arith.maximumf %get3A_41, %max3A_42 : vector<5120x1xf32>
      %rsqrt3A = math.rsqrt %max3A_43 : vector<5120x1xf32>
      %get3A_44 = arith.constant 0 : index
      %get3A_45 = arith.constant 0 : index
      %get3A_46 = vector.load %arg5[%get3A_44, %get3A_45] : memref<5120x1xf32, #tpu.memory_space<vmem>>, vector<5120x1xf32>
      %max3A_47 = arith.constant 1.000000e+00 : f32
      %max3A_48 = vector.broadcast %max3A_47 : f32 to vector<5120x1xf32>
      %max3A_49 = arith.maximumf %get3A_46, %max3A_48 : vector<5120x1xf32>
      %rsqrt3A_50 = math.rsqrt %max3A_49 : vector<5120x1xf32>
      %get3A_51 = arith.constant 0 : index
      %get3A_52 = arith.constant 0 : index
      %get3A_53 = vector.load %arg15[%get3A_51, %get3A_52] : memref<5120x128xf32, #tpu.memory_space<vmem>>, vector<5120x128xf32>
      %mul3A_54 = vector.broadcast %rsqrt3A : vector<5120x1xf32> to vector<5120x128xf32>
      %mul3A_55 = arith.mulf %get3A_53, %mul3A_54 : vector<5120x128xf32>
      %get3A_56 = arith.constant 0 : index
      %get3A_57 = arith.constant 0 : index
      %get3A_58 = vector.load %arg8[%get3A_56, %get3A_57] : memref<1x128xf32, #tpu.memory_space<vmem>>, vector<1x128xf32>
      %add3A = vector.broadcast %get3A_58 : vector<1x128xf32> to vector<5120x128xf32>
      %add3A_59 = arith.addf %mul3A_55, %add3A : vector<5120x128xf32>
      %max3A_60 = arith.constant 0.000000e+00 : f32
      %max3A_61 = vector.broadcast %max3A_60 : f32 to vector<5120x128xf32>
      %max3A_62 = arith.maximumf %add3A_59, %max3A_61 : vector<5120x128xf32>
      %get3A_63 = arith.constant 0 : index
      %get3A_64 = arith.constant 0 : index
      %get3A_65 = vector.load %arg14[%get3A_63, %get3A_64] : memref<5120x128xf32, #tpu.memory_space<vmem>>, vector<5120x128xf32>
      %mul3A_66 = vector.broadcast %rsqrt3A_50 : vector<5120x1xf32> to vector<5120x128xf32>
      %mul3A_67 = arith.mulf %get3A_65, %mul3A_66 : vector<5120x128xf32>
      %get3A_68 = arith.constant 0 : index
      %get3A_69 = arith.constant 0 : index
      %get3A_70 = vector.load %arg10[%get3A_68, %get3A_69] : memref<1x128xf32, #tpu.memory_space<vmem>>, vector<1x128xf32>
      %add3A_71 = vector.broadcast %get3A_70 : vector<1x128xf32> to vector<5120x128xf32>
      %add3A_72 = arith.addf %mul3A_67, %add3A_71 : vector<5120x128xf32>
      %max3A_73 = arith.constant 0.000000e+00 : f32
      %max3A_74 = vector.broadcast %max3A_73 : f32 to vector<5120x128xf32>
      %max3A_75 = arith.maximumf %add3A_72, %max3A_74 : vector<5120x128xf32>
      %mul3A_76 = vector.broadcast %rsqrt3A : vector<5120x1xf32> to vector<5120x128xf32>
      %mul3A_77 = arith.mulf %max3A_62, %mul3A_76 : vector<5120x128xf32>
      %get3A_78 = arith.constant 0 : index
      %get3A_79 = arith.constant 0 : index
      %get3A_80 = vector.load %arg9[%get3A_78, %get3A_79] : memref<128x128xf32, #tpu.memory_space<vmem>>, vector<128x128xf32>
      %dot_general3A_81 = arith.constant dense<0.000000e+00> : vector<5120x128xf32>
      %dot_general3A_82 = tpu.matmul %mul3A_77, %get3A_80, %dot_general3A_81 {dimension_numbers = #tpu.dot_dimension_numbers<[1], [0], [0], [1], [0, 0, 1, 1], [], []>, transpose_lhs_hint = false} : vector<5120x128xf32>, vector<128x128xf32>, vector<5120x128xf32> -> vector<5120x128xf32>
      %swap3A_83 = arith.constant 0 : index
      %swap3A_84 = arith.constant 0 : index
      %swap3A_85 = arith.constant 0 : index
      %swap3A_86 = vector.load %arg12[%swap3A_83, %swap3A_84, %swap3A_85] : memref<2x5120x128xf32, #tpu.memory_space<vmem>>, vector<1x5120x128xf32>
      %swap3A_87 = vector.shape_cast %swap3A_86 : vector<1x5120x128xf32> to vector<5120x128xf32>
      %swap3A_88 = vector.shape_cast %dot_general3A_82 : vector<5120x128xf32> to vector<1x5120x128xf32>
      tpu.vector_store %arg12[%swap3A_83, %swap3A_84, %swap3A_85], %swap3A_88 {strides = array<i32>} : memref<2x5120x128xf32, #tpu.memory_space<vmem>>, vector<1x5120x128xf32>,
      %mul3A_89 = vector.broadcast %rsqrt3A_50 : vector<5120x1xf32> to vector<5120x128xf32>
      %mul3A_90 = arith.mulf %max3A_75, %mul3A_89 : vector<5120x128xf32>
      %get3A_91 = arith.constant 0 : index
      %get3A_92 = arith.constant 0 : index
      %get3A_93 = vector.load %arg11[%get3A_91, %get3A_92] : memref<128x128xf32, #tpu.memory_space<vmem>>, vector<128x128xf32>
      %dot_general3A_94 = arith.constant dense<0.000000e+00> : vector<5120x128xf32>
      %dot_general3A_95 = tpu.matmul %mul3A_90, %get3A_93, %dot_general3A_94 {dimension_numbers = #tpu.dot_dimension_numbers<[1], [0], [0], [1], [0, 0, 1, 1], [], []>, transpose_lhs_hint = false} : vector<5120x128xf32>, vector<128x128xf32>, vector<5120x128xf32> -> vector<5120x128xf32>
      %swap3A_96 = arith.constant 1 : index
      %swap3A_97 = arith.constant 0 : index
      %swap3A_98 = arith.constant 0 : index
      %swap3A_99 = vector.load %arg12[%swap3A_96, %swap3A_97, %swap3A_98] : memref<2x5120x128xf32, #tpu.memory_space<vmem>>, vector<1x5120x128xf32>
      %swap3A_100 = vector.shape_cast %swap3A_99 : vector<1x5120x128xf32> to vector<5120x128xf32>
      %swap3A_101 = vector.shape_cast %dot_general3A_95 : vector<5120x128xf32> to vector<1x5120x128xf32>
      tpu.vector_store %arg12[%swap3A_96, %swap3A_97, %swap3A_98], %swap3A_101 {strides = array<i32>} : memref<2x5120x128xf32, #tpu.memory_space<vmem>>, vector<1x5120x128xf32>,
    } else {
    }
    return
  }
  func.func @transform_0(%arg0: i32) -> (i32, i32) {
    %c0_i32 = arith.constant 0 : i32
    %c0_i32_0 = arith.constant 0 : i32
    return %arg0, %c0_i32 : i32, i32
  }
  func.func @transform_1(%arg0: i32) -> (i32, i32) {
    %c0_i32 = arith.constant 0 : i32
    %c0_i32_0 = arith.constant 0 : i32
    %c0_i32_1 = arith.constant 0 : i32
    return %c0_i32, %c0_i32_0 : i32, i32
  }
  func.func @transform_2(%arg0: i32) -> (i32, i32) {
    %c0_i32 = arith.constant 0 : i32
    %c0_i32_0 = arith.constant 0 : i32
    %c0_i32_1 = arith.constant 0 : i32
    return %c0_i32, %c0_i32_0 : i32, i32
  }
  func.func @transform_3(%arg0: i32) -> (i32, i32) {
    %c0_i32 = arith.constant 0 : i32
    %c0_i32_0 = arith.constant 0 : i32
    %c0_i32_1 = arith.constant 0 : i32
    return %c0_i32, %c0_i32_0 : i32, i32
  }
  func.func @transform_4(%arg0: i32) -> (i32, i32) {
    %c0_i32 = arith.constant 0 : i32
    %c0_i32_0 = arith.constant 0 : i32
    %c0_i32_1 = arith.constant 0 : i32
    return %c0_i32, %c0_i32_0 : i32, i32
  }
  func.func @transform_5(%arg0: i32) -> (i32, i32) {
    %c0_i32 = arith.constant 0 : i32
    %c0_i32_0 = arith.constant 0 : i32
    %c0_i32_1 = arith.constant 0 : i32
    return %c0_i32, %c0_i32_0 : i32, i32
  }
  func.func @transform_6(%arg0: i32) -> (i32, i32) {
    %c0_i32 = arith.constant 0 : i32
    %c0_i32_0 = arith.constant 0 : i32
    %c0_i32_1 = arith.constant 0 : i32
    return %c0_i32, %c0_i32_0 : i32, i32
  }
  func.func @transform_7(%arg0: i32) -> (i32, i32) {
    %c0_i32 = arith.constant 0 : i32
    %c0_i32_0 = arith.constant 0 : i32
    %c0_i32_1 = arith.constant 0 : i32
    return %c0_i32, %c0_i32_0 : i32, i32
  }
  func.func @transform_8(%arg0: i32) -> (i32, i32) {
    %c0_i32 = arith.constant 0 : i32
    %c0_i32_0 = arith.constant 0 : i32
    %c0_i32_1 = arith.constant 0 : i32
    return %c0_i32, %c0_i32_0 : i32, i32
  }
  func.func @transform_9(%arg0: i32) -> (i32, i32) {
    %c0_i32 = arith.constant 0 : i32
    %c0_i32_0 = arith.constant 0 : i32
    %c0_i32_1 = arith.constant 0 : i32
    return %c0_i32, %c0_i32_0 : i32, i32
  }
  func.func @transform_10(%arg0: i32) -> (i32, i32) {
    %c0_i32 = arith.constant 0 : i32
    %c0_i32_0 = arith.constant 0 : i32
    %c0_i32_1 = arith.constant 0 : i32
    return %c0_i32, %c0_i32_0 : i32, i32
  }
  func.func @transform_11(%arg0: i32) -> (i32, i32, i32) {
    %c0_i32 = arith.constant 0 : i32
    %c0_i32_0 = arith.constant 0 : i32
    %c0_i32_1 = arith.constant 0 : i32
    %c0_i32_2 = arith.constant 0 : i32
    return %c0_i32, %c0_i32_0, %c0_i32_1 : i32, i32, i32
  }
}

module attributes {stable_mosaic.version = 14 : i64} {
  func.func @_tc_l2_body(%arg0: i32, %arg1: memref<256x5120xf32, #tpu.memory_space<vmem>>, %arg2: memref<2x5120x128xf32, #tpu.memory_space<vmem>>, %arg3: memref<5120x1xf32, #tpu.memory_space<vmem>>, %arg4: memref<5120x1xf32, #tpu.memory_space<vmem>>, %arg5: memref<1x128xf32, #tpu.memory_space<vmem>>, %arg6: memref<128x128xf32, #tpu.memory_space<vmem>>, %arg7: memref<1x128xf32, #tpu.memory_space<vmem>>, %arg8: memref<128x128xf32, #tpu.memory_space<vmem>>, %arg9: memref<2x5120x128xf32, #tpu.memory_space<vmem>>, %arg10: memref<5120x128xf32, #tpu.memory_space<vmem>>, %arg11: memref<5120x128xf32, #tpu.memory_space<vmem>>) attributes {dimension_semantics = [#tpu.dimension_semantics<arbitrary>], iteration_bounds = array<i64: 20>, scalar_prefetch = 0 : i64, scratch_operands = 2 : i64, tpu.core_type = #tpu.core_type<tc>, window_params = [{transform_indices = @transform_0, window_bounds = array<i64: 256, 5120>}, {pipeline_mode = #tpu.pipeline_mode<synchronous>, transform_indices = @transform_1, window_bounds = array<i64: 2, 5120, 128>}, {pipeline_mode = #tpu.pipeline_mode<synchronous>, transform_indices = @transform_2, window_bounds = array<i64: 5120, 1>}, {pipeline_mode = #tpu.pipeline_mode<synchronous>, transform_indices = @transform_3, window_bounds = array<i64: 5120, 1>}, {pipeline_mode = #tpu.pipeline_mode<synchronous>, transform_indices = @transform_4, window_bounds = array<i64: 1, 128>}, {pipeline_mode = #tpu.pipeline_mode<synchronous>, transform_indices = @transform_5, window_bounds = array<i64: 128, 128>}, {pipeline_mode = #tpu.pipeline_mode<synchronous>, transform_indices = @transform_6, window_bounds = array<i64: 1, 128>}, {pipeline_mode = #tpu.pipeline_mode<synchronous>, transform_indices = @transform_7, window_bounds = array<i64: 128, 128>}, {pipeline_mode = #tpu.pipeline_mode<synchronous>, transform_indices = @transform_8, window_bounds = array<i64: 2, 5120, 128>}]} {
    %get3A = arith.constant 0 : index
    %get3A_0 = arith.constant 0 : index
    %get3A_1 = arith.constant 0 : index
    %get3A_2 = vector.load %arg2[%get3A, %get3A_0, %get3A_1] : memref<2x5120x128xf32, #tpu.memory_space<vmem>>, vector<1x5120x128xf32>
    %get3A_3 = vector.shape_cast %get3A_2 : vector<1x5120x128xf32> to vector<5120x128xf32>
    %get3A_4 = arith.constant 0 : index
    %get3A_5 = arith.constant 0 : index
    %get3A_6 = vector.load %arg1[%get3A_4, %get3A_5] : memref<256x5120xf32, #tpu.memory_space<vmem>>, vector<256x5120xf32>
    %dot_general3A = arith.constant dense<0.000000e+00> : vector<256x128xf32>
    %dot_general3A_7 = tpu.matmul %get3A_6, %get3A_3, %dot_general3A {dimension_numbers = #tpu.dot_dimension_numbers<[1], [0], [0], [1], [0, 0, 1, 1], [], []>, transpose_lhs_hint = false} : vector<256x5120xf32>, vector<5120x128xf32>, vector<256x128xf32> -> vector<256x128xf32>
    %mul3A = arith.constant 256 : i32
    %mul3A_8 = arith.muli %arg0, %mul3A : i32
    %swap3A = arith.index_cast %mul3A_8 : i32 to index
    %swap3A_9 = arith.constant 0 : index
    %swap3A_10 = vector.load %arg10[%swap3A, %swap3A_9] : memref<5120x128xf32, #tpu.memory_space<vmem>>, vector<256x128xf32>
    tpu.vector_store %arg10[%swap3A, %swap3A_9], %dot_general3A_7 {strides = array<i32>} : memref<5120x128xf32, #tpu.memory_space<vmem>>, vector<256x128xf32>,
    %mul3A_11 = arith.constant 256 : i32
    %mul3A_12 = arith.muli %arg0, %mul3A_11 : i32
    %get3A_13 = arith.constant 1 : i32
    %get3A_14 = arith.constant 0 : i32
    %get3A_15 = arith.constant 0 : i32
    %get3A_16 = tpu.memref_slice %arg2[%get3A_13, %get3A_14, %get3A_15] : memref<2x5120x128xf32, #tpu.memory_space<vmem>> -> memref<1x5120x128xf32, #tpu.memory_space<vmem>>
    %get3A_17 = tpu.memref_squeeze %get3A_16 : memref<1x5120x128xf32, #tpu.memory_space<vmem>> -> memref<5120x128xf32, #tpu.memory_space<vmem>>
    %get3A_18 = arith.index_cast %mul3A_12 : i32 to index
    %get3A_19 = arith.constant 0 : index
    %get3A_20 = vector.load %get3A_17[%get3A_18, %get3A_19] : memref<5120x128xf32, #tpu.memory_space<vmem>>, vector<256x128xf32>
    %dot_general3A_21 = arith.constant dense<0.000000e+00> : vector<5120x128xf32>
    %dot_general3A_22 = tpu.matmul %get3A_6, %get3A_20, %dot_general3A_21 {dimension_numbers = #tpu.dot_dimension_numbers<[0], [0], [1], [1], [0, 1, 1, 1], [], []>, transpose_lhs_hint = false} : vector<256x5120xf32>, vector<256x128xf32>, vector<5120x128xf32> -> vector<5120x128xf32>
    %eq3A = arith.constant 0 : i32
    %eq3A_23 = arith.cmpi eq, %arg0, %eq3A : i32
    %convert_element_type3A = arith.extui %eq3A_23 : i1 to i32
    %cond3A = arith.constant 0 : i32
    %cond3A_24 = arith.cmpi ne, %convert_element_type3A, %cond3A : i32
    scf.if %cond3A_24 {
      %swap3A_34 = arith.constant 0 : index
      %swap3A_35 = arith.constant 0 : index
      %swap3A_36 = vector.load %arg11[%swap3A_34, %swap3A_35] : memref<5120x128xf32, #tpu.memory_space<vmem>>, vector<5120x128xf32>
      tpu.vector_store %arg11[%swap3A_34, %swap3A_35], %dot_general3A_22 {strides = array<i32>} : memref<5120x128xf32, #tpu.memory_space<vmem>>, vector<5120x128xf32>,
    } else {
    }
    %gt3A = arith.constant 0 : i32
    %gt3A_25 = arith.cmpi sgt, %arg0, %gt3A : i32
    %convert_element_type3A_26 = arith.extui %gt3A_25 : i1 to i32
    %cond3A_27 = arith.constant 0 : i32
    %cond3A_28 = arith.cmpi ne, %convert_element_type3A_26, %cond3A_27 : i32
    scf.if %cond3A_28 {
      %get3A_34 = arith.constant 0 : index
      %get3A_35 = arith.constant 0 : index
      %get3A_36 = vector.load %arg11[%get3A_34, %get3A_35] : memref<5120x128xf32, #tpu.memory_space<vmem>>, vector<5120x128xf32>
      %add3A = arith.addf %get3A_36, %dot_general3A_22 : vector<5120x128xf32>
      %swap3A_37 = arith.constant 0 : index
      %swap3A_38 = arith.constant 0 : index
      %swap3A_39 = vector.load %arg11[%swap3A_37, %swap3A_38] : memref<5120x128xf32, #tpu.memory_space<vmem>>, vector<5120x128xf32>
      tpu.vector_store %arg11[%swap3A_37, %swap3A_38], %add3A {strides = array<i32>} : memref<5120x128xf32, #tpu.memory_space<vmem>>, vector<5120x128xf32>,
    } else {
    }
    %eq3A_29 = arith.constant 19 : i32
    %eq3A_30 = arith.cmpi eq, %arg0, %eq3A_29 : i32
    %convert_element_type3A_31 = arith.extui %eq3A_30 : i1 to i32
    %cond3A_32 = arith.constant 0 : i32
    %cond3A_33 = arith.cmpi ne, %convert_element_type3A_31, %cond3A_32 : i32
    scf.if %cond3A_33 {
      %get3A_34 = arith.constant 0 : index
      %get3A_35 = arith.constant 0 : index
      %get3A_36 = vector.load %arg3[%get3A_34, %get3A_35] : memref<5120x1xf32, #tpu.memory_space<vmem>>, vector<5120x1xf32>
      %max3A = arith.constant 1.000000e+00 : f32
      %max3A_37 = vector.broadcast %max3A : f32 to vector<5120x1xf32>
      %max3A_38 = arith.maximumf %get3A_36, %max3A_37 : vector<5120x1xf32>
      %rsqrt3A = math.rsqrt %max3A_38 : vector<5120x1xf32>
      %get3A_39 = arith.constant 0 : index
      %get3A_40 = arith.constant 0 : index
      %get3A_41 = vector.load %arg4[%get3A_39, %get3A_40] : memref<5120x1xf32, #tpu.memory_space<vmem>>, vector<5120x1xf32>
      %max3A_42 = arith.constant 1.000000e+00 : f32
      %max3A_43 = vector.broadcast %max3A_42 : f32 to vector<5120x1xf32>
      %max3A_44 = arith.maximumf %get3A_41, %max3A_43 : vector<5120x1xf32>
      %rsqrt3A_45 = math.rsqrt %max3A_44 : vector<5120x1xf32>
      %get3A_46 = arith.constant 0 : index
      %get3A_47 = arith.constant 0 : index
      %get3A_48 = vector.load %arg11[%get3A_46, %get3A_47] : memref<5120x128xf32, #tpu.memory_space<vmem>>, vector<5120x128xf32>
      %mul3A_49 = vector.broadcast %rsqrt3A : vector<5120x1xf32> to vector<5120x128xf32>
      %mul3A_50 = arith.mulf %get3A_48, %mul3A_49 : vector<5120x128xf32>
      %get3A_51 = arith.constant 0 : index
      %get3A_52 = arith.constant 0 : index
      %get3A_53 = vector.load %arg5[%get3A_51, %get3A_52] : memref<1x128xf32, #tpu.memory_space<vmem>>, vector<1x128xf32>
      %add3A = vector.broadcast %get3A_53 : vector<1x128xf32> to vector<5120x128xf32>
      %add3A_54 = arith.addf %mul3A_50, %add3A : vector<5120x128xf32>
      %max3A_55 = arith.constant 0.000000e+00 : f32
      %max3A_56 = vector.broadcast %max3A_55 : f32 to vector<5120x128xf32>
      %max3A_57 = arith.maximumf %add3A_54, %max3A_56 : vector<5120x128xf32>
      %get3A_58 = arith.constant 0 : index
      %get3A_59 = arith.constant 0 : index
      %get3A_60 = vector.load %arg10[%get3A_58, %get3A_59] : memref<5120x128xf32, #tpu.memory_space<vmem>>, vector<5120x128xf32>
      %mul3A_61 = vector.broadcast %rsqrt3A_45 : vector<5120x1xf32> to vector<5120x128xf32>
      %mul3A_62 = arith.mulf %get3A_60, %mul3A_61 : vector<5120x128xf32>
      %get3A_63 = arith.constant 0 : index
      %get3A_64 = arith.constant 0 : index
      %get3A_65 = vector.load %arg7[%get3A_63, %get3A_64] : memref<1x128xf32, #tpu.memory_space<vmem>>, vector<1x128xf32>
      %add3A_66 = vector.broadcast %get3A_65 : vector<1x128xf32> to vector<5120x128xf32>
      %add3A_67 = arith.addf %mul3A_62, %add3A_66 : vector<5120x128xf32>
      %max3A_68 = arith.constant 0.000000e+00 : f32
      %max3A_69 = vector.broadcast %max3A_68 : f32 to vector<5120x128xf32>
      %max3A_70 = arith.maximumf %add3A_67, %max3A_69 : vector<5120x128xf32>
      %mul3A_71 = vector.broadcast %rsqrt3A : vector<5120x1xf32> to vector<5120x128xf32>
      %mul3A_72 = arith.mulf %max3A_57, %mul3A_71 : vector<5120x128xf32>
      %get3A_73 = arith.constant 0 : index
      %get3A_74 = arith.constant 0 : index
      %get3A_75 = vector.load %arg6[%get3A_73, %get3A_74] : memref<128x128xf32, #tpu.memory_space<vmem>>, vector<128x128xf32>
      %dot_general3A_76 = arith.constant dense<0.000000e+00> : vector<5120x128xf32>
      %dot_general3A_77 = tpu.matmul %mul3A_72, %get3A_75, %dot_general3A_76 {dimension_numbers = #tpu.dot_dimension_numbers<[1], [0], [0], [1], [0, 0, 1, 1], [], []>, transpose_lhs_hint = false} : vector<5120x128xf32>, vector<128x128xf32>, vector<5120x128xf32> -> vector<5120x128xf32>
      %swap3A_78 = arith.constant 0 : index
      %swap3A_79 = arith.constant 0 : index
      %swap3A_80 = arith.constant 0 : index
      %swap3A_81 = vector.load %arg9[%swap3A_78, %swap3A_79, %swap3A_80] : memref<2x5120x128xf32, #tpu.memory_space<vmem>>, vector<1x5120x128xf32>
      %swap3A_82 = vector.shape_cast %swap3A_81 : vector<1x5120x128xf32> to vector<5120x128xf32>
      %swap3A_83 = vector.shape_cast %dot_general3A_77 : vector<5120x128xf32> to vector<1x5120x128xf32>
      tpu.vector_store %arg9[%swap3A_78, %swap3A_79, %swap3A_80], %swap3A_83 {strides = array<i32>} : memref<2x5120x128xf32, #tpu.memory_space<vmem>>, vector<1x5120x128xf32>,
      %mul3A_84 = vector.broadcast %rsqrt3A_45 : vector<5120x1xf32> to vector<5120x128xf32>
      %mul3A_85 = arith.mulf %max3A_70, %mul3A_84 : vector<5120x128xf32>
      %get3A_86 = arith.constant 0 : index
      %get3A_87 = arith.constant 0 : index
      %get3A_88 = vector.load %arg8[%get3A_86, %get3A_87] : memref<128x128xf32, #tpu.memory_space<vmem>>, vector<128x128xf32>
      %dot_general3A_89 = arith.constant dense<0.000000e+00> : vector<5120x128xf32>
      %dot_general3A_90 = tpu.matmul %mul3A_85, %get3A_88, %dot_general3A_89 {dimension_numbers = #tpu.dot_dimension_numbers<[1], [0], [0], [1], [0, 0, 1, 1], [], []>, transpose_lhs_hint = false} : vector<5120x128xf32>, vector<128x128xf32>, vector<5120x128xf32> -> vector<5120x128xf32>
      %swap3A_91 = arith.constant 1 : index
      %swap3A_92 = arith.constant 0 : index
      %swap3A_93 = arith.constant 0 : index
      %swap3A_94 = vector.load %arg9[%swap3A_91, %swap3A_92, %swap3A_93] : memref<2x5120x128xf32, #tpu.memory_space<vmem>>, vector<1x5120x128xf32>
      %swap3A_95 = vector.shape_cast %swap3A_94 : vector<1x5120x128xf32> to vector<5120x128xf32>
      %swap3A_96 = vector.shape_cast %dot_general3A_90 : vector<5120x128xf32> to vector<1x5120x128xf32>
      tpu.vector_store %arg9[%swap3A_91, %swap3A_92, %swap3A_93], %swap3A_96 {strides = array<i32>} : memref<2x5120x128xf32, #tpu.memory_space<vmem>>, vector<1x5120x128xf32>,
    } else {
    }
    return
  }
  func.func @transform_0(%arg0: i32) -> (i32, i32) {
    %c0_i32 = arith.constant 0 : i32
    %c0_i32_0 = arith.constant 0 : i32
    return %arg0, %c0_i32 : i32, i32
  }
  func.func @transform_1(%arg0: i32) -> (i32, i32, i32) {
    %c0_i32 = arith.constant 0 : i32
    %c0_i32_0 = arith.constant 0 : i32
    %c0_i32_1 = arith.constant 0 : i32
    %c0_i32_2 = arith.constant 0 : i32
    return %c0_i32, %c0_i32_0, %c0_i32_1 : i32, i32, i32
  }
  func.func @transform_2(%arg0: i32) -> (i32, i32) {
    %c0_i32 = arith.constant 0 : i32
    %c0_i32_0 = arith.constant 0 : i32
    %c0_i32_1 = arith.constant 0 : i32
    return %c0_i32, %c0_i32_0 : i32, i32
  }
  func.func @transform_3(%arg0: i32) -> (i32, i32) {
    %c0_i32 = arith.constant 0 : i32
    %c0_i32_0 = arith.constant 0 : i32
    %c0_i32_1 = arith.constant 0 : i32
    return %c0_i32, %c0_i32_0 : i32, i32
  }
  func.func @transform_4(%arg0: i32) -> (i32, i32) {
    %c0_i32 = arith.constant 0 : i32
    %c0_i32_0 = arith.constant 0 : i32
    %c0_i32_1 = arith.constant 0 : i32
    return %c0_i32, %c0_i32_0 : i32, i32
  }
  func.func @transform_5(%arg0: i32) -> (i32, i32) {
    %c0_i32 = arith.constant 0 : i32
    %c0_i32_0 = arith.constant 0 : i32
    %c0_i32_1 = arith.constant 0 : i32
    return %c0_i32, %c0_i32_0 : i32, i32
  }
  func.func @transform_6(%arg0: i32) -> (i32, i32) {
    %c0_i32 = arith.constant 0 : i32
    %c0_i32_0 = arith.constant 0 : i32
    %c0_i32_1 = arith.constant 0 : i32
    return %c0_i32, %c0_i32_0 : i32, i32
  }
  func.func @transform_7(%arg0: i32) -> (i32, i32) {
    %c0_i32 = arith.constant 0 : i32
    %c0_i32_0 = arith.constant 0 : i32
    %c0_i32_1 = arith.constant 0 : i32
    return %c0_i32, %c0_i32_0 : i32, i32
  }
  func.func @transform_8(%arg0: i32) -> (i32, i32, i32) {
    %c0_i32 = arith.constant 0 : i32
    %c0_i32_0 = arith.constant 0 : i32
    %c0_i32_1 = arith.constant 0 : i32
    %c0_i32_2 = arith.constant 0 : i32
    return %c0_i32, %c0_i32_0, %c0_i32_1 : i32, i32, i32
  }
}

module attributes {stable_mosaic.version = 14 : i64} {
  func.func @_tc_l3_body(%arg0: i32, %arg1: memref<256x5120xf32, #tpu.memory_space<vmem>>, %arg2: memref<2x5120x128xf32, #tpu.memory_space<vmem>>, %arg3: memref<5120x1xf32, #tpu.memory_space<vmem>>, %arg4: memref<5120x1xf32, #tpu.memory_space<vmem>>, %arg5: memref<1x128xf32, #tpu.memory_space<vmem>>, %arg6: memref<1x128xf32, #tpu.memory_space<vmem>>, %arg7: memref<5120x128xf32, #tpu.memory_space<vmem>>, %arg8: memref<5120x128xf32, #tpu.memory_space<vmem>>, %arg9: memref<5120x128xf32, #tpu.memory_space<vmem>>, %arg10: memref<5120x128xf32, #tpu.memory_space<vmem>>) attributes {dimension_semantics = [#tpu.dimension_semantics<arbitrary>], iteration_bounds = array<i64: 20>, scalar_prefetch = 0 : i64, scratch_operands = 2 : i64, tpu.core_type = #tpu.core_type<tc>, window_params = [{transform_indices = @transform_0, window_bounds = array<i64: 256, 5120>}, {pipeline_mode = #tpu.pipeline_mode<synchronous>, transform_indices = @transform_1, window_bounds = array<i64: 2, 5120, 128>}, {pipeline_mode = #tpu.pipeline_mode<synchronous>, transform_indices = @transform_2, window_bounds = array<i64: 5120, 1>}, {pipeline_mode = #tpu.pipeline_mode<synchronous>, transform_indices = @transform_3, window_bounds = array<i64: 5120, 1>}, {pipeline_mode = #tpu.pipeline_mode<synchronous>, transform_indices = @transform_4, window_bounds = array<i64: 1, 128>}, {pipeline_mode = #tpu.pipeline_mode<synchronous>, transform_indices = @transform_5, window_bounds = array<i64: 1, 128>}, {pipeline_mode = #tpu.pipeline_mode<synchronous>, transform_indices = @transform_6, window_bounds = array<i64: 5120, 128>}, {pipeline_mode = #tpu.pipeline_mode<synchronous>, transform_indices = @transform_7, window_bounds = array<i64: 5120, 128>}]} {
    %get3A = arith.constant 0 : index
    %get3A_0 = arith.constant 0 : index
    %get3A_1 = arith.constant 0 : index
    %get3A_2 = vector.load %arg2[%get3A, %get3A_0, %get3A_1] : memref<2x5120x128xf32, #tpu.memory_space<vmem>>, vector<1x5120x128xf32>
    %get3A_3 = vector.shape_cast %get3A_2 : vector<1x5120x128xf32> to vector<5120x128xf32>
    %get3A_4 = arith.constant 0 : index
    %get3A_5 = arith.constant 0 : index
    %get3A_6 = vector.load %arg1[%get3A_4, %get3A_5] : memref<256x5120xf32, #tpu.memory_space<vmem>>, vector<256x5120xf32>
    %dot_general3A = arith.constant dense<0.000000e+00> : vector<256x128xf32>
    %dot_general3A_7 = tpu.matmul %get3A_6, %get3A_3, %dot_general3A {dimension_numbers = #tpu.dot_dimension_numbers<[1], [0], [0], [1], [0, 0, 1, 1], [], []>, transpose_lhs_hint = false} : vector<256x5120xf32>, vector<5120x128xf32>, vector<256x128xf32> -> vector<256x128xf32>
    %mul3A = arith.constant 256 : i32
    %mul3A_8 = arith.muli %arg0, %mul3A : i32
    %swap3A = arith.index_cast %mul3A_8 : i32 to index
    %swap3A_9 = arith.constant 0 : index
    %swap3A_10 = vector.load %arg9[%swap3A, %swap3A_9] : memref<5120x128xf32, #tpu.memory_space<vmem>>, vector<256x128xf32>
    tpu.vector_store %arg9[%swap3A, %swap3A_9], %dot_general3A_7 {strides = array<i32>} : memref<5120x128xf32, #tpu.memory_space<vmem>>, vector<256x128xf32>,
    %mul3A_11 = arith.constant 256 : i32
    %mul3A_12 = arith.muli %arg0, %mul3A_11 : i32
    %get3A_13 = arith.constant 1 : i32
    %get3A_14 = arith.constant 0 : i32
    %get3A_15 = arith.constant 0 : i32
    %get3A_16 = tpu.memref_slice %arg2[%get3A_13, %get3A_14, %get3A_15] : memref<2x5120x128xf32, #tpu.memory_space<vmem>> -> memref<1x5120x128xf32, #tpu.memory_space<vmem>>
    %get3A_17 = tpu.memref_squeeze %get3A_16 : memref<1x5120x128xf32, #tpu.memory_space<vmem>> -> memref<5120x128xf32, #tpu.memory_space<vmem>>
    %get3A_18 = arith.index_cast %mul3A_12 : i32 to index
    %get3A_19 = arith.constant 0 : index
    %get3A_20 = vector.load %get3A_17[%get3A_18, %get3A_19] : memref<5120x128xf32, #tpu.memory_space<vmem>>, vector<256x128xf32>
    %dot_general3A_21 = arith.constant dense<0.000000e+00> : vector<5120x128xf32>
    %dot_general3A_22 = tpu.matmul %get3A_6, %get3A_20, %dot_general3A_21 {dimension_numbers = #tpu.dot_dimension_numbers<[0], [0], [1], [1], [0, 1, 1, 1], [], []>, transpose_lhs_hint = false} : vector<256x5120xf32>, vector<256x128xf32>, vector<5120x128xf32> -> vector<5120x128xf32>
    %eq3A = arith.constant 0 : i32
    %eq3A_23 = arith.cmpi eq, %arg0, %eq3A : i32
    %convert_element_type3A = arith.extui %eq3A_23 : i1 to i32
    %cond3A = arith.constant 0 : i32
    %cond3A_24 = arith.cmpi ne, %convert_element_type3A, %cond3A : i32
    scf.if %cond3A_24 {
      %swap3A_34 = arith.constant 0 : index
      %swap3A_35 = arith.constant 0 : index
      %swap3A_36 = vector.load %arg10[%swap3A_34, %swap3A_35] : memref<5120x128xf32, #tpu.memory_space<vmem>>, vector<5120x128xf32>
      tpu.vector_store %arg10[%swap3A_34, %swap3A_35], %dot_general3A_22 {strides = array<i32>} : memref<5120x128xf32, #tpu.memory_space<vmem>>, vector<5120x128xf32>,
    } else {
    }
    %gt3A = arith.constant 0 : i32
    %gt3A_25 = arith.cmpi sgt, %arg0, %gt3A : i32
    %convert_element_type3A_26 = arith.extui %gt3A_25 : i1 to i32
    %cond3A_27 = arith.constant 0 : i32
    %cond3A_28 = arith.cmpi ne, %convert_element_type3A_26, %cond3A_27 : i32
    scf.if %cond3A_28 {
      %get3A_34 = arith.constant 0 : index
      %get3A_35 = arith.constant 0 : index
      %get3A_36 = vector.load %arg10[%get3A_34, %get3A_35] : memref<5120x128xf32, #tpu.memory_space<vmem>>, vector<5120x128xf32>
      %add3A = arith.addf %get3A_36, %dot_general3A_22 : vector<5120x128xf32>
      %swap3A_37 = arith.constant 0 : index
      %swap3A_38 = arith.constant 0 : index
      %swap3A_39 = vector.load %arg10[%swap3A_37, %swap3A_38] : memref<5120x128xf32, #tpu.memory_space<vmem>>, vector<5120x128xf32>
      tpu.vector_store %arg10[%swap3A_37, %swap3A_38], %add3A {strides = array<i32>} : memref<5120x128xf32, #tpu.memory_space<vmem>>, vector<5120x128xf32>,
    } else {
    }
    %eq3A_29 = arith.constant 19 : i32
    %eq3A_30 = arith.cmpi eq, %arg0, %eq3A_29 : i32
    %convert_element_type3A_31 = arith.extui %eq3A_30 : i1 to i32
    %cond3A_32 = arith.constant 0 : i32
    %cond3A_33 = arith.cmpi ne, %convert_element_type3A_31, %cond3A_32 : i32
    scf.if %cond3A_33 {
      %get3A_34 = arith.constant 0 : index
      %get3A_35 = arith.constant 0 : index
      %get3A_36 = vector.load %arg10[%get3A_34, %get3A_35] : memref<5120x128xf32, #tpu.memory_space<vmem>>, vector<5120x128xf32>
      %get3A_37 = arith.constant 0 : index
      %get3A_38 = arith.constant 0 : index
      %get3A_39 = vector.load %arg3[%get3A_37, %get3A_38] : memref<5120x1xf32, #tpu.memory_space<vmem>>, vector<5120x1xf32>
      %max3A = arith.constant 1.000000e+00 : f32
      %max3A_40 = vector.broadcast %max3A : f32 to vector<5120x1xf32>
      %max3A_41 = arith.maximumf %get3A_39, %max3A_40 : vector<5120x1xf32>
      %rsqrt3A = math.rsqrt %max3A_41 : vector<5120x1xf32>
      %mul3A_42 = vector.broadcast %rsqrt3A : vector<5120x1xf32> to vector<5120x128xf32>
      %mul3A_43 = arith.mulf %get3A_36, %mul3A_42 : vector<5120x128xf32>
      %get3A_44 = arith.constant 0 : index
      %get3A_45 = arith.constant 0 : index
      %get3A_46 = vector.load %arg5[%get3A_44, %get3A_45] : memref<1x128xf32, #tpu.memory_space<vmem>>, vector<1x128xf32>
      %add3A = vector.broadcast %get3A_46 : vector<1x128xf32> to vector<5120x128xf32>
      %add3A_47 = arith.addf %mul3A_43, %add3A : vector<5120x128xf32>
      %swap3A_48 = arith.constant 0 : index
      %swap3A_49 = arith.constant 0 : index
      %swap3A_50 = vector.load %arg7[%swap3A_48, %swap3A_49] : memref<5120x128xf32, #tpu.memory_space<vmem>>, vector<5120x128xf32>
      tpu.vector_store %arg7[%swap3A_48, %swap3A_49], %add3A_47 {strides = array<i32>} : memref<5120x128xf32, #tpu.memory_space<vmem>>, vector<5120x128xf32>,
      %get3A_51 = arith.constant 0 : index
      %get3A_52 = arith.constant 0 : index
      %get3A_53 = vector.load %arg9[%get3A_51, %get3A_52] : memref<5120x128xf32, #tpu.memory_space<vmem>>, vector<5120x128xf32>
      %get3A_54 = arith.constant 0 : index
      %get3A_55 = arith.constant 0 : index
      %get3A_56 = vector.load %arg4[%get3A_54, %get3A_55] : memref<5120x1xf32, #tpu.memory_space<vmem>>, vector<5120x1xf32>
      %max3A_57 = arith.constant 1.000000e+00 : f32
      %max3A_58 = vector.broadcast %max3A_57 : f32 to vector<5120x1xf32>
      %max3A_59 = arith.maximumf %get3A_56, %max3A_58 : vector<5120x1xf32>
      %rsqrt3A_60 = math.rsqrt %max3A_59 : vector<5120x1xf32>
      %mul3A_61 = vector.broadcast %rsqrt3A_60 : vector<5120x1xf32> to vector<5120x128xf32>
      %mul3A_62 = arith.mulf %get3A_53, %mul3A_61 : vector<5120x128xf32>
      %get3A_63 = arith.constant 0 : index
      %get3A_64 = arith.constant 0 : index
      %get3A_65 = vector.load %arg6[%get3A_63, %get3A_64] : memref<1x128xf32, #tpu.memory_space<vmem>>, vector<1x128xf32>
      %add3A_66 = vector.broadcast %get3A_65 : vector<1x128xf32> to vector<5120x128xf32>
      %add3A_67 = arith.addf %mul3A_62, %add3A_66 : vector<5120x128xf32>
      %swap3A_68 = arith.constant 0 : index
      %swap3A_69 = arith.constant 0 : index
      %swap3A_70 = vector.load %arg8[%swap3A_68, %swap3A_69] : memref<5120x128xf32, #tpu.memory_space<vmem>>, vector<5120x128xf32>
      tpu.vector_store %arg8[%swap3A_68, %swap3A_69], %add3A_67 {strides = array<i32>} : memref<5120x128xf32, #tpu.memory_space<vmem>>, vector<5120x128xf32>,
    } else {
    }
    return
  }
  func.func @transform_0(%arg0: i32) -> (i32, i32) {
    %c0_i32 = arith.constant 0 : i32
    %c0_i32_0 = arith.constant 0 : i32
    return %arg0, %c0_i32 : i32, i32
  }
  func.func @transform_1(%arg0: i32) -> (i32, i32, i32) {
    %c0_i32 = arith.constant 0 : i32
    %c0_i32_0 = arith.constant 0 : i32
    %c0_i32_1 = arith.constant 0 : i32
    %c0_i32_2 = arith.constant 0 : i32
    return %c0_i32, %c0_i32_0, %c0_i32_1 : i32, i32, i32
  }
  func.func @transform_2(%arg0: i32) -> (i32, i32) {
    %c0_i32 = arith.constant 0 : i32
    %c0_i32_0 = arith.constant 0 : i32
    %c0_i32_1 = arith.constant 0 : i32
    return %c0_i32, %c0_i32_0 : i32, i32
  }
  func.func @transform_3(%arg0: i32) -> (i32, i32) {
    %c0_i32 = arith.constant 0 : i32
    %c0_i32_0 = arith.constant 0 : i32
    %c0_i32_1 = arith.constant 0 : i32
    return %c0_i32, %c0_i32_0 : i32, i32
  }
  func.func @transform_4(%arg0: i32) -> (i32, i32) {
    %c0_i32 = arith.constant 0 : i32
    %c0_i32_0 = arith.constant 0 : i32
    %c0_i32_1 = arith.constant 0 : i32
    return %c0_i32, %c0_i32_0 : i32, i32
  }
  func.func @transform_5(%arg0: i32) -> (i32, i32) {
    %c0_i32 = arith.constant 0 : i32
    %c0_i32_0 = arith.constant 0 : i32
    %c0_i32_1 = arith.constant 0 : i32
    return %c0_i32, %c0_i32_0 : i32, i32
  }
  func.func @transform_6(%arg0: i32) -> (i32, i32) {
    %c0_i32 = arith.constant 0 : i32
    %c0_i32_0 = arith.constant 0 : i32
    %c0_i32_1 = arith.constant 0 : i32
    return %c0_i32, %c0_i32_0 : i32, i32
  }
  func.func @transform_7(%arg0: i32) -> (i32, i32) {
    %c0_i32 = arith.constant 0 : i32
    %c0_i32_0 = arith.constant 0 : i32
    %c0_i32_1 = arith.constant 0 : i32
    return %c0_i32, %c0_i32_0 : i32, i32
  }
}

</mosaic_0001>

<sc_bundles>
// kernel: kernel.6.cloned.1.call-start
scs
__scs_entry_jumppad:
0x0: {  	(pc) =	sbr.rel $0x88, $3  }
0x1: {  	(tag) =	ssettag $0x0;
	lr =	simm.s32 $0x1  }
0x2: {  	[smem:$0x3F91] =	sst lr;
	_ =	strace $0xD0000000  }
0x3: {  	_ = 	snop  }
0x4: {  	_ = 	snop  }
0x5: {  	_ = 	snop  }
0x6: {  	_ = 	snop  }
0x7: {  	_ = 	snop  }
__scs_overlays_trampoline_lowered:
0x8: {  	[smem:$0x3FA0] =	sst s0  }
0x9: {  	[smem:$0x3FA1] =	sst s1  }
0xa: {  	[smem:$0x3FA2] =	sst s2  }
0xb: {  	[smem:$0x3FA3] =	sst s3  }
0xc: {  	[smem:$0x3FA4] =	sst s4  }
0xd: {  	[smem:$0x3FA5] =	sst s5  }
0xe: {  	[smem:$0x3FA6] =	sst s6  }
0xf: {  	[smem:$0x3FA7] =	sst s7  }
0x10: {  	[smem:$0x3FA8] =	sst s8  }
0x11: {  	[smem:$0x3FA9] =	sst s9;
	s0 =	simm.s32 @!p0 $0x0  }
0x12: {  	s1 =	sld [smem:$0x3F8F];
	s0 =	simm.s32 @p0 $0x1  }
0x13: {  	[smem:$0x3FAA] =	sst s0;
	s0 =	simm.s32 @!p1 $0x0  }
0x14: {  	s2 =	sld [smem:$0x3F8E];
	s0 =	simm.s32 @p1 $0x1  }
0x15: {  	[smem:$0x3FAB] =	sst s0;
	s0 =	simm.s32 @!p2 $0x0  }
0x16: {  	s3 =	sld [smem:$0x3FDB];
	s0 =	simm.s32 @p2 $0x1  }
0x17: {  	s4 =	simm.s32 $0x1BF5;
	[smem:$0x3FAD] =	sst s0  }
0x18: {  	s0 =	sld [smem:$0x3F90];
	_ =	swait.ge [sflag:s4], $0x0  }
0x19: {  	s7 =	sld [smem:$0x3F91]  }
0x1a: {  	s8 =	sadd.s32 $0xFFFFE003, lr  }
0x1b: {  	s9 =	sadd.s32 $0xFFFFFEF7, lr;
	s5 =	simm.s32 $0xFFFFFFFF;
	p2 =	slt.u32 s8, $0xFFFFF086  }
0x1c: {  	p1 =	slt.u32 s9, $0xF7A;
	s5 =	simm.s32 @!p2 $0x0  }
0x1d: {  	s5 =	simm.s32 @p1 $0x1;
	p0 =	seq.s32 s7, s2  }
0x1e: {  	s7 =	smul.u32 @!p0 $0xF7A, s2;
	p2 =	seq.s32 @!p0 s5, $0x0  }
0x1f: {  	s9 =	smul.u32 $0xF7A, s1;
	s8 =	simm.s32 @!p0 $0x1BF5;
	p2 =	por !p2, p0  }
0x20: {  	[sflag:s8] =	ssyncset.s32 @!p0 $0xFFFFF086;
	s6 =	sadd.s32 @!p0 s3, s7;
	s7 =	simm.s32 @!p0 $0x108  }
0x21: {  	s3 =	sadd.s32 s3, s9;
	s6 =	sadd.s32 @!p0 $0x88, s6;
	s7 =	simm.s32 @p2 $0x1082  }
0x22: {  	[simem:s7], [sflag:s8] =	dma.local @!p0 [hbm:s6], $0xF7A  }
0x23: {  	s9 =	sor.u32 $0xD0000000, s2;
	s6 =	simm.s32 $0x108;
	_ =	swait.ge @!p0 [sflag:s8], $0x0  }
0x24: {  	s3 =	sadd.s32 $0x88, s3;
	s6 =	simm.s32 @!p1 $0x1082;
	[sflag:s4] =	ssyncset.s32 $0xFFFFF086  }
0x25: {  	[simem:s6], [sflag:s4] =	dma.local [hbm:s3], $0xF7A  }
0x26: {  	[smem:$0x3F91] =	sst s1;
	(tag) =	ssettag s2;
	_ =	strace s9  }
0x27: {  	s1 =	sld [smem:$0x3FA1]  }
0x28: {  	s2 =	sld [smem:$0x3FA2]  }
0x29: {  	s4 =	sld [smem:$0x3FA4]  }
0x2a: {  	p0 =	seq.s32 s5, $0x0;
	s5 =	sld [smem:$0x3FA5]  }
0x2b: {  	s6 =	sld [smem:$0x3FA6]  }
0x2c: {  	s7 =	sld [smem:$0x3FA7]  }
0x2d: {  	s3 =	simm.s32 $0x108;
	s8 =	sld [smem:$0x3FA8]  }
0x2e: {  	s3 =	simm.s32 @!p0 $0x1082;
	s9 =	sld [smem:$0x3FA9]  }
0x2f: {  	lr =	sadd.s32 s0, s3;
	s0 =	sld [smem:$0x3FA0]  }
0x30: {  	s3 =	sld [smem:$0x3FA3]  }
0x31: {  	[smem:$0x3FAC] =	sst s10  }
0x32: {  	s10 =	sld [smem:$0x3FAA];
	_ =	sdelay $0x3  }
0x33: {  	p0 =	seq.s32 s10, $0x1;
	s10 =	sld [smem:$0x3FAC];
	_ =	sdelay $0x3  }
0x34: {  	[smem:$0x3FAC] =	sst s10  }
0x35: {  	s10 =	sld [smem:$0x3FAB];
	_ =	sdelay $0x3  }
0x36: {  	p1 =	seq.s32 s10, $0x1;
	s10 =	sld [smem:$0x3FAC];
	_ =	sdelay $0x3  }
0x37: {  	[smem:$0x3FAC] =	sst s10  }
0x38: {  	s10 =	sld [smem:$0x3FAD]  }
0x39: {  	_ = 	snop;
	(pc) =	sbr.ind lr, $3  }
0x3a: {  	_ = 	snop  }
0x3b: {  	_ = 	snop  }
0x3c: {  	p2 =	seq.s32 s10, $0x1;
	s10 =	sld [smem:$0x3FAC]  }
0x3d: {  	_ =	shalt  }
0x3e: {  	_ =	shalt  }
0x3f: {  	_ =	shalt  }
0x40: {  	_ =	shalt  }
0x41: {  	_ =	shalt  }
0x42: {  	_ =	shalt  }
0x43: {  	_ =	shalt  }
0x44: {  	_ =	shalt  }
0x45: {  	_ =	shalt  }
0x46: {  	_ =	shalt  }
0x47: {  	_ =	shalt  }
0x48: {  	_ =	shalt  }
0x49: {  	_ =	shalt  }
0x4a: {  	_ =	shalt  }
0x4b: {  	_ =	shalt  }
0x4c: {  	_ =	shalt  }
0x4d: {  	_ =	shalt  }
0x4e: {  	_ =	shalt  }
0x4f: {  	_ =	shalt  }
0x50: {  	_ =	shalt  }
0x51: {  	_ =	shalt  }
0x52: {  	_ =	shalt  }
0x53: {  	_ =	shalt  }
0x54: {  	_ =	shalt  }
0x55: {  	_ =	shalt  }
0x56: {  	_ =	shalt  }
0x57: {  	_ =	shalt  }
0x58: {  	_ =	shalt  }
0x59: {  	_ =	shalt  }
0x5a: {  	_ =	shalt  }
0x5b: {  	_ =	shalt  }
0x5c: {  	_ =	shalt  }
0x5d: {  	_ =	shalt  }
0x5e: {  	_ =	shalt  }
0x5f: {  	_ =	shalt  }
0x60: {  	_ =	shalt  }
0x61: {  	_ =	shalt  }
0x62: {  	_ =	shalt  }
0x63: {  	_ =	shalt  }
0x64: {  	_ =	shalt  }
0x65: {  	_ =	shalt  }
0x66: {  	_ =	shalt  }
0x67: {  	_ =	shalt  }
0x68: {  	_ =	shalt  }
0x69: {  	_ =	shalt  }
0x6a: {  	_ =	shalt  }
0x6b: {  	_ =	shalt  }
0x6c: {  	_ =	shalt  }
0x6d: {  	_ =	shalt  }
0x6e: {  	_ =	shalt  }
0x6f: {  	_ =	shalt  }
0x70: {  	_ =	shalt  }
0x71: {  	_ =	shalt  }
0x72: {  	_ =	shalt  }
0x73: {  	_ =	shalt  }
0x74: {  	_ =	shalt  }
0x75: {  	_ =	shalt  }
0x76: {  	_ =	shalt  }
0x77: {  	_ =	shalt  }
0x78: {  	_ =	shalt  }
0x79: {  	_ =	shalt  }
0x7a: {  	_ =	shalt  }
0x7b: {  	_ =	shalt  }
0x7c: {  	_ =	shalt  }
0x7d: {  	_ =	shalt  }
0x7e: {  	_ =	shalt  }
0x7f: {  	_ =	shalt  }
0x80: {  	_ =	shalt  }
0x81: {  	_ =	shalt  }
0x82: {  	_ =	shalt  }
0x83: {  	_ =	shalt  }
0x84: {  	_ =	shalt  }
0x85: {  	_ =	shalt  }
0x86: {  	_ =	shalt  }
0x87: {  	_ =	shalt  }
.Lfunc_end0:
.L_simem_size_0:
called_computation_lowered:
.L_overlay_start_0:
0x88: {  	s2 =	sld [smem:$0x3FD9]  }
0x89: {  	s3 =	sld [smem:$0x3FFE];
	_ =	sdelay $0x1  }
0x8a: {  	s1 =	srdreg.scid  }
0x8b: {  	s0 =	sand.u32 $0x1, s1  }
0x8c: {  	s14 =	sshll.u32 s0, $0xA;
	s2 =	sadd.s32 s3, s2  }
0x8d: {  	s2 =	sadd.s32 s2, s14  }
0x8e: {  	[smem:$0x3FB8] =	sst s2  }
0x8f: {  	_ = 	snop  }
0x90: {  	s2 =	sld [smem:$0x3FD0];
	_ =	sdelay $0x2  }
0x91: {  	s15 =	simm.s32 $0xA;
	s4 =	simm.s32 $0x10  }
0x92: {  	[smem:s4], [sflag:s15] =	dma.local [hbm:s2], $0x1  }
0x93: {  	_ =	swait.eq [sflag:s15], $0x1  }
0x94: {  	[sflag:s15] =	ssyncset.done $0x0  }
0x95: {  	s16 =	sld [smem:$0x10];
	[sflag:s15] =	ssyncadd.s32 $0xFFFFFFFF  }
0x96: {  	s17 =	sld [smem:$0x11];
	(tm) =	ssettm $0x1  }
0x97: {  	s18 =	sld [smem:$0x3FFB];
	_ =	sdelay $0x3  }
0x98: {  	_ =	strace s18  }
0x99: {  	s4 =	sld [smem:$0x3FFC];
	_ =	sdelay $0x3  }
0x9a: {  	_ =	strace s4  }
0x9b: {  	s4 =	sld [smem:$0x3FFD];
	_ =	sdelay $0x3  }
0x9c: {  	_ =	strace s4  }
0x9d: {  	_ =	strace $0x8FFFFFFF  }
0x9e: {  	s19 =	sld [smem:$0x3FDB];
	_ =	sdelay $0x1  }
0x9f: {  	s5 =	simm.s32 $_scs_section_size  }
0xa0: {  	s6 =	simm.s32 $_size__tile_overlayer_lowered;
	s7 =	simm.s32 $_tile_overlayer_lowered  }
0xa1: {  	s22 =	simm.s32 $0x1BFF;
	s21 =	sshll.u32 s7, $0x1;
	s4 =	sadd.s32 s5, s19  }
0xa2: {  	s8 =	simm.s32 $0x0;
	s20 =	sshll.u32 s6, $0x1;
	s6 =	sadd.s32 s21, s4  }
0xa3: {  	[timem:s8], [sflag:s22] =	dma.local [hbm:s6], s20  }
0xa4: {  	_ =	swait.ge [sflag:s22], s20  }
0xa5: {  	s5 =	ssub.s32 $0x0, s20;
	[sflag:s22] =	ssyncset.done $0x0  }
0xa6: {  	[sflag:s22] =	ssyncadd.s32 s5;
	_ =	sdelay $0x1  }
0xa7: {  	s23 =	simm.s32 $0x1B8B  }
0xa8: {  	_ =	swait.ge [sflag:s23], $0x1  }
0xa9: {  	[sflag:s23] =	ssyncset.done $0x0  }
0xaa: {  	s25 =	simm.s32 $0x1B8E;
	s24 =	sld [smem:$0x3FFE];
	[sflag:s23] =	ssyncadd.s32 $0xFFFFFFFF  }
0xab: {  	s26 =	simm.s32 $execute0_lowered;
	[smem:$0x3FD2] =	sst s25  }
0xac: {  	s6 =	sshll.u32 s26, $0x1;
	_ =	strace $0x80000046;
	[dreg:$0x1] =	wrdreg $0xFFFFFFFF  }
0xad: {  	s28 =	simm.s32 $_size_execute0_lowered;
	s4 =	sadd.s32 s4, s6;
	[dreg:$0x0] =	wrdreg $0x0  }
0xae: {  	s6 =	sshll.u32 s28, $0x1;
	[dreg:$0x2] =	wrdreg s4  }
0xaf: {  	[dreg:$0x3] =	wrdreg s6  }
0xb0: {  	[dreg:$0x4] =	wrdreg $0xC0  }
0xb1: {  	_ =	task [dreg:s8], $0x5FFFF  }
0xb2: {  	[dreg:$0x1] =	wrdreg $0xFFFFFFFF  }
0xb3: {  	[dreg:$0x0] =	wrdreg $0x60  }
0xb4: {  	[dreg:$0x2] =	wrdreg s17  }
0xb5: {  	[dreg:$0x3] =	wrdreg s16  }
0xb6: {  	[dreg:$0x4] =	wrdreg s24  }
0xb7: {  	[dreg:$0x5] =	wrdreg $0x1BD400  }
0xb8: {  	[dreg:$0x6] =	wrdreg $0x7C000  }
0xb9: {  	[dreg:$0x7] =	wrdreg $0x9  }
0xba: {  	_ =	task.clear_ibuf [dreg:s8], $0x8FFFF;
	_ =	strace $0x90000046  }
0xbb: {  	s29 =	simm.s32 $0x9;
	_ =	strace $0x80000048  }
0xbc: {  	_ =	swait.ge [sflag:s29], $0x1  }
0xbd: {  	[sflag:s29] =	ssyncadd.s32 $0xFFFFFFFF  }
0xbe: {  	_ =	strace $0x90000048  }
0xbf: {  	_ =	sfence  }
0xc0: {  	s30 =	sld [smem:$0x0];
	_ =	sdelay $0x2  }
0xc1: {  	s31 =	sshll.u32 s1, $0xD;
	s1 =	sshrl.u32 s1, $0x2  }
0xc2: {  	s3 =	sand.u32 $0x4000, s31;
	s1 =	sadd.s32 s1, s30  }
0xc3: {  	s0 =	sor.u32 s3, s0;
	s1 =	sshll.u32 s1, $0x11  }
0xc4: {  	s0 =	sor.u32 s1, s0  }
0xc5: {  	s0 =	sadd.s32 $0x8F2B, s0  }
0xc6: {  	[sflag:s0] =	ssyncadd.remote.s32 $0x1  }
0xc7: {  	_ =	sfence.sel $0xFFFF  }
0xc8: {  	[dreg:$0x0] =	wrdreg $0xFFFFFFFF;
	(pc) =	sbr.abs _section_cstart, $3  }
0xc9: {  	[dreg:$0x1] =	wrdreg $0xFFFFFFFF  }
0xca: {  	_ =	task.clear_ibuf [dreg:s8], $0x2FFFF;
	_ =	strace $0x9FFFFFFF  }
0xcb: {  	(tm) =	ssettm $0x7FFFFFFF  }
tec
execute0_lowered:
.L_overlay_start_1:
0x0: {  	(tag) =	ssettag $0x1  }
0x1: {  	s0 =	rddreg [dreg:$0x0]  }
0x2: {  	s2 =	rddreg [dreg:$0x1]  }
0x3: {  	s4 =	rddreg [dreg:$0x2]  }
0x4: {  	s1 =	rddreg [dreg:$0x3]  }
0x5: {  	s3 =	rddreg [dreg:$0x4]  }
0x6: {  	s12 =	simm.s32 $0x0;
	s5 =	srdreg.scid;
	s11 =	stileid.u32  }
0x7: {  	s30 =	simm.s32 $0x5;
	s31 =	simm.s32 $0x64;
	s6 =	smul.u32 $0x140, s11  }
0x8: {  	s29 =	simm.s32 $0x6580;
	[smem:$0x7FF] =	sst s12;
	s8 =	smul.u32 $0xC80, s11  }
0x9: {  	s5 =	sand.u32 $0x1, s5;
	s4 =	sadd.s32 $0x2A00, s4;
	s10 =	smul.u32 $0x50000, s11  }
0xa: {  	s21 =	sshll.u32 s11, $0x4;
	_ =	strace $0x80000047;
	s7 =	smul.u32 $0x1400, s5  }
0xb: {  	[dreg:$0x7] =	wrdreg s4;
	s16 =	ssub.s32 $0x2, s5;
	s20 =	smul.u32 $0xA00, s5  }
0xc: {  	[dreg:$0xc] =	wrdreg s21;
	p0 =	seq.s32 s5, $0x0;
	s5 =	simm.s32 $0x4  }
0xd: {  	s9 =	sshrl.u32 s16, $0x1;
	s15 =	sadd.s32 s6, s1;
	s0 =	sadd.s32 s0, s8  }
0xe: {  	s19 =	sshrl.u32 s10, $0x2;
	s8 =	simm.s32 $0x6480;
	[dreg:$0x9] =	wrdreg s0  }
0xf: {  	s7 =	sadd.s32 s6, s7;
	s4 =	ssub.s32 s16, s9;
	[dreg:$0xb] =	wrdreg s20  }
0x10: {  	s10 =	sadd.s32 s19, s3;
	s0 =	simm.s32 $0x6400;
	s6 =	simm.s32 $0x1  }
0x11: {  	s9 =	simm.s32 $0x6680;
	[dreg:$0x8] =	wrdreg s15;
	s17 =	sshrl.u32 s7, $0x3  }
0x12: {  	s22 =	sadd.s32 $0x1400, s10;
	s23 =	sadd.s32 $0x2800, s10;
	s24 =	sadd.s32 $0x3C00, s10  }
0x13: {  	s25 =	sadd.s32 $0x5000, s10;
	s16 =	sadd.s32 $0x6400, s10;
	s19 =	sadd.s32 $0xA000, s10  }
0x14: {  	s20 =	sadd.s32 $0xB400, s10;
	s21 =	sadd.s32 $0xC800, s10;
	[dreg:$0xd] =	wrdreg s22  }
0x15: {  	s26 =	smax.u32 s4, $0x1;
	s28 =	sadd.s32 $0x12C00, s10;
	[dreg:$0xe] =	wrdreg s23  }
0x16: {  	s7 =	simm.s32 $0x6600;
	s4 =	simm.s32 $0x2;
	[dreg:$0xf] =	wrdreg s24  }
0x17: {  	s18 =	sadd.s32 s2, s17;
	[dreg:$0x10] =	wrdreg s25;
	s17 =	sadd.s32 $0x7800, s10  }
0x18: {  	s22 =	sadd.s32 $0xDC00, s10;
	s23 =	sadd.s32 $0xF000, s10;
	s24 =	sadd.s32 $0x10400, s10  }
0x19: {  	[dreg:$0x11] =	wrdreg s26;
	s26 =	sadd.s32 $0x11800, s10;
	s25 =	simm.s32 $0x6500  }
0x1a: {  	v0 =	vimm.f32 $1.000000000e+00;
	v1 =	vimm.f32 $0.0e+00;
	s2 =	simm.s32 $0x3;
	[dreg:$0xa] =	wrdreg s18;
	s18 =	sadd.s32 $0x8C00, s10  }
.LBB2_1:
0x1b: {  	[tilespmem:$0x6600] =	vst v0  }
0x1c: {  	[tilespmem:$0x6610] =	vst v0  }
0x1d: {  	[tilespmem:$0x6620] =	vst v0  }
0x1e: {  	[tilespmem:$0x6630] =	vst v0  }
0x1f: {  	[tilespmem:$0x6640] =	vst v0  }
0x20: {  	[tilespmem:$0x6650] =	vst v0  }
0x21: {  	[tilespmem:$0x7A80] =	vst v1  }
0x22: {  	[tilespmem:$0x7A90] =	vst v1  }
0x23: {  	[tilespmem:$0x7AA0] =	vst v1  }
0x24: {  	[tilespmem:$0x7AB0] =	vst v1  }
0x25: {  	[tilespmem:$0x7AC0] =	vst v1  }
0x26: {  	[tilespmem:$0x7AD0] =	vst v1  }
0x27: {  	[tilespmem:$0x7AE0] =	vst v1  }
0x28: {  	[tilespmem:$0x7AF0] =	vst v1  }
0x29: {  	[tilespmem:$0x7B00] =	vst v1  }
0x2a: {  	[tilespmem:$0x7B10] =	vst v1  }
0x2b: {  	[tilespmem:$0x7B20] =	vst v1  }
0x2c: {  	[tilespmem:$0x7B30] =	vst v1  }
0x2d: {  	[tilespmem:$0x7B40] =	vst v1  }
0x2e: {  	[tilespmem:$0x7B50] =	vst v1  }
0x2f: {  	[tilespmem:$0x7B60] =	vst v1  }
0x30: {  	[tilespmem:$0x7B70] =	vst v1  }
0x31: {  	[tilespmem:$0x7B80] =	vst v1  }
0x32: {  	[tilespmem:$0x7B90] =	vst v1  }
0x33: {  	[tilespmem:$0x7BA0] =	vst v1  }
0x34: {  	[tilespmem:$0x7BB0] =	vst v1  }
0x35: {  	[dreg:$0x6] =	wrdreg s12;
	s11 =	simm.s32 $0x40;
	s12 =	simm.s32 $0x0;
	[tilespmem:$0x6654] =	vst v0  }
.LBB2_2:
0x36: {  	p1 =	sne.s32 s11, $0x4FC0;
	[tilespmem:s12+$0x6680] =	vst v1;
	s12 =	smov.u32 s11;
	s11 =	sadd.s32 $0x40, s11  }
.Ltmp0:
0x37: {  	(pc) =	sbr.rel @p1 .LBB2_2-.Ltmp0, $2  }
0x38: {  	_ =	sdelay $0x2  }
0x39: {  	s12 =	sshra.s32 s12, $0x2  }
0x3a: {  	[tilespmem:s12+$0x6680] =	vst v1;
	s11 =	simm.s32 $0x7A80  }
0x3b: {  	[spmem:s15] =	stream.linear.scatter [tilespmem:s11], [sflag:$0x5], $0x140, $0x38;
	[tilespmem:$0x1BE80] =	vst v63  }
0x3c: {  	_ =	swait.ge [sflag:s30], $0x140  }
0x3d: {  	[sflag:s30] =	ssyncset.done $0x0  }
0x3e: {  	s12 =	simm.s32 $0x0;
	s13 =	rddreg [dreg:$0x9];
	[sflag:s30] =	ssyncadd.s32 $0xFFFFFEC0  }
0x3f: {  	[tilespmem:s12], [sflag:$0x5] =	stream.linear.gather [hbm4b:s13+s12], $0x6400, $0x38;
	[tilespmem:$0x1BE80] =	vst v63  }
0x40: {  	_ =	swait.ge [sflag:s30], $0x6400  }
0x41: {  	[sflag:s30] =	ssyncset.done $0x0  }
0x42: {  	p1 =	por $0x1, $0x1;
	[sflag:s30] =	ssyncadd.s32 $0xFFFF9C00  }
0x43: {  	s11 =	simm.s32 @!p1 $0x1;
	[bflag:$0x0] =	sbarrier.arrive $0xFFFF  }
0x44: {  	_ =	swait.ge @!p1 [sflag:s11], $0x64  }
0x45: {  	[sflag:s11] =	ssyncset.done @!p1 $0x0  }
0x46: {  	s14 =	simm.s32 $0x0;
	[sflag:s11] =	ssyncadd.s32 @!p1 $0xFFFFFF9C  }
0x47: {  	v2 =	vld [tilespmem:s14+$0x0];
	_ =	sdelay $0x4  }
0x48: {  	v3 =	vshrl.u32 v2, $0x10;
	v2 =	vand.u32 $0xFFFF, v2  }
0x49: {  	v2 =	vpsel p0, v3, v2  }
0x4a: {  	[tilespmem:$0x6400] =	vst v2  }
0x4b: {  	v2 =	vld [tilespmem:s14+$0x10];
	_ =	sdelay $0x4  }
0x4c: {  	v3 =	vshrl.u32 v2, $0x10;
	v2 =	vand.u32 $0xFFFF, v2  }
0x4d: {  	v2 =	vpsel p0, v3, v2  }
0x4e: {  	[tilespmem:$0x6410] =	vst v2  }
0x4f: {  	v2 =	vld [tilespmem:s14+$0x20];
	_ =	sdelay $0x4  }
0x50: {  	v3 =	vshrl.u32 v2, $0x10;
	v2 =	vand.u32 $0xFFFF, v2  }
0x51: {  	v2 =	vpsel p0, v3, v2  }
0x52: {  	[tilespmem:$0x6420] =	vst v2  }
0x53: {  	v2 =	vld [tilespmem:s14+$0x30];
	_ =	sdelay $0x4  }
0x54: {  	v3 =	vshrl.u32 v2, $0x10;
	v2 =	vand.u32 $0xFFFF, v2  }
0x55: {  	v2 =	vpsel p0, v3, v2  }
0x56: {  	[tilespmem:$0x6430] =	vst v2  }
0x57: {  	v2 =	vld [tilespmem:s14+$0x40];
	_ =	sdelay $0x4  }
0x58: {  	v3 =	vshrl.u32 v2, $0x10;
	v2 =	vand.u32 $0xFFFF, v2  }
0x59: {  	v2 =	vpsel p0, v3, v2  }
0x5a: {  	[tilespmem:$0x6440] =	vst v2  }
0x5b: {  	v2 =	vld [tilespmem:s14+$0x50];
	_ =	sdelay $0x4  }
0x5c: {  	v3 =	vshrl.u32 v2, $0x10;
	v2 =	vand.u32 $0xFFFF, v2  }
0x5d: {  	v2 =	vpsel p0, v3, v2  }
0x5e: {  	[tilespmem:$0x6450] =	vst v2  }
0x5f: {  	v2 =	vld [tilespmem:s14+$0x54];
	_ =	sdelay $0x4  }
0x60: {  	v3 =	vshrl.u32 v2, $0x10;
	v2 =	vand.u32 $0xFFFF, v2  }
0x61: {  	v2 =	vpsel p0, v3, v2  }
0x62: {  	s12 =	simm.s32 @!p1 $0x2;
	[tilespmem:$0x6454] =	vst v2  }
0x63: {  	[spmem:s1] =	stream.indirect.scatter.add.f32 [tilespmem:s7], [sflag:$0x1], $0x1, s0, s31, $0xb8;
	[tilespmem:$0x1BE80] =	vst v63  }
0x64: {  	_ =	swait.ge @!p1 [sflag:s12], $0x64  }
0x65: {  	[sflag:s12] =	ssyncset.done @!p1 $0x0  }
0x66: {  	[sflag:s12] =	ssyncadd.s32 @!p1 $0xFFFFFF9C  }
0x67: {  	v2 =	vld [tilespmem:s14+$0x80];
	_ =	sdelay $0x4  }
0x68: {  	v3 =	vshrl.u32 v2, $0x10;
	v2 =	vand.u32 $0xFFFF, v2  }
0x69: {  	v2 =	vpsel p0, v3, v2  }
0x6a: {  	[tilespmem:$0x6480] =	vst v2  }
0x6b: {  	v2 =	vld [tilespmem:s14+$0x90];
	_ =	sdelay $0x4  }
0x6c: {  	v3 =	vshrl.u32 v2, $0x10;
	v2 =	vand.u32 $0xFFFF, v2  }
0x6d: {  	v2 =	vpsel p0, v3, v2  }
0x6e: {  	[tilespmem:$0x6490] =	vst v2  }
0x6f: {  	v2 =	vld [tilespmem:s14+$0xA0];
	_ =	sdelay $0x4  }
0x70: {  	v3 =	vshrl.u32 v2, $0x10;
	v2 =	vand.u32 $0xFFFF, v2  }
0x71: {  	v2 =	vpsel p0, v3, v2  }
0x72: {  	[tilespmem:$0x64A0] =	vst v2  }
0x73: {  	v2 =	vld [tilespmem:s14+$0xB0];
	_ =	sdelay $0x4  }
0x74: {  	v3 =	vshrl.u32 v2, $0x10;
	v2 =	vand.u32 $0xFFFF, v2  }
0x75: {  	v2 =	vpsel p0, v3, v2  }
0x76: {  	[tilespmem:$0x64B0] =	vst v2  }
0x77: {  	v2 =	vld [tilespmem:s14+$0xC0];
	_ =	sdelay $0x4  }
0x78: {  	v3 =	vshrl.u32 v2, $0x10;
	v2 =	vand.u32 $0xFFFF, v2  }
0x79: {  	v2 =	vpsel p0, v3, v2  }
0x7a: {  	[tilespmem:$0x64C0] =	vst v2  }
0x7b: {  	v2 =	vld [tilespmem:s14+$0xD0];
	_ =	sdelay $0x4  }
0x7c: {  	v3 =	vshrl.u32 v2, $0x10;
	v2 =	vand.u32 $0xFFFF, v2  }
0x7d: {  	v2 =	vpsel p0, v3, v2  }
0x7e: {  	[tilespmem:$0x64D0] =	vst v2  }
0x7f: {  	v2 =	vld [tilespmem:s14+$0xD4];
	_ =	sdelay $0x4  }
0x80: {  	v3 =	vshrl.u32 v2, $0x10;
	v2 =	vand.u32 $0xFFFF, v2  }
0x81: {  	v2 =	vpsel p0, v3, v2  }
0x82: {  	s12 =	simm.s32 @!p1 $0x3;
	[tilespmem:$0x64D4] =	vst v2  }
0x83: {  	[spmem:s1] =	stream.indirect.scatter.add.f32 [tilespmem:s7], [sflag:$0x2], $0x1, s8, s31, $0xb8;
	[tilespmem:$0x1BE80] =	vst v63  }
0x84: {  	_ =	swait.ge @!p1 [sflag:s12], $0x64  }
0x85: {  	[sflag:s12] =	ssyncset.done @!p1 $0x0  }
0x86: {  	[sflag:s12] =	ssyncadd.s32 @!p1 $0xFFFFFF9C  }
0x87: {  	v2 =	vld [tilespmem:s14+$0x100];
	_ =	sdelay $0x4  }
0x88: {  	v3 =	vshrl.u32 v2, $0x10;
	v2 =	vand.u32 $0xFFFF, v2  }
0x89: {  	v2 =	vpsel p0, v3, v2  }
0x8a: {  	[tilespmem:$0x6500] =	vst v2  }
0x8b: {  	v2 =	vld [tilespmem:s14+$0x110];
	_ =	sdelay $0x4  }
0x8c: {  	v3 =	vshrl.u32 v2, $0x10;
	v2 =	vand.u32 $0xFFFF, v2  }
0x8d: {  	v2 =	vpsel p0, v3, v2  }
0x8e: {  	[tilespmem:$0x6510] =	vst v2  }
0x8f: {  	v2 =	vld [tilespmem:s14+$0x120];
	_ =	sdelay $0x4  }
0x90: {  	v3 =	vshrl.u32 v2, $0x10;
	v2 =	vand.u32 $0xFFFF, v2  }
0x91: {  	v2 =	vpsel p0, v3, v2  }
0x92: {  	[tilespmem:$0x6520] =	vst v2  }
0x93: {  	v2 =	vld [tilespmem:s14+$0x130];
	_ =	sdelay $0x4  }
0x94: {  	v3 =	vshrl.u32 v2, $0x10;
	v2 =	vand.u32 $0xFFFF, v2  }
0x95: {  	v2 =	vpsel p0, v3, v2  }
0x96: {  	[tilespmem:$0x6530] =	vst v2  }
0x97: {  	v2 =	vld [tilespmem:s14+$0x140];
	_ =	sdelay $0x4  }
0x98: {  	v3 =	vshrl.u32 v2, $0x10;
	v2 =	vand.u32 $0xFFFF, v2  }
0x99: {  	v2 =	vpsel p0, v3, v2  }
0x9a: {  	[tilespmem:$0x6540] =	vst v2  }
0x9b: {  	v2 =	vld [tilespmem:s14+$0x150];
	_ =	sdelay $0x4  }
0x9c: {  	v3 =	vshrl.u32 v2, $0x10;
	v2 =	vand.u32 $0xFFFF, v2  }
0x9d: {  	v2 =	vpsel p0, v3, v2  }
0x9e: {  	[tilespmem:$0x6550] =	vst v2  }
0x9f: {  	v2 =	vld [tilespmem:s14+$0x154];
	_ =	sdelay $0x4  }
0xa0: {  	v3 =	vshrl.u32 v2, $0x10;
	v2 =	vand.u32 $0xFFFF, v2  }
0xa1: {  	v2 =	vpsel p0, v3, v2  }
0xa2: {  	s12 =	simm.s32 @!p1 $0x4;
	[tilespmem:$0x6554] =	vst v2  }
0xa3: {  	[spmem:s1] =	stream.indirect.scatter.add.f32 [tilespmem:s7], [sflag:$0x3], $0x1, s25, s31, $0xb8;
	[tilespmem:$0x1BE80] =	vst v63  }
0xa4: {  	_ =	swait.ge @!p1 [sflag:s12], $0x64  }
0xa5: {  	[sflag:s12] =	ssyncset.done @!p1 $0x0  }
0xa6: {  	[sflag:s12] =	ssyncadd.s32 @!p1 $0xFFFFFF9C  }
0xa7: {  	v2 =	vld [tilespmem:s14+$0x180];
	_ =	sdelay $0x4  }
0xa8: {  	v3 =	vshrl.u32 v2, $0x10;
	v2 =	vand.u32 $0xFFFF, v2  }
0xa9: {  	v2 =	vpsel p0, v3, v2  }
0xaa: {  	[tilespmem:$0x6580] =	vst v2  }
0xab: {  	v2 =	vld [tilespmem:s14+$0x190];
	_ =	sdelay $0x4  }
0xac: {  	v3 =	vshrl.u32 v2, $0x10;
	v2 =	vand.u32 $0xFFFF, v2  }
0xad: {  	v2 =	vpsel p0, v3, v2  }
0xae: {  	[tilespmem:$0x6590] =	vst v2  }
0xaf: {  	v2 =	vld [tilespmem:s14+$0x1A0];
	_ =	sdelay $0x4  }
0xb0: {  	v3 =	vshrl.u32 v2, $0x10;
	v2 =	vand.u32 $0xFFFF, v2  }
0xb1: {  	v2 =	vpsel p0, v3, v2  }
0xb2: {  	[tilespmem:$0x65A0] =	vst v2  }
0xb3: {  	v2 =	vld [tilespmem:s14+$0x1B0];
	_ =	sdelay $0x4  }
0xb4: {  	v3 =	vshrl.u32 v2, $0x10;
	v2 =	vand.u32 $0xFFFF, v2  }
0xb5: {  	v2 =	vpsel p0, v3, v2  }
0xb6: {  	[tilespmem:$0x65B0] =	vst v2  }
0xb7: {  	v2 =	vld [tilespmem:s14+$0x1C0];
	_ =	sdelay $0x4  }
0xb8: {  	v3 =	vshrl.u32 v2, $0x10;
	v2 =	vand.u32 $0xFFFF, v2  }
0xb9: {  	v2 =	vpsel p0, v3, v2  }
0xba: {  	[tilespmem:$0x65C0] =	vst v2  }
0xbb: {  	v2 =	vld [tilespmem:s14+$0x1D0];
	_ =	sdelay $0x4  }
0xbc: {  	v3 =	vshrl.u32 v2, $0x10;
	v2 =	vand.u32 $0xFFFF, v2  }
0xbd: {  	v2 =	vpsel p0, v3, v2  }
0xbe: {  	[tilespmem:$0x65D0] =	vst v2  }
0xbf: {  	v2 =	vld [tilespmem:s14+$0x1D4];
	_ =	sdelay $0x4  }
0xc0: {  	v3 =	vshrl.u32 v2, $0x10;
	v2 =	vand.u32 $0xFFFF, v2  }
0xc1: {  	s11 =	simm.s32 $0x800;
	s12 =	simm.s32 $0x1000;
	p1 =	por $0x0, $0x0;
	v2 =	vpsel p0, v3, v2  }
.LBB2_4:
0xc2: {  	s13 =	simm.s32 @!p1 $0x1;
	[tilespmem:$0x65D4] =	vst v2;
	s14 =	smov.u32 s12;
	s12 =	sadd.s32 $0x800, s12  }
0xc3: {  	[spmem:s1] =	stream.indirect.scatter.add.f32 [tilespmem:s7], [sflag:$0x4], $0x1, s29, s31, $0xb8;
	[tilespmem:$0x1BE80] =	vst v63  }
0xc4: {  	p2 =	sne.s32 s12, $0x19000;
	_ =	swait.ge @!p1 [sflag:s13], $0x64  }
0xc5: {  	[sflag:s13] =	ssyncset.done @!p1 $0x0  }
0xc6: {  	[sflag:s13] =	ssyncadd.s32 @!p1 $0xFFFFFF9C;
	s13 =	sshra.s32 s11, $0x2;
	s11 =	smov.u32 s14  }
0xc7: {  	v2 =	vld [tilespmem:s13+$0x0];
	_ =	sdelay $0x4  }
0xc8: {  	v3 =	vshrl.u32 v2, $0x10;
	v2 =	vand.u32 $0xFFFF, v2  }
0xc9: {  	v2 =	vpsel p0, v3, v2  }
0xca: {  	[tilespmem:$0x6400] =	vst v2  }
0xcb: {  	v2 =	vld [tilespmem:s13+$0x10];
	_ =	sdelay $0x4  }
0xcc: {  	v3 =	vshrl.u32 v2, $0x10;
	v2 =	vand.u32 $0xFFFF, v2  }
0xcd: {  	v2 =	vpsel p0, v3, v2  }
0xce: {  	[tilespmem:$0x6410] =	vst v2  }
0xcf: {  	v2 =	vld [tilespmem:s13+$0x20];
	_ =	sdelay $0x4  }
0xd0: {  	v3 =	vshrl.u32 v2, $0x10;
	v2 =	vand.u32 $0xFFFF, v2  }
0xd1: {  	v2 =	vpsel p0, v3, v2  }
0xd2: {  	[tilespmem:$0x6420] =	vst v2  }
0xd3: {  	v2 =	vld [tilespmem:s13+$0x30];
	_ =	sdelay $0x4  }
0xd4: {  	v3 =	vshrl.u32 v2, $0x10;
	v2 =	vand.u32 $0xFFFF, v2  }
0xd5: {  	v2 =	vpsel p0, v3, v2  }
0xd6: {  	[tilespmem:$0x6430] =	vst v2  }
0xd7: {  	v2 =	vld [tilespmem:s13+$0x40];
	_ =	sdelay $0x4  }
0xd8: {  	v3 =	vshrl.u32 v2, $0x10;
	v2 =	vand.u32 $0xFFFF, v2  }
0xd9: {  	v2 =	vpsel p0, v3, v2  }
0xda: {  	[tilespmem:$0x6440] =	vst v2  }
0xdb: {  	v2 =	vld [tilespmem:s13+$0x50];
	_ =	sdelay $0x4  }
0xdc: {  	v3 =	vshrl.u32 v2, $0x10;
	v2 =	vand.u32 $0xFFFF, v2  }
0xdd: {  	v2 =	vpsel p0, v3, v2  }
0xde: {  	[tilespmem:$0x6450] =	vst v2  }
0xdf: {  	v2 =	vld [tilespmem:s13+$0x54];
	_ =	sdelay $0x4  }
0xe0: {  	v3 =	vshrl.u32 v2, $0x10;
	v2 =	vand.u32 $0xFFFF, v2  }
0xe1: {  	v2 =	vpsel p0, v3, v2  }
0xe2: {  	s14 =	simm.s32 @!p1 $0x2;
	[tilespmem:$0x6454] =	vst v2  }
0xe3: {  	[spmem:s1] =	stream.indirect.scatter.add.f32 [tilespmem:s7], [sflag:$0x1], $0x1, s0, s31, $0xb8;
	[tilespmem:$0x1BE80] =	vst v63  }
0xe4: {  	_ =	swait.ge @!p1 [sflag:s14], $0x64  }
0xe5: {  	[sflag:s14] =	ssyncset.done @!p1 $0x0  }
0xe6: {  	[sflag:s14] =	ssyncadd.s32 @!p1 $0xFFFFFF9C  }
0xe7: {  	v2 =	vld [tilespmem:s13+$0x80];
	_ =	sdelay $0x4  }
0xe8: {  	v3 =	vshrl.u32 v2, $0x10;
	v2 =	vand.u32 $0xFFFF, v2  }
0xe9: {  	v2 =	vpsel p0, v3, v2  }
0xea: {  	[tilespmem:$0x6480] =	vst v2  }
0xeb: {  	v2 =	vld [tilespmem:s13+$0x90];
	_ =	sdelay $0x4  }
0xec: {  	v3 =	vshrl.u32 v2, $0x10;
	v2 =	vand.u32 $0xFFFF, v2  }
0xed: {  	v2 =	vpsel p0, v3, v2  }
0xee: {  	[tilespmem:$0x6490] =	vst v2  }
0xef: {  	v2 =	vld [tilespmem:s13+$0xA0];
	_ =	sdelay $0x4  }
0xf0: {  	v3 =	vshrl.u32 v2, $0x10;
	v2 =	vand.u32 $0xFFFF, v2  }
0xf1: {  	v2 =	vpsel p0, v3, v2  }
0xf2: {  	[tilespmem:$0x64A0] =	vst v2  }
0xf3: {  	v2 =	vld [tilespmem:s13+$0xB0];
	_ =	sdelay $0x4  }
0xf4: {  	v3 =	vshrl.u32 v2, $0x10;
	v2 =	vand.u32 $0xFFFF, v2  }
0xf5: {  	v2 =	vpsel p0, v3, v2  }
0xf6: {  	[tilespmem:$0x64B0] =	vst v2  }
0xf7: {  	v2 =	vld [tilespmem:s13+$0xC0];
	_ =	sdelay $0x4  }
0xf8: {  	v3 =	vshrl.u32 v2, $0x10;
	v2 =	vand.u32 $0xFFFF, v2  }
0xf9: {  	v2 =	vpsel p0, v3, v2  }
0xfa: {  	[tilespmem:$0x64C0] =	vst v2  }
0xfb: {  	v2 =	vld [tilespmem:s13+$0xD0];
	_ =	sdelay $0x4  }
0xfc: {  	v3 =	vshrl.u32 v2, $0x10;
	v2 =	vand.u32 $0xFFFF, v2  }
0xfd: {  	v2 =	vpsel p0, v3, v2  }
0xfe: {  	[tilespmem:$0x64D0] =	vst v2  }
0xff: {  	v2 =	vld [tilespmem:s13+$0xD4];
	_ =	sdelay $0x4  }
0x100: {  	v3 =	vshrl.u32 v2, $0x10;
	v2 =	vand.u32 $0xFFFF, v2  }
0x101: {  	v2 =	vpsel p0, v3, v2  }
0x102: {  	s14 =	simm.s32 @!p1 $0x3;
	[tilespmem:$0x64D4] =	vst v2  }
0x103: {  	[spmem:s1] =	stream.indirect.scatter.add.f32 [tilespmem:s7], [sflag:$0x2], $0x1, s8, s31, $0xb8;
	[tilespmem:$0x1BE80] =	vst v63  }
0x104: {  	_ =	swait.ge @!p1 [sflag:s14], $0x64  }
0x105: {  	[sflag:s14] =	ssyncset.done @!p1 $0x0  }
0x106: {  	[sflag:s14] =	ssyncadd.s32 @!p1 $0xFFFFFF9C  }
0x107: {  	v2 =	vld [tilespmem:s13+$0x100];
	_ =	sdelay $0x4  }
0x108: {  	v3 =	vshrl.u32 v2, $0x10;
	v2 =	vand.u32 $0xFFFF, v2  }
0x109: {  	v2 =	vpsel p0, v3, v2  }
0x10a: {  	[tilespmem:$0x6500] =	vst v2  }
0x10b: {  	v2 =	vld [tilespmem:s13+$0x110];
	_ =	sdelay $0x4  }
0x10c: {  	v3 =	vshrl.u32 v2, $0x10;
	v2 =	vand.u32 $0xFFFF, v2  }
0x10d: {  	v2 =	vpsel p0, v3, v2  }
0x10e: {  	[tilespmem:$0x6510] =	vst v2  }
0x10f: {  	v2 =	vld [tilespmem:s13+$0x120];
	_ =	sdelay $0x4  }
0x110: {  	v3 =	vshrl.u32 v2, $0x10;
	v2 =	vand.u32 $0xFFFF, v2  }
0x111: {  	v2 =	vpsel p0, v3, v2  }
0x112: {  	[tilespmem:$0x6520] =	vst v2  }
0x113: {  	v2 =	vld [tilespmem:s13+$0x130];
	_ =	sdelay $0x4  }
0x114: {  	v3 =	vshrl.u32 v2, $0x10;
	v2 =	vand.u32 $0xFFFF, v2  }
0x115: {  	v2 =	vpsel p0, v3, v2  }
0x116: {  	[tilespmem:$0x6530] =	vst v2  }
0x117: {  	v2 =	vld [tilespmem:s13+$0x140];
	_ =	sdelay $0x4  }
0x118: {  	v3 =	vshrl.u32 v2, $0x10;
	v2 =	vand.u32 $0xFFFF, v2  }
0x119: {  	v2 =	vpsel p0, v3, v2  }
0x11a: {  	[tilespmem:$0x6540] =	vst v2  }
0x11b: {  	v2 =	vld [tilespmem:s13+$0x150];
	_ =	sdelay $0x4  }
0x11c: {  	v3 =	vshrl.u32 v2, $0x10;
	v2 =	vand.u32 $0xFFFF, v2  }
0x11d: {  	v2 =	vpsel p0, v3, v2  }
0x11e: {  	[tilespmem:$0x6550] =	vst v2  }
0x11f: {  	v2 =	vld [tilespmem:s13+$0x154];
	_ =	sdelay $0x4  }
0x120: {  	v3 =	vshrl.u32 v2, $0x10;
	v2 =	vand.u32 $0xFFFF, v2  }
0x121: {  	v2 =	vpsel p0, v3, v2  }
0x122: {  	s14 =	simm.s32 @!p1 $0x4;
	[tilespmem:$0x6554] =	vst v2  }
0x123: {  	[spmem:s1] =	stream.indirect.scatter.add.f32 [tilespmem:s7], [sflag:$0x3], $0x1, s25, s31, $0xb8;
	[tilespmem:$0x1BE80] =	vst v63  }
0x124: {  	_ =	swait.ge @!p1 [sflag:s14], $0x64  }
0x125: {  	[sflag:s14] =	ssyncset.done @!p1 $0x0  }
0x126: {  	[sflag:s14] =	ssyncadd.s32 @!p1 $0xFFFFFF9C  }
0x127: {  	v2 =	vld [tilespmem:s13+$0x180];
	_ =	sdelay $0x4  }
0x128: {  	v3 =	vshrl.u32 v2, $0x10;
	v2 =	vand.u32 $0xFFFF, v2  }
0x129: {  	v2 =	vpsel p0, v3, v2  }
0x12a: {  	[tilespmem:$0x6580] =	vst v2  }
0x12b: {  	v2 =	vld [tilespmem:s13+$0x190];
	_ =	sdelay $0x4  }
0x12c: {  	v3 =	vshrl.u32 v2, $0x10;
	v2 =	vand.u32 $0xFFFF, v2  }
0x12d: {  	v2 =	vpsel p0, v3, v2  }
0x12e: {  	[tilespmem:$0x6590] =	vst v2  }
0x12f: {  	v2 =	vld [tilespmem:s13+$0x1A0];
	_ =	sdelay $0x4  }
0x130: {  	v3 =	vshrl.u32 v2, $0x10;
	v2 =	vand.u32 $0xFFFF, v2  }
0x131: {  	v2 =	vpsel p0, v3, v2  }
0x132: {  	[tilespmem:$0x65A0] =	vst v2  }
0x133: {  	v2 =	vld [tilespmem:s13+$0x1B0];
	_ =	sdelay $0x4  }
0x134: {  	v3 =	vshrl.u32 v2, $0x10;
	v2 =	vand.u32 $0xFFFF, v2  }
0x135: {  	v2 =	vpsel p0, v3, v2  }
0x136: {  	[tilespmem:$0x65B0] =	vst v2  }
0x137: {  	v2 =	vld [tilespmem:s13+$0x1C0];
	_ =	sdelay $0x4  }
0x138: {  	v3 =	vshrl.u32 v2, $0x10;
	v2 =	vand.u32 $0xFFFF, v2  }
0x139: {  	v2 =	vpsel p0, v3, v2  }
0x13a: {  	[tilespmem:$0x65C0] =	vst v2  }
0x13b: {  	v2 =	vld [tilespmem:s13+$0x1D0];
	_ =	sdelay $0x4  }
0x13c: {  	v3 =	vshrl.u32 v2, $0x10;
	v2 =	vand.u32 $0xFFFF, v2  }
0x13d: {  	v2 =	vpsel p0, v3, v2  }
0x13e: {  	[tilespmem:$0x65D0] =	vst v2  }
0x13f: {  	v2 =	vld [tilespmem:s13+$0x1D4];
	_ =	sdelay $0x1  }
.Ltmp1:
0x140: {  	(pc) =	sbr.rel @p2 .LBB2_4-.Ltmp1, $3  }
0x141: {  	_ =	sdelay $0x1  }
0x142: {  	v3 =	vshrl.u32 v2, $0x10;
	v2 =	vand.u32 $0xFFFF, v2  }
0x143: {  	p1 =	seq.s32 s11, $0x0;
	v2 =	vpsel p0, v3, v2  }
0x144: {  	s12 =	simm.s32 @!p1 $0x1;
	[tilespmem:$0x65D4] =	vst v2  }
0x145: {  	[spmem:s1] =	stream.indirect.scatter.add.f32 [tilespmem:s7], [sflag:$0x4], $0x1, s29, s31, $0xb8;
	[tilespmem:$0x1BE80] =	vst v63  }
0x146: {  	_ =	swait.ge @!p1 [sflag:s12], $0x64  }
0x147: {  	[sflag:s12] =	ssyncset.done @!p1 $0x0  }
0x148: {  	s11 =	sshra.s32 s11, $0x2;
	[sflag:s12] =	ssyncadd.s32 @!p1 $0xFFFFFF9C  }
0x149: {  	v2 =	vld [tilespmem:s11+$0x0];
	_ =	sdelay $0x4  }
0x14a: {  	v3 =	vshrl.u32 v2, $0x10;
	v2 =	vand.u32 $0xFFFF, v2  }
0x14b: {  	v2 =	vpsel p0, v3, v2  }
0x14c: {  	[tilespmem:$0x6400] =	vst v2  }
0x14d: {  	v2 =	vld [tilespmem:s11+$0x10];
	_ =	sdelay $0x4  }
0x14e: {  	v3 =	vshrl.u32 v2, $0x10;
	v2 =	vand.u32 $0xFFFF, v2  }
0x14f: {  	v2 =	vpsel p0, v3, v2  }
0x150: {  	[tilespmem:$0x6410] =	vst v2  }
0x151: {  	v2 =	vld [tilespmem:s11+$0x20];
	_ =	sdelay $0x4  }
0x152: {  	v3 =	vshrl.u32 v2, $0x10;
	v2 =	vand.u32 $0xFFFF, v2  }
0x153: {  	v2 =	vpsel p0, v3, v2  }
0x154: {  	[tilespmem:$0x6420] =	vst v2  }
0x155: {  	v2 =	vld [tilespmem:s11+$0x30];
	_ =	sdelay $0x4  }
0x156: {  	v3 =	vshrl.u32 v2, $0x10;
	v2 =	vand.u32 $0xFFFF, v2  }
0x157: {  	v2 =	vpsel p0, v3, v2  }
0x158: {  	[tilespmem:$0x6430] =	vst v2  }
0x159: {  	v2 =	vld [tilespmem:s11+$0x40];
	_ =	sdelay $0x4  }
0x15a: {  	v3 =	vshrl.u32 v2, $0x10;
	v2 =	vand.u32 $0xFFFF, v2  }
0x15b: {  	v2 =	vpsel p0, v3, v2  }
0x15c: {  	[tilespmem:$0x6440] =	vst v2  }
0x15d: {  	v2 =	vld [tilespmem:s11+$0x50];
	_ =	sdelay $0x4  }
0x15e: {  	v3 =	vshrl.u32 v2, $0x10;
	v2 =	vand.u32 $0xFFFF, v2  }
0x15f: {  	v2 =	vpsel p0, v3, v2  }
0x160: {  	[tilespmem:$0x6450] =	vst v2  }
0x161: {  	v2 =	vld [tilespmem:s11+$0x54];
	_ =	sdelay $0x4  }
0x162: {  	v3 =	vshrl.u32 v2, $0x10;
	v2 =	vand.u32 $0xFFFF, v2  }
0x163: {  	v2 =	vpsel p0, v3, v2  }
0x164: {  	s12 =	simm.s32 @!p1 $0x2;
	[tilespmem:$0x6454] =	vst v2  }
0x165: {  	[spmem:s1] =	stream.indirect.scatter.add.f32 [tilespmem:s7], [sflag:$0x1], $0x1, s0, s31, $0xb8;
	[tilespmem:$0x1BE80] =	vst v63  }
0x166: {  	_ =	swait.ge @!p1 [sflag:s12], $0x64  }
0x167: {  	[sflag:s12] =	ssyncset.done @!p1 $0x0  }
0x168: {  	[sflag:s12] =	ssyncadd.s32 @!p1 $0xFFFFFF9C  }
0x169: {  	v2 =	vld [tilespmem:s11+$0x80];
	_ =	sdelay $0x4  }
0x16a: {  	v3 =	vshrl.u32 v2, $0x10;
	v2 =	vand.u32 $0xFFFF, v2  }
0x16b: {  	v2 =	vpsel p0, v3, v2  }
0x16c: {  	[tilespmem:$0x6480] =	vst v2  }
0x16d: {  	v2 =	vld [tilespmem:s11+$0x90];
	_ =	sdelay $0x4  }
0x16e: {  	v3 =	vshrl.u32 v2, $0x10;
	v2 =	vand.u32 $0xFFFF, v2  }
0x16f: {  	v2 =	vpsel p0, v3, v2  }
0x170: {  	[tilespmem:$0x6490] =	vst v2  }
0x171: {  	v2 =	vld [tilespmem:s11+$0xA0];
	_ =	sdelay $0x4  }
0x172: {  	v3 =	vshrl.u32 v2, $0x10;
	v2 =	vand.u32 $0xFFFF, v2  }
0x173: {  	v2 =	vpsel p0, v3, v2  }
0x174: {  	[tilespmem:$0x64A0] =	vst v2  }
0x175: {  	v2 =	vld [tilespmem:s11+$0xB0];
	_ =	sdelay $0x4  }
0x176: {  	v3 =	vshrl.u32 v2, $0x10;
	v2 =	vand.u32 $0xFFFF, v2  }
0x177: {  	v2 =	vpsel p0, v3, v2  }
0x178: {  	[tilespmem:$0x64B0] =	vst v2  }
0x179: {  	v2 =	vld [tilespmem:s11+$0xC0];
	_ =	sdelay $0x4  }
0x17a: {  	v3 =	vshrl.u32 v2, $0x10;
	v2 =	vand.u32 $0xFFFF, v2  }
0x17b: {  	v2 =	vpsel p0, v3, v2  }
0x17c: {  	[tilespmem:$0x64C0] =	vst v2  }
0x17d: {  	v2 =	vld [tilespmem:s11+$0xD0];
	_ =	sdelay $0x4  }
0x17e: {  	v3 =	vshrl.u32 v2, $0x10;
	v2 =	vand.u32 $0xFFFF, v2  }
0x17f: {  	v2 =	vpsel p0, v3, v2  }
0x180: {  	[tilespmem:$0x64D0] =	vst v2  }
0x181: {  	v2 =	vld [tilespmem:s11+$0xD4];
	_ =	sdelay $0x4  }
0x182: {  	v3 =	vshrl.u32 v2, $0x10;
	v2 =	vand.u32 $0xFFFF, v2  }
0x183: {  	v2 =	vpsel p0, v3, v2  }
0x184: {  	s12 =	simm.s32 @!p1 $0x3;
	[tilespmem:$0x64D4] =	vst v2  }
0x185: {  	[spmem:s1] =	stream.indirect.scatter.add.f32 [tilespmem:s7], [sflag:$0x2], $0x1, s8, s31, $0xb8;
	[tilespmem:$0x1BE80] =	vst v63  }
0x186: {  	_ =	swait.ge @!p1 [sflag:s12], $0x64  }
0x187: {  	[sflag:s12] =	ssyncset.done @!p1 $0x0  }
0x188: {  	[sflag:s12] =	ssyncadd.s32 @!p1 $0xFFFFFF9C  }
0x189: {  	v2 =	vld [tilespmem:s11+$0x100];
	_ =	sdelay $0x4  }
0x18a: {  	v3 =	vshrl.u32 v2, $0x10;
	v2 =	vand.u32 $0xFFFF, v2  }
0x18b: {  	v2 =	vpsel p0, v3, v2  }
0x18c: {  	[tilespmem:$0x6500] =	vst v2  }
0x18d: {  	v2 =	vld [tilespmem:s11+$0x110];
	_ =	sdelay $0x4  }
0x18e: {  	v3 =	vshrl.u32 v2, $0x10;
	v2 =	vand.u32 $0xFFFF, v2  }
0x18f: {  	v2 =	vpsel p0, v3, v2  }
0x190: {  	[tilespmem:$0x6510] =	vst v2  }
0x191: {  	v2 =	vld [tilespmem:s11+$0x120];
	_ =	sdelay $0x4  }
0x192: {  	v3 =	vshrl.u32 v2, $0x10;
	v2 =	vand.u32 $0xFFFF, v2  }
0x193: {  	v2 =	vpsel p0, v3, v2  }
0x194: {  	[tilespmem:$0x6520] =	vst v2  }
0x195: {  	v2 =	vld [tilespmem:s11+$0x130];
	_ =	sdelay $0x4  }
0x196: {  	v3 =	vshrl.u32 v2, $0x10;
	v2 =	vand.u32 $0xFFFF, v2  }
0x197: {  	v2 =	vpsel p0, v3, v2  }
0x198: {  	[tilespmem:$0x6530] =	vst v2  }
0x199: {  	v2 =	vld [tilespmem:s11+$0x140];
	_ =	sdelay $0x4  }
0x19a: {  	v3 =	vshrl.u32 v2, $0x10;
	v2 =	vand.u32 $0xFFFF, v2  }
0x19b: {  	v2 =	vpsel p0, v3, v2  }
0x19c: {  	[tilespmem:$0x6540] =	vst v2  }
0x19d: {  	v2 =	vld [tilespmem:s11+$0x150];
	_ =	sdelay $0x4  }
0x19e: {  	v3 =	vshrl.u32 v2, $0x10;
	v2 =	vand.u32 $0xFFFF, v2  }
0x19f: {  	v2 =	vpsel p0, v3, v2  }
0x1a0: {  	[tilespmem:$0x6550] =	vst v2  }
0x1a1: {  	v2 =	vld [tilespmem:s11+$0x154];
	_ =	sdelay $0x4  }
0x1a2: {  	v3 =	vshrl.u32 v2, $0x10;
	v2 =	vand.u32 $0xFFFF, v2  }
0x1a3: {  	v2 =	vpsel p0, v3, v2  }
0x1a4: {  	s12 =	simm.s32 @!p1 $0x4;
	[tilespmem:$0x6554] =	vst v2  }
0x1a5: {  	[spmem:s1] =	stream.indirect.scatter.add.f32 [tilespmem:s7], [sflag:$0x3], $0x1, s25, s31, $0xb8;
	[tilespmem:$0x1BE80] =	vst v63  }
0x1a6: {  	_ =	swait.ge @!p1 [sflag:s12], $0x64  }
0x1a7: {  	[sflag:s12] =	ssyncset.done @!p1 $0x0  }
0x1a8: {  	[sflag:s12] =	ssyncadd.s32 @!p1 $0xFFFFFF9C  }
0x1a9: {  	v2 =	vld [tilespmem:s11+$0x180];
	_ =	sdelay $0x4  }
0x1aa: {  	v3 =	vshrl.u32 v2, $0x10;
	v2 =	vand.u32 $0xFFFF, v2  }
0x1ab: {  	v2 =	vpsel p0, v3, v2  }
0x1ac: {  	[tilespmem:$0x6580] =	vst v2  }
0x1ad: {  	v2 =	vld [tilespmem:s11+$0x190];
	_ =	sdelay $0x4  }
0x1ae: {  	v3 =	vshrl.u32 v2, $0x10;
	v2 =	vand.u32 $0xFFFF, v2  }
0x1af: {  	v2 =	vpsel p0, v3, v2  }
0x1b0: {  	[tilespmem:$0x6590] =	vst v2  }
0x1b1: {  	v2 =	vld [tilespmem:s11+$0x1A0];
	_ =	sdelay $0x4  }
0x1b2: {  	v3 =	vshrl.u32 v2, $0x10;
	v2 =	vand.u32 $0xFFFF, v2  }
0x1b3: {  	v2 =	vpsel p0, v3, v2  }
0x1b4: {  	[tilespmem:$0x65A0] =	vst v2  }
0x1b5: {  	v2 =	vld [tilespmem:s11+$0x1B0];
	_ =	sdelay $0x4  }
0x1b6: {  	v3 =	vshrl.u32 v2, $0x10;
	v2 =	vand.u32 $0xFFFF, v2  }
0x1b7: {  	v2 =	vpsel p0, v3, v2  }
0x1b8: {  	[tilespmem:$0x65B0] =	vst v2  }
0x1b9: {  	v2 =	vld [tilespmem:s11+$0x1C0];
	_ =	sdelay $0x4  }
0x1ba: {  	v3 =	vshrl.u32 v2, $0x10;
	v2 =	vand.u32 $0xFFFF, v2  }
0x1bb: {  	v2 =	vpsel p0, v3, v2  }
0x1bc: {  	[tilespmem:$0x65C0] =	vst v2  }
0x1bd: {  	v2 =	vld [tilespmem:s11+$0x1D0];
	_ =	sdelay $0x4  }
0x1be: {  	v3 =	vshrl.u32 v2, $0x10;
	v2 =	vand.u32 $0xFFFF, v2  }
0x1bf: {  	v2 =	vpsel p0, v3, v2  }
0x1c0: {  	[tilespmem:$0x65D0] =	vst v2  }
0x1c1: {  	v2 =	vld [tilespmem:s11+$0x1D4];
	_ =	sdelay $0x4  }
0x1c2: {  	v3 =	vshrl.u32 v2, $0x10;
	v2 =	vand.u32 $0xFFFF, v2  }
0x1c3: {  	v2 =	vpsel p0, v3, v2  }
0x1c4: {  	[tilespmem:$0x65D4] =	vst v2  }
0x1c5: {  	[spmem:s1] =	stream.indirect.scatter.add.f32 [tilespmem:s7], [sflag:$0x4], $0x1, s29, s31, $0xb8;
	[tilespmem:$0x1BE80] =	vst v63  }
0x1c6: {  	_ =	swait.ge [sflag:s6], $0x64  }
0x1c7: {  	[sflag:s6] =	ssyncset.done $0x0  }
0x1c8: {  	[sflag:s6] =	ssyncadd.s32 $0xFFFFFF9C  }
0x1c9: {  	_ =	swait.ge [sflag:s4], $0x64  }
0x1ca: {  	[sflag:s4] =	ssyncset.done $0x0  }
0x1cb: {  	[sflag:s4] =	ssyncadd.s32 $0xFFFFFF9C  }
0x1cc: {  	_ =	swait.ge [sflag:s2], $0x64  }
0x1cd: {  	[sflag:s2] =	ssyncset.done $0x0  }
0x1ce: {  	[sflag:s2] =	ssyncadd.s32 $0xFFFFFF9C  }
0x1cf: {  	_ =	swait.ge [sflag:s5], $0x64  }
0x1d0: {  	[sflag:s5] =	ssyncset.done $0x0  }
0x1d1: {  	[sflag:s5] =	ssyncadd.s32 $0xFFFFFF9C  }
0x1d2: {  	s13 =	simm.s32 $0x7A80;
	[bflag:$0x0] =	sbarrier.arrive $0xFFFF  }
0x1d3: {  	[tilespmem:s13], [sflag:$0x5] =	stream.linear.gather [spmem:s15], $0x140, $0x38;
	[tilespmem:$0x1BE80] =	vst v63  }
0x1d4: {  	_ =	swait.ge [sflag:s30], $0x140  }
0x1d5: {  	[sflag:s30] =	ssyncset.done $0x0  }
0x1d6: {  	s11 =	simm.s32 $0x0;
	s15 =	rddreg [dreg:$0xa];
	[sflag:s30] =	ssyncadd.s32 $0xFFFFFEC0  }
0x1d7: {  	[hbm4b:s15+s11] =	stream.linear.scatter [tilespmem:s13], [sflag:$0x5], $0x140, $0x38;
	[tilespmem:$0x1BE80] =	vst v63  }
0x1d8: {  	_ =	swait.ge [sflag:s30], $0x140  }
0x1d9: {  	[sflag:s30] =	ssyncset.done $0x0  }
0x1da: {  	[sflag:s30] =	ssyncadd.s32 $0xFFFFFEC0  }
.LBB2_6:
0x1db: {  	[spmem:s10] =	stream.linear.scatter [tilespmem:s9], [sflag:$0x5], $0x1400, $0x38;
	[tilespmem:$0x1BE80] =	vst v63  }
0x1dc: {  	_ =	swait.ge [sflag:s30], $0x1400  }
0x1dd: {  	[sflag:s30] =	ssyncset.done $0x0  }
0x1de: {  	s12 =	rddreg [dreg:$0xd];
	[sflag:s30] =	ssyncadd.s32 $0xFFFFEC00  }
0x1df: {  	[spmem:s12] =	stream.linear.scatter [tilespmem:s9], [sflag:$0x5], $0x1400, $0x38;
	[tilespmem:$0x1BE80] =	vst v63  }
0x1e0: {  	_ =	swait.ge [sflag:s30], $0x1400  }
0x1e1: {  	[sflag:s30] =	ssyncset.done $0x0  }
0x1e2: {  	s15 =	rddreg [dreg:$0xe];
	[sflag:s30] =	ssyncadd.s32 $0xFFFFEC00  }
0x1e3: {  	[spmem:s15] =	stream.linear.scatter [tilespmem:s9], [sflag:$0x5], $0x1400, $0x38;
	[tilespmem:$0x1BE80] =	vst v63  }
0x1e4: {  	_ =	swait.ge [sflag:s30], $0x1400  }
0x1e5: {  	[sflag:s30] =	ssyncset.done $0x0  }
0x1e6: {  	s13 =	rddreg [dreg:$0xf];
	[sflag:s30] =	ssyncadd.s32 $0xFFFFEC00  }
0x1e7: {  	[spmem:s13] =	stream.linear.scatter [tilespmem:s9], [sflag:$0x5], $0x1400, $0x38;
	[tilespmem:$0x1BE80] =	vst v63  }
0x1e8: {  	_ =	swait.ge [sflag:s30], $0x1400  }
0x1e9: {  	[sflag:s30] =	ssyncset.done $0x0  }
0x1ea: {  	s14 =	rddreg [dreg:$0x10];
	[sflag:s30] =	ssyncadd.s32 $0xFFFFEC00  }
0x1eb: {  	[spmem:s14] =	stream.linear.scatter [tilespmem:s9], [sflag:$0x5], $0x1400, $0x38;
	[tilespmem:$0x1BE80] =	vst v63  }
0x1ec: {  	_ =	swait.ge [sflag:s30], $0x1400  }
0x1ed: {  	[sflag:s30] =	ssyncset.done $0x0  }
0x1ee: {  	[sflag:s30] =	ssyncadd.s32 $0xFFFFEC00  }
0x1ef: {  	[spmem:s16] =	stream.linear.scatter [tilespmem:s9], [sflag:$0x5], $0x1400, $0x38;
	[tilespmem:$0x1BE80] =	vst v63  }
0x1f0: {  	_ =	swait.ge [sflag:s30], $0x1400  }
0x1f1: {  	[sflag:s30] =	ssyncset.done $0x0  }
0x1f2: {  	[sflag:s30] =	ssyncadd.s32 $0xFFFFEC00  }
0x1f3: {  	[spmem:s17] =	stream.linear.scatter [tilespmem:s9], [sflag:$0x5], $0x1400, $0x38;
	[tilespmem:$0x1BE80] =	vst v63  }
0x1f4: {  	_ =	swait.ge [sflag:s30], $0x1400  }
0x1f5: {  	[sflag:s30] =	ssyncset.done $0x0  }
0x1f6: {  	[sflag:s30] =	ssyncadd.s32 $0xFFFFEC00  }
0x1f7: {  	[spmem:s18] =	stream.linear.scatter [tilespmem:s9], [sflag:$0x5], $0x1400, $0x38;
	[tilespmem:$0x1BE80] =	vst v63  }
0x1f8: {  	_ =	swait.ge [sflag:s30], $0x1400  }
0x1f9: {  	[sflag:s30] =	ssyncset.done $0x0  }
0x1fa: {  	[sflag:s30] =	ssyncadd.s32 $0xFFFFEC00  }
0x1fb: {  	[spmem:s19] =	stream.linear.scatter [tilespmem:s9], [sflag:$0x5], $0x1400, $0x38;
	[tilespmem:$0x1BE80] =	vst v63  }
0x1fc: {  	_ =	swait.ge [sflag:s30], $0x1400  }
0x1fd: {  	[sflag:s30] =	ssyncset.done $0x0  }
0x1fe: {  	[sflag:s30] =	ssyncadd.s32 $0xFFFFEC00  }
0x1ff: {  	[spmem:s20] =	stream.linear.scatter [tilespmem:s9], [sflag:$0x5], $0x1400, $0x38;
	[tilespmem:$0x1BE80] =	vst v63  }
0x200: {  	_ =	swait.ge [sflag:s30], $0x1400  }
0x201: {  	[sflag:s30] =	ssyncset.done $0x0  }
0x202: {  	[sflag:s30] =	ssyncadd.s32 $0xFFFFEC00  }
0x203: {  	[spmem:s21] =	stream.linear.scatter [tilespmem:s9], [sflag:$0x5], $0x1400, $0x38;
	[tilespmem:$0x1BE80] =	vst v63  }
0x204: {  	_ =	swait.ge [sflag:s30], $0x1400  }
0x205: {  	[sflag:s30] =	ssyncset.done $0x0  }
0x206: {  	[sflag:s30] =	ssyncadd.s32 $0xFFFFEC00  }
0x207: {  	[spmem:s22] =	stream.linear.scatter [tilespmem:s9], [sflag:$0x5], $0x1400, $0x38;
	[tilespmem:$0x1BE80] =	vst v63  }
0x208: {  	_ =	swait.ge [sflag:s30], $0x1400  }
0x209: {  	[sflag:s30] =	ssyncset.done $0x0  }
0x20a: {  	[sflag:s30] =	ssyncadd.s32 $0xFFFFEC00  }
0x20b: {  	[spmem:s23] =	stream.linear.scatter [tilespmem:s9], [sflag:$0x5], $0x1400, $0x38;
	[tilespmem:$0x1BE80] =	vst v63  }
0x20c: {  	_ =	swait.ge [sflag:s30], $0x1400  }
0x20d: {  	[sflag:s30] =	ssyncset.done $0x0  }
0x20e: {  	[sflag:s30] =	ssyncadd.s32 $0xFFFFEC00  }
0x20f: {  	[spmem:s24] =	stream.linear.scatter [tilespmem:s9], [sflag:$0x5], $0x1400, $0x38;
	[tilespmem:$0x1BE80] =	vst v63  }
0x210: {  	_ =	swait.ge [sflag:s30], $0x1400  }
0x211: {  	[sflag:s30] =	ssyncset.done $0x0  }
0x212: {  	[sflag:s30] =	ssyncadd.s32 $0xFFFFEC00  }
0x213: {  	[spmem:s26] =	stream.linear.scatter [tilespmem:s9], [sflag:$0x5], $0x1400, $0x38;
	[tilespmem:$0x1BE80] =	vst v63  }
0x214: {  	_ =	swait.ge [sflag:s30], $0x1400  }
0x215: {  	[sflag:s30] =	ssyncset.done $0x0  }
0x216: {  	[sflag:s30] =	ssyncadd.s32 $0xFFFFEC00  }
0x217: {  	[spmem:s28] =	stream.linear.scatter [tilespmem:s9], [sflag:$0x5], $0x1400, $0x38;
	[tilespmem:$0x1BE80] =	vst v63  }
0x218: {  	_ =	swait.ge [sflag:s30], $0x1400  }
0x219: {  	s15 =	sshll.u32 s11, $0x8;
	[sflag:s30] =	ssyncset.done $0x0;
	s13 =	rddreg [dreg:$0xb]  }
0x21a: {  	s12 =	sadd.s32 s13, s15;
	[sflag:s30] =	ssyncadd.s32 $0xFFFFEC00  }
0x21b: {  	s13 =	simm.s32 $0x0;
	[bflag:$0x0] =	sbarrier.arrive $0xFFFF;
	v2 =	vmov s12  }
.LBB2_7:
0x21c: {  	p1 =	seq.s32 s13, $0x0  }
0x21d: {  	s14 =	simm.s32 @!p1 $0x1  }
0x21e: {  	_ =	swait.ge @!p1 [sflag:s14], $0x64  }
0x21f: {  	[sflag:s14] =	ssyncset.done @!p1 $0x0  }
0x220: {  	[sflag:s14] =	ssyncadd.s32 @!p1 $0xFFFFFF9C;
	s14 =	sshra.s32 s13, $0x2  }
0x221: {  	v3 =	vld [tilespmem:s14+$0x0];
	_ =	sdelay $0x4  }
0x222: {  	v4 =	vshrl.u32 v3, $0x10  }
0x223: {  	v4 =	vsub.s32 v4, v2  }
0x224: {  	v4 =	vmin.u32 v4, $0x100  }
0x225: {  	v4 =	vmul.u32 $0x1400, v4  }
0x226: {  	v3 =	vand.u32 $0xFFFF, v3  }
0x227: {  	v3 =	vadd.s32 v3, v4  }
0x228: {  	[tilespmem:$0x6400] =	vst v3  }
0x229: {  	v3 =	vld [tilespmem:s14+$0x10];
	_ =	sdelay $0x4  }
0x22a: {  	v37 =	vshrl.u32 v3, $0x10  }
0x22b: {  	v4 =	vsub.s32 v37, v2  }
0x22c: {  	v4 =	vmin.u32 v4, $0x100  }
0x22d: {  	v4 =	vmul.u32 $0x1400, v4  }
0x22e: {  	v3 =	vand.u32 $0xFFFF, v3  }
0x22f: {  	v3 =	vadd.s32 v3, v4  }
0x230: {  	[tilespmem:$0x6410] =	vst v3  }
0x231: {  	v3 =	vld [tilespmem:s14+$0x20];
	_ =	sdelay $0x4  }
0x232: {  	v38 =	vshrl.u32 v3, $0x10  }
0x233: {  	v4 =	vsub.s32 v38, v2  }
0x234: {  	v4 =	vmin.u32 v4, $0x100  }
0x235: {  	v4 =	vmul.u32 $0x1400, v4  }
0x236: {  	v3 =	vand.u32 $0xFFFF, v3  }
0x237: {  	v3 =	vadd.s32 v3, v4  }
0x238: {  	[tilespmem:$0x6420] =	vst v3  }
0x239: {  	v3 =	vld [tilespmem:s14+$0x30];
	_ =	sdelay $0x4  }
0x23a: {  	v39 =	vshrl.u32 v3, $0x10  }
0x23b: {  	v4 =	vsub.s32 v39, v2  }
0x23c: {  	v4 =	vmin.u32 v4, $0x100  }
0x23d: {  	v4 =	vmul.u32 $0x1400, v4  }
0x23e: {  	v3 =	vand.u32 $0xFFFF, v3  }
0x23f: {  	v3 =	vadd.s32 v3, v4  }
0x240: {  	[tilespmem:$0x6430] =	vst v3  }
0x241: {  	v3 =	vld [tilespmem:s14+$0x40];
	_ =	sdelay $0x4  }
0x242: {  	v40 =	vshrl.u32 v3, $0x10  }
0x243: {  	v4 =	vsub.s32 v40, v2  }
0x244: {  	v4 =	vmin.u32 v4, $0x100  }
0x245: {  	v4 =	vmul.u32 $0x1400, v4  }
0x246: {  	v3 =	vand.u32 $0xFFFF, v3  }
0x247: {  	v3 =	vadd.s32 v3, v4  }
0x248: {  	[tilespmem:$0x6440] =	vst v3  }
0x249: {  	v3 =	vld [tilespmem:s14+$0x50];
	_ =	sdelay $0x4  }
0x24a: {  	v41 =	vshrl.u32 v3, $0x10  }
0x24b: {  	v4 =	vsub.s32 v41, v2  }
0x24c: {  	v4 =	vmin.u32 v4, $0x100  }
0x24d: {  	v4 =	vmul.u32 $0x1400, v4  }
0x24e: {  	v3 =	vand.u32 $0xFFFF, v3  }
0x24f: {  	v3 =	vadd.s32 v3, v4  }
0x250: {  	[tilespmem:$0x6450] =	vst v3  }
0x251: {  	v3 =	vld [tilespmem:s14+$0x54];
	_ =	sdelay $0x4  }
0x252: {  	v42 =	vshrl.u32 v3, $0x10  }
0x253: {  	v4 =	vsub.s32 v42, v2  }
0x254: {  	v4 =	vmin.u32 v4, $0x100  }
0x255: {  	v4 =	vmul.u32 $0x1400, v4  }
0x256: {  	v3 =	vand.u32 $0xFFFF, v3  }
0x257: {  	v3 =	vadd.s32 v3, v4  }
0x258: {  	s15 =	simm.s32 @!p1 $0x2;
	[tilespmem:$0x6454] =	vst v3  }
0x259: {  	[spmem:s3] =	stream.indirect.scatter.add.f32 [tilespmem:s7], [sflag:$0x1], $0x1, s0, s31, $0xb8;
	[tilespmem:$0x1BE80] =	vst v63  }
0x25a: {  	_ =	swait.ge @!p1 [sflag:s15], $0x64  }
0x25b: {  	[sflag:s15] =	ssyncset.done @!p1 $0x0  }
0x25c: {  	[sflag:s15] =	ssyncadd.s32 @!p1 $0xFFFFFF9C  }
0x25d: {  	v3 =	vld [tilespmem:s14+$0x80];
	_ =	sdelay $0x4  }
0x25e: {  	v43 =	vshrl.u32 v3, $0x10  }
0x25f: {  	v4 =	vsub.s32 v43, v2  }
0x260: {  	v4 =	vmin.u32 v4, $0x100  }
0x261: {  	v4 =	vmul.u32 $0x1400, v4  }
0x262: {  	v3 =	vand.u32 $0xFFFF, v3  }
0x263: {  	v3 =	vadd.s32 v3, v4  }
0x264: {  	[tilespmem:$0x6480] =	vst v3  }
0x265: {  	v3 =	vld [tilespmem:s14+$0x90];
	_ =	sdelay $0x4  }
0x266: {  	v44 =	vshrl.u32 v3, $0x10  }
0x267: {  	v4 =	vsub.s32 v44, v2  }
0x268: {  	v4 =	vmin.u32 v4, $0x100  }
0x269: {  	v4 =	vmul.u32 $0x1400, v4  }
0x26a: {  	v3 =	vand.u32 $0xFFFF, v3  }
0x26b: {  	v3 =	vadd.s32 v3, v4  }
0x26c: {  	[tilespmem:$0x6490] =	vst v3  }
0x26d: {  	v3 =	vld [tilespmem:s14+$0xA0];
	_ =	sdelay $0x4  }
0x26e: {  	v45 =	vshrl.u32 v3, $0x10  }
0x26f: {  	v4 =	vsub.s32 v45, v2  }
0x270: {  	v4 =	vmin.u32 v4, $0x100  }
0x271: {  	v4 =	vmul.u32 $0x1400, v4  }
0x272: {  	v3 =	vand.u32 $0xFFFF, v3  }
0x273: {  	v3 =	vadd.s32 v3, v4  }
0x274: {  	[tilespmem:$0x64A0] =	vst v3  }
0x275: {  	v3 =	vld [tilespmem:s14+$0xB0];
	_ =	sdelay $0x4  }
0x276: {  	v46 =	vshrl.u32 v3, $0x10  }
0x277: {  	v4 =	vsub.s32 v46, v2  }
0x278: {  	v4 =	vmin.u32 v4, $0x100  }
0x279: {  	v4 =	vmul.u32 $0x1400, v4  }
0x27a: {  	v3 =	vand.u32 $0xFFFF, v3  }
0x27b: {  	v3 =	vadd.s32 v3, v4  }
0x27c: {  	[tilespmem:$0x64B0] =	vst v3  }
0x27d: {  	v3 =	vld [tilespmem:s14+$0xC0];
	_ =	sdelay $0x4  }
0x27e: {  	v47 =	vshrl.u32 v3, $0x10  }
0x27f: {  	v4 =	vsub.s32 v47, v2  }
0x280: {  	v4 =	vmin.u32 v4, $0x100  }
0x281: {  	v4 =	vmul.u32 $0x1400, v4  }
0x282: {  	v3 =	vand.u32 $0xFFFF, v3  }
0x283: {  	v3 =	vadd.s32 v3, v4  }
0x284: {  	[tilespmem:$0x64C0] =	vst v3  }
0x285: {  	v3 =	vld [tilespmem:s14+$0xD0];
	_ =	sdelay $0x4  }
0x286: {  	v48 =	vshrl.u32 v3, $0x10  }
0x287: {  	v4 =	vsub.s32 v48, v2  }
0x288: {  	v4 =	vmin.u32 v4, $0x100  }
0x289: {  	v4 =	vmul.u32 $0x1400, v4  }
0x28a: {  	v3 =	vand.u32 $0xFFFF, v3  }
0x28b: {  	v3 =	vadd.s32 v3, v4  }
0x28c: {  	[tilespmem:$0x64D0] =	vst v3  }
0x28d: {  	v3 =	vld [tilespmem:s14+$0xD4];
	_ =	sdelay $0x4  }
0x28e: {  	v49 =	vshrl.u32 v3, $0x10  }
0x28f: {  	v4 =	vsub.s32 v49, v2  }
0x290: {  	v4 =	vmin.u32 v4, $0x100  }
0x291: {  	v4 =	vmul.u32 $0x1400, v4  }
0x292: {  	v3 =	vand.u32 $0xFFFF, v3  }
0x293: {  	v3 =	vadd.s32 v3, v4  }
0x294: {  	s15 =	simm.s32 @!p1 $0x3;
	[tilespmem:$0x64D4] =	vst v3  }
0x295: {  	[spmem:s3] =	stream.indirect.scatter.add.f32 [tilespmem:s7], [sflag:$0x2], $0x1, s8, s31, $0xb8;
	[tilespmem:$0x1BE80] =	vst v63  }
0x296: {  	_ =	swait.ge @!p1 [sflag:s15], $0x64  }
0x297: {  	[sflag:s15] =	ssyncset.done @!p1 $0x0  }
0x298: {  	[sflag:s15] =	ssyncadd.s32 @!p1 $0xFFFFFF9C  }
0x299: {  	v3 =	vld [tilespmem:s14+$0x100];
	_ =	sdelay $0x4  }
0x29a: {  	v50 =	vshrl.u32 v3, $0x10  }
0x29b: {  	v4 =	vsub.s32 v50, v2  }
0x29c: {  	v4 =	vmin.u32 v4, $0x100  }
0x29d: {  	v4 =	vmul.u32 $0x1400, v4  }
0x29e: {  	v3 =	vand.u32 $0xFFFF, v3  }
0x29f: {  	v3 =	vadd.s32 v3, v4  }
0x2a0: {  	[tilespmem:$0x6500] =	vst v3  }
0x2a1: {  	v3 =	vld [tilespmem:s14+$0x110];
	_ =	sdelay $0x4  }
0x2a2: {  	v51 =	vshrl.u32 v3, $0x10  }
0x2a3: {  	v4 =	vsub.s32 v51, v2  }
0x2a4: {  	v4 =	vmin.u32 v4, $0x100  }
0x2a5: {  	v4 =	vmul.u32 $0x1400, v4  }
0x2a6: {  	v3 =	vand.u32 $0xFFFF, v3  }
0x2a7: {  	v3 =	vadd.s32 v3, v4  }
0x2a8: {  	[tilespmem:$0x6510] =	vst v3  }
0x2a9: {  	v3 =	vld [tilespmem:s14+$0x120];
	_ =	sdelay $0x4  }
0x2aa: {  	v52 =	vshrl.u32 v3, $0x10  }
0x2ab: {  	v4 =	vsub.s32 v52, v2  }
0x2ac: {  	v4 =	vmin.u32 v4, $0x100  }
0x2ad: {  	v4 =	vmul.u32 $0x1400, v4  }
0x2ae: {  	v3 =	vand.u32 $0xFFFF, v3  }
0x2af: {  	v3 =	vadd.s32 v3, v4  }
0x2b0: {  	[tilespmem:$0x6520] =	vst v3  }
0x2b1: {  	v3 =	vld [tilespmem:s14+$0x130];
	_ =	sdelay $0x4  }
0x2b2: {  	v53 =	vshrl.u32 v3, $0x10  }
0x2b3: {  	v4 =	vsub.s32 v53, v2  }
0x2b4: {  	v4 =	vmin.u32 v4, $0x100  }
0x2b5: {  	v4 =	vmul.u32 $0x1400, v4  }
0x2b6: {  	v3 =	vand.u32 $0xFFFF, v3  }
0x2b7: {  	v3 =	vadd.s32 v3, v4  }
0x2b8: {  	[tilespmem:$0x6530] =	vst v3  }
0x2b9: {  	v3 =	vld [tilespmem:s14+$0x140];
	_ =	sdelay $0x4  }
0x2ba: {  	v54 =	vshrl.u32 v3, $0x10  }
0x2bb: {  	v4 =	vsub.s32 v54, v2  }
0x2bc: {  	v4 =	vmin.u32 v4, $0x100  }
0x2bd: {  	v4 =	vmul.u32 $0x1400, v4  }
0x2be: {  	v3 =	vand.u32 $0xFFFF, v3  }
0x2bf: {  	v3 =	vadd.s32 v3, v4  }
0x2c0: {  	[tilespmem:$0x6540] =	vst v3  }
0x2c1: {  	v3 =	vld [tilespmem:s14+$0x150];
	_ =	sdelay $0x4  }
0x2c2: {  	v55 =	vshrl.u32 v3, $0x10  }
0x2c3: {  	v4 =	vsub.s32 v55, v2  }
0x2c4: {  	v4 =	vmin.u32 v4, $0x100  }
0x2c5: {  	v4 =	vmul.u32 $0x1400, v4  }
0x2c6: {  	v3 =	vand.u32 $0xFFFF, v3  }
0x2c7: {  	v3 =	vadd.s32 v3, v4  }
0x2c8: {  	[tilespmem:$0x6550] =	vst v3  }
0x2c9: {  	v3 =	vld [tilespmem:s14+$0x154];
	_ =	sdelay $0x4  }
0x2ca: {  	v56 =	vshrl.u32 v3, $0x10  }
0x2cb: {  	v4 =	vsub.s32 v56, v2  }
0x2cc: {  	v4 =	vmin.u32 v4, $0x100  }
0x2cd: {  	v4 =	vmul.u32 $0x1400, v4  }
0x2ce: {  	v3 =	vand.u32 $0xFFFF, v3  }
0x2cf: {  	v3 =	vadd.s32 v3, v4  }
0x2d0: {  	s15 =	simm.s32 @!p1 $0x4;
	[tilespmem:$0x6554] =	vst v3  }
0x2d1: {  	[spmem:s3] =	stream.indirect.scatter.add.f32 [tilespmem:s7], [sflag:$0x3], $0x1, s25, s31, $0xb8;
	[tilespmem:$0x1BE80] =	vst v63  }
0x2d2: {  	_ =	swait.ge @!p1 [sflag:s15], $0x64  }
0x2d3: {  	[sflag:s15] =	ssyncset.done @!p1 $0x0  }
0x2d4: {  	[sflag:s15] =	ssyncadd.s32 @!p1 $0xFFFFFF9C  }
0x2d5: {  	v3 =	vld [tilespmem:s14+$0x180];
	_ =	sdelay $0x4  }
0x2d6: {  	v57 =	vshrl.u32 v3, $0x10  }
0x2d7: {  	v4 =	vsub.s32 v57, v2  }
0x2d8: {  	v4 =	vmin.u32 v4, $0x100  }
0x2d9: {  	v4 =	vmul.u32 $0x1400, v4  }
0x2da: {  	v3 =	vand.u32 $0xFFFF, v3  }
0x2db: {  	v3 =	vadd.s32 v3, v4  }
0x2dc: {  	[tilespmem:$0x6580] =	vst v3  }
0x2dd: {  	v3 =	vld [tilespmem:s14+$0x190];
	_ =	sdelay $0x4  }
0x2de: {  	v58 =	vshrl.u32 v3, $0x10  }
0x2df: {  	v4 =	vsub.s32 v58, v2  }
0x2e0: {  	v4 =	vmin.u32 v4, $0x100  }
0x2e1: {  	v4 =	vmul.u32 $0x1400, v4  }
0x2e2: {  	v3 =	vand.u32 $0xFFFF, v3  }
0x2e3: {  	v3 =	vadd.s32 v3, v4  }
0x2e4: {  	[tilespmem:$0x6590] =	vst v3  }
0x2e5: {  	v3 =	vld [tilespmem:s14+$0x1A0];
	_ =	sdelay $0x4  }
0x2e6: {  	v59 =	vshrl.u32 v3, $0x10  }
0x2e7: {  	v4 =	vsub.s32 v59, v2  }
0x2e8: {  	v4 =	vmin.u32 v4, $0x100  }
0x2e9: {  	v4 =	vmul.u32 $0x1400, v4  }
0x2ea: {  	v3 =	vand.u32 $0xFFFF, v3  }
0x2eb: {  	v3 =	vadd.s32 v3, v4  }
0x2ec: {  	[tilespmem:$0x65A0] =	vst v3  }
0x2ed: {  	v3 =	vld [tilespmem:s14+$0x1B0];
	_ =	sdelay $0x4  }
0x2ee: {  	v60 =	vshrl.u32 v3, $0x10  }
0x2ef: {  	v4 =	vsub.s32 v60, v2  }
0x2f0: {  	v4 =	vmin.u32 v4, $0x100  }
0x2f1: {  	v4 =	vmul.u32 $0x1400, v4  }
0x2f2: {  	v3 =	vand.u32 $0xFFFF, v3  }
0x2f3: {  	v3 =	vadd.s32 v3, v4  }
0x2f4: {  	[tilespmem:$0x65B0] =	vst v3  }
0x2f5: {  	v3 =	vld [tilespmem:s14+$0x1C0];
	_ =	sdelay $0x4  }
0x2f6: {  	v61 =	vshrl.u32 v3, $0x10  }
0x2f7: {  	v4 =	vsub.s32 v61, v2  }
0x2f8: {  	v4 =	vmin.u32 v4, $0x100  }
0x2f9: {  	v4 =	vmul.u32 $0x1400, v4  }
0x2fa: {  	v3 =	vand.u32 $0xFFFF, v3  }
0x2fb: {  	v3 =	vadd.s32 v3, v4  }
0x2fc: {  	[tilespmem:$0x65C0] =	vst v3  }
0x2fd: {  	v3 =	vld [tilespmem:s14+$0x1D0];
	_ =	sdelay $0x4  }
0x2fe: {  	v62 =	vshrl.u32 v3, $0x10  }
0x2ff: {  	v4 =	vsub.s32 v62, v2  }
0x300: {  	v4 =	vmin.u32 v4, $0x100  }
0x301: {  	v4 =	vmul.u32 $0x1400, v4  }
0x302: {  	v3 =	vand.u32 $0xFFFF, v3  }
0x303: {  	v3 =	vadd.s32 v3, v4  }
0x304: {  	[tilespmem:$0x65D0] =	vst v3  }
0x305: {  	v3 =	vld [tilespmem:s14+$0x1D4];
	_ =	sdelay $0x4  }
0x306: {  	v63 =	vshrl.u32 v3, $0x10  }
0x307: {  	s13 =	sadd.s32 $0x800, s13;
	v4 =	vsub.s32 v63, v2  }
0x308: {  	p1 =	sne.s32 s13, $0x19000;
	v4 =	vmin.u32 v4, $0x100  }
.Ltmp2:
0x309: {  	v4 =	vmul.u32 $0x1400, v4;
	(pc) =	sbr.rel @p1 .LBB2_7-.Ltmp2, $4  }
0x30a: {  	v3 =	vand.u32 $0xFFFF, v3  }
0x30b: {  	v3 =	vadd.s32 v3, v4  }
0x30c: {  	[tilespmem:$0x65D4] =	vst v3  }
0x30d: {  	[spmem:s3] =	stream.indirect.scatter.add.f32 [tilespmem:s7], [sflag:$0x4], $0x1, s29, s31, $0xb8;
	[tilespmem:$0x1BE80] =	vst v63  }
0x30e: {  	_ =	swait.ge [sflag:s6], $0x64  }
0x30f: {  	[sflag:s6] =	ssyncset.done $0x0  }
0x310: {  	[sflag:s6] =	ssyncadd.s32 $0xFFFFFF9C  }
0x311: {  	_ =	swait.ge [sflag:s4], $0x64  }
0x312: {  	[sflag:s4] =	ssyncset.done $0x0  }
0x313: {  	[sflag:s4] =	ssyncadd.s32 $0xFFFFFF9C  }
0x314: {  	_ =	swait.ge [sflag:s2], $0x64  }
0x315: {  	[sflag:s2] =	ssyncset.done $0x0  }
0x316: {  	[sflag:s2] =	ssyncadd.s32 $0xFFFFFF9C  }
0x317: {  	_ =	swait.ge [sflag:s5], $0x64  }
0x318: {  	[sflag:s5] =	ssyncset.done $0x0;
	s13 =	rddreg [dreg:$0xc]  }
0x319: {  	s14 =	stileid.u32;
	s12 =	sor.u32 s13, s12;
	[sflag:s5] =	ssyncadd.s32 $0xFFFFFF9C  }
0x31a: {  	s15 =	sshrl.u32 s10, $0x3;
	s12 =	smul.u32 $0x280, s12;
	[bflag:$0x0] =	sbarrier.arrive $0xFFFF  }
0x31b: {  	s11 =	sadd.s32 $0x1, s11;
	s13 =	sshll.u32 s14, $0x6;
	s14 =	rddreg [dreg:$0x7]  }
0x31c: {  	p1 =	sne.s32 s11, $0xA;
	s13 =	sor.u32 $0x1C05, s13;
	s12 =	sadd.s32 s14, s12  }
0x31d: {  	[hbm:s12], [sflag:s13] =	dma.local [spmem:s15], $0x2800  }
.Ltmp3:
0x31e: {  	_ =	swait.ge [sflag:s30], $0x2800;
	(pc) =	sbr.rel @p1 .LBB2_6-.Ltmp3, $3  }
0x31f: {  	[sflag:s30] =	ssyncset.done $0x0  }
0x320: {  	[sflag:s30] =	ssyncadd.s32 $0xFFFFD800  }
0x321: {  	[bflag:$0x0] =	sbarrier.arrive $0xFFFF;
	_ =	sdelay $0x1  }
0x322: {  	s12 =	rddreg [dreg:$0x6]  }
0x323: {  	s11 =	rddreg [dreg:$0x11];
	s12 =	sadd.s32 $0x1, s12  }
0x324: {  	p1 =	sne.s32 s12, s11  }
.Ltmp4:
0x325: {  	_ = 	snop;
	(pc) =	sbr.rel @p1 .LBB2_1-.Ltmp4, $2  }
0x326: {  	_ =	sdelay $0x2  }
0x327: {  	s15 =	rddreg [dreg:$0x8]  }
0x328: {  	_ =	sfence.sel $0x180000  }
0x329: {  	[bflag:$0x0] =	sbarrier.arrive $0xFFFF  }
0x32a: {  	_ =	strace $0x90000047  }
0x32b: {  	s0 =	stileid.u32;
	[bflag:$0x2] =	sbarrier.arrive $0xFFFF  }
0x32c: {  	p0 =	sne.s32 s0, $0x0;
	s0 =	rddreg [dreg:$0x5]  }
0x32d: {  	s0 =	sadd.s32 @!p0 $0x100000, s0  }
0x32e: {  	[sflag:s0] =	ssyncadd.tile.s32 @!p0 $0x1;
	_ =	shalt  }
.Lfunc_end2:
_tile_overlayer_lowered:
.L_overlay_start_2:
0x32f: {  	(tag) =	ssettag $0x2  }
0x330: {  	s0 =	rddreg [dreg:$0x0];
	s2 =	stileid.u32  }
0x331: {  	s1 =	rddreg [dreg:$0x1];
	p0 =	sne.s32 s2, $0x0  }
0x332: {  	s3 =	rddreg [dreg:$0x2];
	[bflag:$0x3] =	sbarrier.arrive $0xFFFF;
	s2 =	simm.s32 @!p0 $0x1C05  }
0x333: {  	[timem:s3], [sflag:s2] =	dma.local @!p0 [hbm:s0], s1  }
0x334: {  	s0 =	simm.s32 @!p0 $0x5  }
0x335: {  	_ =	swait.ge @!p0 [sflag:s0], s1  }
0x336: {  	s1 =	ssub.s32 @!p0 $0x0, s1;
	[sflag:s0] =	ssyncset.done @!p0 $0x0  }
0x337: {  	[sflag:s0] =	ssyncadd.s32 @!p0 s1  }
0x338: {  	[bflag:$0x3] =	sbarrier.arrive $0xFFFF  }
0x339: {  	_ =	shalt  }

</sc_bundles>
